<compile_context>
chip_gen: v7x
topology: tpu7x:2x2x1
jax: 0.10.2.dev20260603
libtpu: 0.0.44.dev20260713+nightly
codegen_flags: <defaults>
</compile_context>

<pallas_src>
import functools

import jax
import jax.numpy as jnp
from jax import lax
from jax.experimental import pallas as pl
from jax.experimental.pallas import tpu as pltpu
from jax.experimental.pallas import tpu_sc as plsc

_NC = 2
_NS = 16
_NW = _NC * _NS

_LANE = 128
_SUB = 8
_G = _LANE * _SUB
_NBUF = 3

_TBLK = 65536


@functools.cache
def _build_repack(V, D):
  assert D == 32
  n_grp = _TBLK // 512
  vpad = ((V + 511) // 512) * 512

  def body(x_ref, o_ref):
    x = x_ref[...]
    for q in range(n_grp):
      xq = x[:, q * 512:(q + 1) * 512]
      stacked = jnp.concatenate(
          [xq[:, c * 128:(c + 1) * 128] for c in range(4)], axis=0)
      o_ref[q * 128:(q + 1) * 128, :] = stacked.T

  grid = (V + _TBLK - 1) // _TBLK
  return pl.pallas_call(
      body,
      grid=(grid,),
      in_specs=[pl.BlockSpec((D, _TBLK), lambda i: (0, i))],
      out_specs=pl.BlockSpec((_TBLK // 4, 128), lambda i: (i, 0)),
      out_shape=jax.ShapeDtypeStruct((vpad // 4, 128), jnp.float32),
  )


@functools.cache
def _build_gather(B, D, VS):
  assert B % (_NW * _G) == 0
  n_steps = B // (_NW * _G)
  n_chunks = B // (_NW * _LANE)
  b_per_w = B // _NW

  mesh = plsc.VectorSubcoreMesh(core_axis_name="c", subcore_axis_name="s")

  @functools.partial(
      pl.kernel,
      mesh=mesh,
      out_type=jax.ShapeDtypeStruct((B, D), jnp.float32),
      scratch_types=[
          pltpu.VMEM((n_chunks, _LANE), jnp.int32),
          pltpu.VMEM((_NBUF, _G, D), jnp.float32),
          pltpu.SemaphoreType.DMA((_NBUF,)),
      ],
      compiler_params=pltpu.CompilerParams(use_tc_tiling_on_sc=False),
  )
  def gather_kernel(idx_hbm, table_hbm, out_hbm, idx_v, rows_v, gsems):
    wid = lax.axis_index("s") * _NC + lax.axis_index("c")
    base = wid * b_per_w
    pltpu.sync_copy(idx_hbm.at[wid], idx_v)

    def remap(c, carry):
      for q in range(_LANE // 16):
        v = idx_v[c, pl.ds(q * 16, 16)]
        g = ((v & jnp.int32(~511)) | ((v & jnp.int32(127)) << 2)
             | ((v >> 7) & jnp.int32(3)))
        idx_v[c, pl.ds(q * 16, 16)] = g
      return carry

    lax.fori_loop(0, n_chunks, remap, 0)

    def issue(g, b):
      for j in range(_SUB):
        pltpu.async_copy(
            table_hbm.at[idx_v.at[g * _SUB + j]],
            rows_v.at[b, pl.ds(j * _LANE, _LANE)],
            gsems.at[b],
        )

    for b in range(_NBUF):
      issue(b, b)

    def step(g, carry):
      b = lax.rem(g, _NBUF)
      pltpu.make_async_copy(
          table_hbm.at[pl.ds(0, _G)], rows_v.at[b], gsems.at[b]).wait()
      pltpu.sync_copy(rows_v.at[b], out_hbm.at[pl.ds(base + g * _G, _G)])

      @pl.when(g + _NBUF < n_steps)
      def _():
        issue(g + _NBUF, b)

      return carry

    lax.fori_loop(0, n_steps, step, 0)

  return gather_kernel


def kernel(inputs, table):
  bt, s, n = inputs.shape
  b = bt * s * n
  v, d = table.shape
  idx = inputs.reshape(_NW, b // (_NW * _LANE), _LANE).astype(jnp.int32)
  packed = _build_repack(v, d)(table.T)
  vs = packed.shape[0] * packed.shape[1] // d
  table_lin = packed.reshape(vs, d)
  out = _build_gather(b, d, vs)(idx, table_lin)
  return out.reshape(bt, s, n, d)

# --- scband reference (transcript-rebuilt; emitter-appended) ---
"""Pipeline reference for scband-all2-all-dense-embedding-28080496181534 (READ-ONLY COPY).

The authoritative reference and input builder live on the scoring server;
editing this copy changes nothing except your own understanding.
"""

import jax, jax.numpy as jnp
import numpy as np

MAX_VOCAB = 1000000
EMB_DIM = 32
SLOT_NUM = 26
NNZ_PER_SLOT = 1
BATCH = 16384


def setup_inputs(seed: int = 0) -> dict:
    key = jax.random.key(seed)
    k_idx, k_tab = jax.random.split(key)
    inputs = jax.random.randint(k_idx, (BATCH, SLOT_NUM, NNZ_PER_SLOT), 0, MAX_VOCAB, dtype=jnp.int64 if jax.config.read('jax_enable_x64') else jnp.int32)
    table = jax.random.normal(k_tab, (MAX_VOCAB, EMB_DIM), dtype=jnp.float32) * 0.01
    return {"inputs": inputs, "table": table}


def reference(inputs, table):
    # All2AllDenseEmbedding fprop: dense gather from the embedding table.
    # Each (batch, slot, nnz) index looks up one embedding vector.
    # Output: [batch, slot_num, nnz_per_slot, embedding_vec_size]
    emb_vector = jnp.take(table, inputs, axis=0)
    return emb_vector

if __name__ == "__main__":
    import jax
    _d = setup_inputs()
    print(jax.jit(kernel)(*tuple(_d.values())))

</pallas_src>

<mosaic_0001>
#map = affine_map<(d0, d1) -> (0, 0, 0)>
#map1 = affine_map<(d0, d1) -> (0, 0)>
module attributes {stable_mosaic.version = 14 : i64} {
  func.func @gather_kernel(%arg0: i32, %arg1: i32, %arg2: memref<32x104x128xi32, #tpu.memory_space<hbm>>, %arg3: memref<1000448x32xf32, #tpu.memory_space<hbm>>, %arg4: memref<425984x32xf32, #tpu.memory_space<hbm>>, %arg5: memref<104x128xi32, #tpu.memory_space<vmem>>, %arg6: memref<3x1024x32xf32, #tpu.memory_space<vmem>>, %arg7: memref<3x!tpu.dma_semaphore, #tpu.memory_space<semaphore_mem>>) attributes {dimension_semantics = [#tpu.dimension_semantics<core_parallel>, #tpu.dimension_semantics<subcore_parallel>], iteration_bounds = array<i64: 2, 16>, scalar_prefetch = 0 : i64, scratch_operands = 3 : i64, tpu.core_type = #tpu.core_type<sc_vector_subcore>, window_params = [{transform_indices = #map}, {transform_indices = #map1}, {transform_indices = #map1}]} {
    %mul3A = arith.constant 2 : i32
    %mul3A_0 = arith.muli %arg1, %mul3A : i32
    %add3A = arith.addi %mul3A_0, %arg0 : i32
    %mul3A_1 = arith.constant 13312 : i32
    %mul3A_2 = arith.muli %add3A, %mul3A_1 : i32
    "tpu.region"() ({
      %run_scoped3A = tpu.sem_alloc : memref<!tpu.dma_semaphore, #tpu.memory_space<semaphore_mem>>
      %dma_start3A_373 = arith.constant 0 : i32
      %dma_start3A_374 = arith.constant 0 : i32
      %dma_start3A_375 = tpu.memref_slice %arg2[%add3A, %dma_start3A_373, %dma_start3A_374] : memref<32x104x128xi32, #tpu.memory_space<hbm>> -> memref<1x104x128xi32, #tpu.memory_space<hbm>>
      %dma_start3A_376 = tpu.memref_squeeze %dma_start3A_375 : memref<1x104x128xi32, #tpu.memory_space<hbm>> -> memref<104x128xi32, #tpu.memory_space<hbm>>
      %dma_start3A_377 = arith.constant 0 : i32
      %dma_start3A_378 = arith.constant 0 : i32
      %dma_start3A_379 = tpu.memref_slice %arg2[%add3A, %dma_start3A_377, %dma_start3A_378] : memref<32x104x128xi32, #tpu.memory_space<hbm>> -> memref<1x104x128xi32, #tpu.memory_space<hbm>>
      %dma_start3A_380 = tpu.memref_squeeze %dma_start3A_379 : memref<1x104x128xi32, #tpu.memory_space<hbm>> -> memref<104x128xi32, #tpu.memory_space<hbm>>
      tpu.enqueue_dma source(%dma_start3A_380 : memref<104x128xi32, #tpu.memory_space<hbm>>) target(%arg5 : memref<104x128xi32, #tpu.memory_space<vmem>>) target_semaphore(%run_scoped3A : memref<!tpu.dma_semaphore, #tpu.memory_space<semaphore_mem>>)
      %dma_wait3A = arith.constant 0 : i32
      %dma_wait3A_381 = arith.constant 0 : i32
      %dma_wait3A_382 = tpu.memref_slice %arg2[%add3A, %dma_wait3A, %dma_wait3A_381] : memref<32x104x128xi32, #tpu.memory_space<hbm>> -> memref<1x104x128xi32, #tpu.memory_space<hbm>>
      %dma_wait3A_383 = tpu.memref_squeeze %dma_wait3A_382 : memref<1x104x128xi32, #tpu.memory_space<hbm>> -> memref<104x128xi32, #tpu.memory_space<hbm>>
      %dma_wait3A_384 = arith.constant 0 : i32
      %dma_wait3A_385 = arith.constant 0 : i32
      %dma_wait3A_386 = tpu.memref_slice %arg2[%add3A, %dma_wait3A_384, %dma_wait3A_385] : memref<32x104x128xi32, #tpu.memory_space<hbm>> -> memref<1x104x128xi32, #tpu.memory_space<hbm>>
      %dma_wait3A_387 = tpu.memref_squeeze %dma_wait3A_386 : memref<1x104x128xi32, #tpu.memory_space<hbm>> -> memref<104x128xi32, #tpu.memory_space<hbm>>
      tpu.wait_dma2 semaphore(%run_scoped3A : memref<!tpu.dma_semaphore, #tpu.memory_space<semaphore_mem>>) src(%dma_wait3A_387 : memref<104x128xi32, #tpu.memory_space<hbm>>) dst(%arg5 : memref<104x128xi32, #tpu.memory_space<vmem>>)
      tpu.yield
    }) : () -> ()
    %scan3A = arith.constant 0 : i32
    %scan3A_3 = arith.constant 0 : i32
    %scan3A_4 = arith.constant 104 : i32
    %scan3A_5 = arith.addi %scan3A_3, %scan3A_4 : i32
    %scan3A_6 = arith.constant 1 : i32
    scf.for %scan3A_373 = %scan3A_3 to %scan3A_5 step %scan3A_6  : i32 {
      %get3A = arith.index_cast %scan3A_373 : i32 to index
      %get3A_374 = arith.constant 0 : index
      %get3A_375 = tpu.vector_load %arg5[%get3A, %get3A_374] {strides = array<i32>} : memref<104x128xi32, #tpu.memory_space<vmem>>, vector<1x16xi32>,
      %get3A_376 = vector.shape_cast %get3A_375 : vector<1x16xi32> to vector<16xi32>
      %and3A = arith.constant -512 : i32
      %and3A_377 = vector.broadcast %and3A : i32 to vector<16xi32>
      %and3A_378 = arith.andi %get3A_376, %and3A_377 : vector<16xi32>
      %and3A_379 = arith.constant 127 : i32
      %and3A_380 = vector.broadcast %and3A_379 : i32 to vector<16xi32>
      %and3A_381 = arith.andi %get3A_376, %and3A_380 : vector<16xi32>
      %shift_left3A = arith.constant 2 : i32
      %shift_left3A_382 = vector.broadcast %shift_left3A : i32 to vector<16xi32>
      %shift_left3A_383 = arith.shli %and3A_381, %shift_left3A_382 : vector<16xi32>
      %or3A = arith.ori %and3A_378, %shift_left3A_383 : vector<16xi32>
      %shift_right_arithmetic3A = arith.constant 7 : i32
      %shift_right_arithmetic3A_384 = vector.broadcast %shift_right_arithmetic3A : i32 to vector<16xi32>
      %shift_right_arithmetic3A_385 = arith.shrsi %get3A_376, %shift_right_arithmetic3A_384 : vector<16xi32>
      %and3A_386 = arith.constant 3 : i32
      %and3A_387 = vector.broadcast %and3A_386 : i32 to vector<16xi32>
      %and3A_388 = arith.andi %shift_right_arithmetic3A_385, %and3A_387 : vector<16xi32>
      %or3A_389 = arith.ori %or3A, %and3A_388 : vector<16xi32>
      %swap3A = arith.index_cast %scan3A_373 : i32 to index
      %swap3A_390 = arith.constant 0 : index
      %swap3A_391 = tpu.vector_load %arg5[%swap3A, %swap3A_390] {strides = array<i32>} : memref<104x128xi32, #tpu.memory_space<vmem>>, vector<1x16xi32>,
      %swap3A_392 = vector.shape_cast %swap3A_391 : vector<1x16xi32> to vector<16xi32>
      %swap3A_393 = vector.shape_cast %or3A_389 : vector<16xi32> to vector<1x16xi32>
      tpu.vector_store %arg5[%swap3A, %swap3A_390], %swap3A_393 {strides = array<i32>} : memref<104x128xi32, #tpu.memory_space<vmem>>, vector<1x16xi32>,
      %get3A_394 = arith.index_cast %scan3A_373 : i32 to index
      %get3A_395 = arith.constant 16 : index
      %get3A_396 = tpu.vector_load %arg5[%get3A_394, %get3A_395] {strides = array<i32>} : memref<104x128xi32, #tpu.memory_space<vmem>>, vector<1x16xi32>,
      %get3A_397 = vector.shape_cast %get3A_396 : vector<1x16xi32> to vector<16xi32>
      %and3A_398 = arith.constant -512 : i32
      %and3A_399 = vector.broadcast %and3A_398 : i32 to vector<16xi32>
      %and3A_400 = arith.andi %get3A_397, %and3A_399 : vector<16xi32>
      %and3A_401 = arith.constant 127 : i32
      %and3A_402 = vector.broadcast %and3A_401 : i32 to vector<16xi32>
      %and3A_403 = arith.andi %get3A_397, %and3A_402 : vector<16xi32>
      %shift_left3A_404 = arith.constant 2 : i32
      %shift_left3A_405 = vector.broadcast %shift_left3A_404 : i32 to vector<16xi32>
      %shift_left3A_406 = arith.shli %and3A_403, %shift_left3A_405 : vector<16xi32>
      %or3A_407 = arith.ori %and3A_400, %shift_left3A_406 : vector<16xi32>
      %shift_right_arithmetic3A_408 = arith.constant 7 : i32
      %shift_right_arithmetic3A_409 = vector.broadcast %shift_right_arithmetic3A_408 : i32 to vector<16xi32>
      %shift_right_arithmetic3A_410 = arith.shrsi %get3A_397, %shift_right_arithmetic3A_409 : vector<16xi32>
      %and3A_411 = arith.constant 3 : i32
      %and3A_412 = vector.broadcast %and3A_411 : i32 to vector<16xi32>
      %and3A_413 = arith.andi %shift_right_arithmetic3A_410, %and3A_412 : vector<16xi32>
      %or3A_414 = arith.ori %or3A_407, %and3A_413 : vector<16xi32>
      %swap3A_415 = arith.index_cast %scan3A_373 : i32 to index
      %swap3A_416 = arith.constant 16 : index
      %swap3A_417 = tpu.vector_load %arg5[%swap3A_415, %swap3A_416] {strides = array<i32>} : memref<104x128xi32, #tpu.memory_space<vmem>>, vector<1x16xi32>,
      %swap3A_418 = vector.shape_cast %swap3A_417 : vector<1x16xi32> to vector<16xi32>
      %swap3A_419 = vector.shape_cast %or3A_414 : vector<16xi32> to vector<1x16xi32>
      tpu.vector_store %arg5[%swap3A_415, %swap3A_416], %swap3A_419 {strides = array<i32>} : memref<104x128xi32, #tpu.memory_space<vmem>>, vector<1x16xi32>,
      %get3A_420 = arith.index_cast %scan3A_373 : i32 to index
      %get3A_421 = arith.constant 32 : index
      %get3A_422 = tpu.vector_load %arg5[%get3A_420, %get3A_421] {strides = array<i32>} : memref<104x128xi32, #tpu.memory_space<vmem>>, vector<1x16xi32>,
      %get3A_423 = vector.shape_cast %get3A_422 : vector<1x16xi32> to vector<16xi32>
      %and3A_424 = arith.constant -512 : i32
      %and3A_425 = vector.broadcast %and3A_424 : i32 to vector<16xi32>
      %and3A_426 = arith.andi %get3A_423, %and3A_425 : vector<16xi32>
      %and3A_427 = arith.constant 127 : i32
      %and3A_428 = vector.broadcast %and3A_427 : i32 to vector<16xi32>
      %and3A_429 = arith.andi %get3A_423, %and3A_428 : vector<16xi32>
      %shift_left3A_430 = arith.constant 2 : i32
      %shift_left3A_431 = vector.broadcast %shift_left3A_430 : i32 to vector<16xi32>
      %shift_left3A_432 = arith.shli %and3A_429, %shift_left3A_431 : vector<16xi32>
      %or3A_433 = arith.ori %and3A_426, %shift_left3A_432 : vector<16xi32>
      %shift_right_arithmetic3A_434 = arith.constant 7 : i32
      %shift_right_arithmetic3A_435 = vector.broadcast %shift_right_arithmetic3A_434 : i32 to vector<16xi32>
      %shift_right_arithmetic3A_436 = arith.shrsi %get3A_423, %shift_right_arithmetic3A_435 : vector<16xi32>
      %and3A_437 = arith.constant 3 : i32
      %and3A_438 = vector.broadcast %and3A_437 : i32 to vector<16xi32>
      %and3A_439 = arith.andi %shift_right_arithmetic3A_436, %and3A_438 : vector<16xi32>
      %or3A_440 = arith.ori %or3A_433, %and3A_439 : vector<16xi32>
      %swap3A_441 = arith.index_cast %scan3A_373 : i32 to index
      %swap3A_442 = arith.constant 32 : index
      %swap3A_443 = tpu.vector_load %arg5[%swap3A_441, %swap3A_442] {strides = array<i32>} : memref<104x128xi32, #tpu.memory_space<vmem>>, vector<1x16xi32>,
      %swap3A_444 = vector.shape_cast %swap3A_443 : vector<1x16xi32> to vector<16xi32>
      %swap3A_445 = vector.shape_cast %or3A_440 : vector<16xi32> to vector<1x16xi32>
      tpu.vector_store %arg5[%swap3A_441, %swap3A_442], %swap3A_445 {strides = array<i32>} : memref<104x128xi32, #tpu.memory_space<vmem>>, vector<1x16xi32>,
      %get3A_446 = arith.index_cast %scan3A_373 : i32 to index
      %get3A_447 = arith.constant 48 : index
      %get3A_448 = tpu.vector_load %arg5[%get3A_446, %get3A_447] {strides = array<i32>} : memref<104x128xi32, #tpu.memory_space<vmem>>, vector<1x16xi32>,
      %get3A_449 = vector.shape_cast %get3A_448 : vector<1x16xi32> to vector<16xi32>
      %and3A_450 = arith.constant -512 : i32
      %and3A_451 = vector.broadcast %and3A_450 : i32 to vector<16xi32>
      %and3A_452 = arith.andi %get3A_449, %and3A_451 : vector<16xi32>
      %and3A_453 = arith.constant 127 : i32
      %and3A_454 = vector.broadcast %and3A_453 : i32 to vector<16xi32>
      %and3A_455 = arith.andi %get3A_449, %and3A_454 : vector<16xi32>
      %shift_left3A_456 = arith.constant 2 : i32
      %shift_left3A_457 = vector.broadcast %shift_left3A_456 : i32 to vector<16xi32>
      %shift_left3A_458 = arith.shli %and3A_455, %shift_left3A_457 : vector<16xi32>
      %or3A_459 = arith.ori %and3A_452, %shift_left3A_458 : vector<16xi32>
      %shift_right_arithmetic3A_460 = arith.constant 7 : i32
      %shift_right_arithmetic3A_461 = vector.broadcast %shift_right_arithmetic3A_460 : i32 to vector<16xi32>
      %shift_right_arithmetic3A_462 = arith.shrsi %get3A_449, %shift_right_arithmetic3A_461 : vector<16xi32>
      %and3A_463 = arith.constant 3 : i32
      %and3A_464 = vector.broadcast %and3A_463 : i32 to vector<16xi32>
      %and3A_465 = arith.andi %shift_right_arithmetic3A_462, %and3A_464 : vector<16xi32>
      %or3A_466 = arith.ori %or3A_459, %and3A_465 : vector<16xi32>
      %swap3A_467 = arith.index_cast %scan3A_373 : i32 to index
      %swap3A_468 = arith.constant 48 : index
      %swap3A_469 = tpu.vector_load %arg5[%swap3A_467, %swap3A_468] {strides = array<i32>} : memref<104x128xi32, #tpu.memory_space<vmem>>, vector<1x16xi32>,
      %swap3A_470 = vector.shape_cast %swap3A_469 : vector<1x16xi32> to vector<16xi32>
      %swap3A_471 = vector.shape_cast %or3A_466 : vector<16xi32> to vector<1x16xi32>
      tpu.vector_store %arg5[%swap3A_467, %swap3A_468], %swap3A_471 {strides = array<i32>} : memref<104x128xi32, #tpu.memory_space<vmem>>, vector<1x16xi32>,
      %get3A_472 = arith.index_cast %scan3A_373 : i32 to index
      %get3A_473 = arith.constant 64 : index
      %get3A_474 = tpu.vector_load %arg5[%get3A_472, %get3A_473] {strides = array<i32>} : memref<104x128xi32, #tpu.memory_space<vmem>>, vector<1x16xi32>,
      %get3A_475 = vector.shape_cast %get3A_474 : vector<1x16xi32> to vector<16xi32>
      %and3A_476 = arith.constant -512 : i32
      %and3A_477 = vector.broadcast %and3A_476 : i32 to vector<16xi32>
      %and3A_478 = arith.andi %get3A_475, %and3A_477 : vector<16xi32>
      %and3A_479 = arith.constant 127 : i32
      %and3A_480 = vector.broadcast %and3A_479 : i32 to vector<16xi32>
      %and3A_481 = arith.andi %get3A_475, %and3A_480 : vector<16xi32>
      %shift_left3A_482 = arith.constant 2 : i32
      %shift_left3A_483 = vector.broadcast %shift_left3A_482 : i32 to vector<16xi32>
      %shift_left3A_484 = arith.shli %and3A_481, %shift_left3A_483 : vector<16xi32>
      %or3A_485 = arith.ori %and3A_478, %shift_left3A_484 : vector<16xi32>
      %shift_right_arithmetic3A_486 = arith.constant 7 : i32
      %shift_right_arithmetic3A_487 = vector.broadcast %shift_right_arithmetic3A_486 : i32 to vector<16xi32>
      %shift_right_arithmetic3A_488 = arith.shrsi %get3A_475, %shift_right_arithmetic3A_487 : vector<16xi32>
      %and3A_489 = arith.constant 3 : i32
      %and3A_490 = vector.broadcast %and3A_489 : i32 to vector<16xi32>
      %and3A_491 = arith.andi %shift_right_arithmetic3A_488, %and3A_490 : vector<16xi32>
      %or3A_492 = arith.ori %or3A_485, %and3A_491 : vector<16xi32>
      %swap3A_493 = arith.index_cast %scan3A_373 : i32 to index
      %swap3A_494 = arith.constant 64 : index
      %swap3A_495 = tpu.vector_load %arg5[%swap3A_493, %swap3A_494] {strides = array<i32>} : memref<104x128xi32, #tpu.memory_space<vmem>>, vector<1x16xi32>,
      %swap3A_496 = vector.shape_cast %swap3A_495 : vector<1x16xi32> to vector<16xi32>
      %swap3A_497 = vector.shape_cast %or3A_492 : vector<16xi32> to vector<1x16xi32>
      tpu.vector_store %arg5[%swap3A_493, %swap3A_494], %swap3A_497 {strides = array<i32>} : memref<104x128xi32, #tpu.memory_space<vmem>>, vector<1x16xi32>,
      %get3A_498 = arith.index_cast %scan3A_373 : i32 to index
      %get3A_499 = arith.constant 80 : index
      %get3A_500 = tpu.vector_load %arg5[%get3A_498, %get3A_499] {strides = array<i32>} : memref<104x128xi32, #tpu.memory_space<vmem>>, vector<1x16xi32>,
      %get3A_501 = vector.shape_cast %get3A_500 : vector<1x16xi32> to vector<16xi32>
      %and3A_502 = arith.constant -512 : i32
      %and3A_503 = vector.broadcast %and3A_502 : i32 to vector<16xi32>
      %and3A_504 = arith.andi %get3A_501, %and3A_503 : vector<16xi32>
      %and3A_505 = arith.constant 127 : i32
      %and3A_506 = vector.broadcast %and3A_505 : i32 to vector<16xi32>
      %and3A_507 = arith.andi %get3A_501, %and3A_506 : vector<16xi32>
      %shift_left3A_508 = arith.constant 2 : i32
      %shift_left3A_509 = vector.broadcast %shift_left3A_508 : i32 to vector<16xi32>
      %shift_left3A_510 = arith.shli %and3A_507, %shift_left3A_509 : vector<16xi32>
      %or3A_511 = arith.ori %and3A_504, %shift_left3A_510 : vector<16xi32>
      %shift_right_arithmetic3A_512 = arith.constant 7 : i32
      %shift_right_arithmetic3A_513 = vector.broadcast %shift_right_arithmetic3A_512 : i32 to vector<16xi32>
      %shift_right_arithmetic3A_514 = arith.shrsi %get3A_501, %shift_right_arithmetic3A_513 : vector<16xi32>
      %and3A_515 = arith.constant 3 : i32
      %and3A_516 = vector.broadcast %and3A_515 : i32 to vector<16xi32>
      %and3A_517 = arith.andi %shift_right_arithmetic3A_514, %and3A_516 : vector<16xi32>
      %or3A_518 = arith.ori %or3A_511, %and3A_517 : vector<16xi32>
      %swap3A_519 = arith.index_cast %scan3A_373 : i32 to index
      %swap3A_520 = arith.constant 80 : index
      %swap3A_521 = tpu.vector_load %arg5[%swap3A_519, %swap3A_520] {strides = array<i32>} : memref<104x128xi32, #tpu.memory_space<vmem>>, vector<1x16xi32>,
      %swap3A_522 = vector.shape_cast %swap3A_521 : vector<1x16xi32> to vector<16xi32>
      %swap3A_523 = vector.shape_cast %or3A_518 : vector<16xi32> to vector<1x16xi32>
      tpu.vector_store %arg5[%swap3A_519, %swap3A_520], %swap3A_523 {strides = array<i32>} : memref<104x128xi32, #tpu.memory_space<vmem>>, vector<1x16xi32>,
      %get3A_524 = arith.index_cast %scan3A_373 : i32 to index
      %get3A_525 = arith.constant 96 : index
      %get3A_526 = tpu.vector_load %arg5[%get3A_524, %get3A_525] {strides = array<i32>} : memref<104x128xi32, #tpu.memory_space<vmem>>, vector<1x16xi32>,
      %get3A_527 = vector.shape_cast %get3A_526 : vector<1x16xi32> to vector<16xi32>
      %and3A_528 = arith.constant -512 : i32
      %and3A_529 = vector.broadcast %and3A_528 : i32 to vector<16xi32>
      %and3A_530 = arith.andi %get3A_527, %and3A_529 : vector<16xi32>
      %and3A_531 = arith.constant 127 : i32
      %and3A_532 = vector.broadcast %and3A_531 : i32 to vector<16xi32>
      %and3A_533 = arith.andi %get3A_527, %and3A_532 : vector<16xi32>
      %shift_left3A_534 = arith.constant 2 : i32
      %shift_left3A_535 = vector.broadcast %shift_left3A_534 : i32 to vector<16xi32>
      %shift_left3A_536 = arith.shli %and3A_533, %shift_left3A_535 : vector<16xi32>
      %or3A_537 = arith.ori %and3A_530, %shift_left3A_536 : vector<16xi32>
      %shift_right_arithmetic3A_538 = arith.constant 7 : i32
      %shift_right_arithmetic3A_539 = vector.broadcast %shift_right_arithmetic3A_538 : i32 to vector<16xi32>
      %shift_right_arithmetic3A_540 = arith.shrsi %get3A_527, %shift_right_arithmetic3A_539 : vector<16xi32>
      %and3A_541 = arith.constant 3 : i32
      %and3A_542 = vector.broadcast %and3A_541 : i32 to vector<16xi32>
      %and3A_543 = arith.andi %shift_right_arithmetic3A_540, %and3A_542 : vector<16xi32>
      %or3A_544 = arith.ori %or3A_537, %and3A_543 : vector<16xi32>
      %swap3A_545 = arith.index_cast %scan3A_373 : i32 to index
      %swap3A_546 = arith.constant 96 : index
      %swap3A_547 = tpu.vector_load %arg5[%swap3A_545, %swap3A_546] {strides = array<i32>} : memref<104x128xi32, #tpu.memory_space<vmem>>, vector<1x16xi32>,
      %swap3A_548 = vector.shape_cast %swap3A_547 : vector<1x16xi32> to vector<16xi32>
      %swap3A_549 = vector.shape_cast %or3A_544 : vector<16xi32> to vector<1x16xi32>
      tpu.vector_store %arg5[%swap3A_545, %swap3A_546], %swap3A_549 {strides = array<i32>} : memref<104x128xi32, #tpu.memory_space<vmem>>, vector<1x16xi32>,
      %get3A_550 = arith.index_cast %scan3A_373 : i32 to index
      %get3A_551 = arith.constant 112 : index
      %get3A_552 = tpu.vector_load %arg5[%get3A_550, %get3A_551] {strides = array<i32>} : memref<104x128xi32, #tpu.memory_space<vmem>>, vector<1x16xi32>,
      %get3A_553 = vector.shape_cast %get3A_552 : vector<1x16xi32> to vector<16xi32>
      %and3A_554 = arith.constant -512 : i32
      %and3A_555 = vector.broadcast %and3A_554 : i32 to vector<16xi32>
      %and3A_556 = arith.andi %get3A_553, %and3A_555 : vector<16xi32>
      %and3A_557 = arith.constant 127 : i32
      %and3A_558 = vector.broadcast %and3A_557 : i32 to vector<16xi32>
      %and3A_559 = arith.andi %get3A_553, %and3A_558 : vector<16xi32>
      %shift_left3A_560 = arith.constant 2 : i32
      %shift_left3A_561 = vector.broadcast %shift_left3A_560 : i32 to vector<16xi32>
      %shift_left3A_562 = arith.shli %and3A_559, %shift_left3A_561 : vector<16xi32>
      %or3A_563 = arith.ori %and3A_556, %shift_left3A_562 : vector<16xi32>
      %shift_right_arithmetic3A_564 = arith.constant 7 : i32
      %shift_right_arithmetic3A_565 = vector.broadcast %shift_right_arithmetic3A_564 : i32 to vector<16xi32>
      %shift_right_arithmetic3A_566 = arith.shrsi %get3A_553, %shift_right_arithmetic3A_565 : vector<16xi32>
      %and3A_567 = arith.constant 3 : i32
      %and3A_568 = vector.broadcast %and3A_567 : i32 to vector<16xi32>
      %and3A_569 = arith.andi %shift_right_arithmetic3A_566, %and3A_568 : vector<16xi32>
      %or3A_570 = arith.ori %or3A_563, %and3A_569 : vector<16xi32>
      %swap3A_571 = arith.index_cast %scan3A_373 : i32 to index
      %swap3A_572 = arith.constant 112 : index
      %swap3A_573 = tpu.vector_load %arg5[%swap3A_571, %swap3A_572] {strides = array<i32>} : memref<104x128xi32, #tpu.memory_space<vmem>>, vector<1x16xi32>,
      %swap3A_574 = vector.shape_cast %swap3A_573 : vector<1x16xi32> to vector<16xi32>
      %swap3A_575 = vector.shape_cast %or3A_570 : vector<16xi32> to vector<1x16xi32>
      tpu.vector_store %arg5[%swap3A_571, %swap3A_572], %swap3A_575 {strides = array<i32>} : memref<104x128xi32, #tpu.memory_space<vmem>>, vector<1x16xi32>,
    }
    %scan3A_7 = arith.constant 104 : i32
    %dma_start3A = arith.constant 0 : i32
    %dma_start3A_8 = arith.constant 0 : i32
    %dma_start3A_9 = arith.constant 0 : i32
    %dma_start3A_10 = arith.constant 0 : i32
    %dma_start3A_11 = arith.constant 0 : i32
    %dma_start3A_12 = tpu.memref_slice %arg6[%dma_start3A_8, %dma_start3A_10, %dma_start3A_11] : memref<3x1024x32xf32, #tpu.memory_space<vmem>> -> memref<1x128x32xf32, #tpu.memory_space<vmem>>
    %dma_start3A_13 = tpu.memref_squeeze %dma_start3A_12 : memref<1x128x32xf32, #tpu.memory_space<vmem>> -> memref<128x32xf32, #tpu.memory_space<vmem>>
    %dma_start3A_14 = arith.constant 0 : i32
    %dma_start3A_15 = tpu.memref_slice %arg5[%dma_start3A, %dma_start3A_14] : memref<104x128xi32, #tpu.memory_space<vmem>> -> memref<1x128xi32, #tpu.memory_space<vmem>>
    %dma_start3A_16 = tpu.memref_squeeze %dma_start3A_15 : memref<1x128xi32, #tpu.memory_space<vmem>> -> memref<128xi32, #tpu.memory_space<vmem>>
    %dma_start3A_17 = arith.constant 0 : i32
    %dma_start3A_18 = arith.constant 0 : i32
    %dma_start3A_19 = tpu.memref_slice %arg3[%dma_start3A_17, %dma_start3A_18] : memref<1000448x32xf32, #tpu.memory_space<hbm>> -> memref<1000448x32xf32, #tpu.memory_space<hbm>>
    %dma_start3A_20 = tpu.memref_slice %arg7[%dma_start3A_9] : memref<3x!tpu.dma_semaphore, #tpu.memory_space<semaphore_mem>> -> memref<1x!tpu.dma_semaphore, #tpu.memory_space<semaphore_mem>>
    %dma_start3A_21 = tpu.memref_squeeze %dma_start3A_20 : memref<1x!tpu.dma_semaphore, #tpu.memory_space<semaphore_mem>> -> memref<!tpu.dma_semaphore, #tpu.memory_space<semaphore_mem>>
    tpu.enqueue_indirect_dma source(%dma_start3A_19 : memref<1000448x32xf32, #tpu.memory_space<hbm>>) target(%dma_start3A_13 : memref<128x32xf32, #tpu.memory_space<vmem>>) offsets(%dma_start3A_16 : memref<128xi32, #tpu.memory_space<vmem>>) semaphore(%dma_start3A_21 : memref<!tpu.dma_semaphore, #tpu.memory_space<semaphore_mem>>)
    %dma_start3A_22 = arith.constant 1 : i32
    %dma_start3A_23 = arith.constant 0 : i32
    %dma_start3A_24 = arith.constant 0 : i32
    %dma_start3A_25 = arith.constant 128 : i32
    %dma_start3A_26 = arith.constant 0 : i32
    %dma_start3A_27 = tpu.memref_slice %arg6[%dma_start3A_23, %dma_start3A_25, %dma_start3A_26] : memref<3x1024x32xf32, #tpu.memory_space<vmem>> -> memref<1x128x32xf32, #tpu.memory_space<vmem>>
    %dma_start3A_28 = tpu.memref_squeeze %dma_start3A_27 : memref<1x128x32xf32, #tpu.memory_space<vmem>> -> memref<128x32xf32, #tpu.memory_space<vmem>>
    %dma_start3A_29 = arith.constant 0 : i32
    %dma_start3A_30 = tpu.memref_slice %arg5[%dma_start3A_22, %dma_start3A_29] : memref<104x128xi32, #tpu.memory_space<vmem>> -> memref<1x128xi32, #tpu.memory_space<vmem>>
    %dma_start3A_31 = tpu.memref_squeeze %dma_start3A_30 : memref<1x128xi32, #tpu.memory_space<vmem>> -> memref<128xi32, #tpu.memory_space<vmem>>
    %dma_start3A_32 = arith.constant 0 : i32
    %dma_start3A_33 = arith.constant 0 : i32
    %dma_start3A_34 = tpu.memref_slice %arg3[%dma_start3A_32, %dma_start3A_33] : memref<1000448x32xf32, #tpu.memory_space<hbm>> -> memref<1000448x32xf32, #tpu.memory_space<hbm>>
    %dma_start3A_35 = tpu.memref_slice %arg7[%dma_start3A_24] : memref<3x!tpu.dma_semaphore, #tpu.memory_space<semaphore_mem>> -> memref<1x!tpu.dma_semaphore, #tpu.memory_space<semaphore_mem>>
    %dma_start3A_36 = tpu.memref_squeeze %dma_start3A_35 : memref<1x!tpu.dma_semaphore, #tpu.memory_space<semaphore_mem>> -> memref<!tpu.dma_semaphore, #tpu.memory_space<semaphore_mem>>
    tpu.enqueue_indirect_dma source(%dma_start3A_34 : memref<1000448x32xf32, #tpu.memory_space<hbm>>) target(%dma_start3A_28 : memref<128x32xf32, #tpu.memory_space<vmem>>) offsets(%dma_start3A_31 : memref<128xi32, #tpu.memory_space<vmem>>) semaphore(%dma_start3A_36 : memref<!tpu.dma_semaphore, #tpu.memory_space<semaphore_mem>>)
    %dma_start3A_37 = arith.constant 2 : i32
    %dma_start3A_38 = arith.constant 0 : i32
    %dma_start3A_39 = arith.constant 0 : i32
    %dma_start3A_40 = arith.constant 256 : i32
    %dma_start3A_41 = arith.constant 0 : i32
    %dma_start3A_42 = tpu.memref_slice %arg6[%dma_start3A_38, %dma_start3A_40, %dma_start3A_41] : memref<3x1024x32xf32, #tpu.memory_space<vmem>> -> memref<1x128x32xf32, #tpu.memory_space<vmem>>
    %dma_start3A_43 = tpu.memref_squeeze %dma_start3A_42 : memref<1x128x32xf32, #tpu.memory_space<vmem>> -> memref<128x32xf32, #tpu.memory_space<vmem>>
    %dma_start3A_44 = arith.constant 0 : i32
    %dma_start3A_45 = tpu.memref_slice %arg5[%dma_start3A_37, %dma_start3A_44] : memref<104x128xi32, #tpu.memory_space<vmem>> -> memref<1x128xi32, #tpu.memory_space<vmem>>
    %dma_start3A_46 = tpu.memref_squeeze %dma_start3A_45 : memref<1x128xi32, #tpu.memory_space<vmem>> -> memref<128xi32, #tpu.memory_space<vmem>>
    %dma_start3A_47 = arith.constant 0 : i32
    %dma_start3A_48 = arith.constant 0 : i32
    %dma_start3A_49 = tpu.memref_slice %arg3[%dma_start3A_47, %dma_start3A_48] : memref<1000448x32xf32, #tpu.memory_space<hbm>> -> memref<1000448x32xf32, #tpu.memory_space<hbm>>
    %dma_start3A_50 = tpu.memref_slice %arg7[%dma_start3A_39] : memref<3x!tpu.dma_semaphore, #tpu.memory_space<semaphore_mem>> -> memref<1x!tpu.dma_semaphore, #tpu.memory_space<semaphore_mem>>
    %dma_start3A_51 = tpu.memref_squeeze %dma_start3A_50 : memref<1x!tpu.dma_semaphore, #tpu.memory_space<semaphore_mem>> -> memref<!tpu.dma_semaphore, #tpu.memory_space<semaphore_mem>>
    tpu.enqueue_indirect_dma source(%dma_start3A_49 : memref<1000448x32xf32, #tpu.memory_space<hbm>>) target(%dma_start3A_43 : memref<128x32xf32, #tpu.memory_space<vmem>>) offsets(%dma_start3A_46 : memref<128xi32, #tpu.memory_space<vmem>>) semaphore(%dma_start3A_51 : memref<!tpu.dma_semaphore, #tpu.memory_space<semaphore_mem>>)
    %dma_start3A_52 = arith.constant 3 : i32
    %dma_start3A_53 = arith.constant 0 : i32
    %dma_start3A_54 = arith.constant 0 : i32
    %dma_start3A_55 = arith.constant 384 : i32
    %dma_start3A_56 = arith.constant 0 : i32
    %dma_start3A_57 = tpu.memref_slice %arg6[%dma_start3A_53, %dma_start3A_55, %dma_start3A_56] : memref<3x1024x32xf32, #tpu.memory_space<vmem>> -> memref<1x128x32xf32, #tpu.memory_space<vmem>>
    %dma_start3A_58 = tpu.memref_squeeze %dma_start3A_57 : memref<1x128x32xf32, #tpu.memory_space<vmem>> -> memref<128x32xf32, #tpu.memory_space<vmem>>
    %dma_start3A_59 = arith.constant 0 : i32
    %dma_start3A_60 = tpu.memref_slice %arg5[%dma_start3A_52, %dma_start3A_59] : memref<104x128xi32, #tpu.memory_space<vmem>> -> memref<1x128xi32, #tpu.memory_space<vmem>>
    %dma_start3A_61 = tpu.memref_squeeze %dma_start3A_60 : memref<1x128xi32, #tpu.memory_space<vmem>> -> memref<128xi32, #tpu.memory_space<vmem>>
    %dma_start3A_62 = arith.constant 0 : i32
    %dma_start3A_63 = arith.constant 0 : i32
    %dma_start3A_64 = tpu.memref_slice %arg3[%dma_start3A_62, %dma_start3A_63] : memref<1000448x32xf32, #tpu.memory_space<hbm>> -> memref<1000448x32xf32, #tpu.memory_space<hbm>>
    %dma_start3A_65 = tpu.memref_slice %arg7[%dma_start3A_54] : memref<3x!tpu.dma_semaphore, #tpu.memory_space<semaphore_mem>> -> memref<1x!tpu.dma_semaphore, #tpu.memory_space<semaphore_mem>>
    %dma_start3A_66 = tpu.memref_squeeze %dma_start3A_65 : memref<1x!tpu.dma_semaphore, #tpu.memory_space<semaphore_mem>> -> memref<!tpu.dma_semaphore, #tpu.memory_space<semaphore_mem>>
    tpu.enqueue_indirect_dma source(%dma_start3A_64 : memref<1000448x32xf32, #tpu.memory_space<hbm>>) target(%dma_start3A_58 : memref<128x32xf32, #tpu.memory_space<vmem>>) offsets(%dma_start3A_61 : memref<128xi32, #tpu.memory_space<vmem>>) semaphore(%dma_start3A_66 : memref<!tpu.dma_semaphore, #tpu.memory_space<semaphore_mem>>)
    %dma_start3A_67 = arith.constant 4 : i32
    %dma_start3A_68 = arith.constant 0 : i32
    %dma_start3A_69 = arith.constant 0 : i32
    %dma_start3A_70 = arith.constant 512 : i32
    %dma_start3A_71 = arith.constant 0 : i32
    %dma_start3A_72 = tpu.memref_slice %arg6[%dma_start3A_68, %dma_start3A_70, %dma_start3A_71] : memref<3x1024x32xf32, #tpu.memory_space<vmem>> -> memref<1x128x32xf32, #tpu.memory_space<vmem>>
    %dma_start3A_73 = tpu.memref_squeeze %dma_start3A_72 : memref<1x128x32xf32, #tpu.memory_space<vmem>> -> memref<128x32xf32, #tpu.memory_space<vmem>>
    %dma_start3A_74 = arith.constant 0 : i32
    %dma_start3A_75 = tpu.memref_slice %arg5[%dma_start3A_67, %dma_start3A_74] : memref<104x128xi32, #tpu.memory_space<vmem>> -> memref<1x128xi32, #tpu.memory_space<vmem>>
    %dma_start3A_76 = tpu.memref_squeeze %dma_start3A_75 : memref<1x128xi32, #tpu.memory_space<vmem>> -> memref<128xi32, #tpu.memory_space<vmem>>
    %dma_start3A_77 = arith.constant 0 : i32
    %dma_start3A_78 = arith.constant 0 : i32
    %dma_start3A_79 = tpu.memref_slice %arg3[%dma_start3A_77, %dma_start3A_78] : memref<1000448x32xf32, #tpu.memory_space<hbm>> -> memref<1000448x32xf32, #tpu.memory_space<hbm>>
    %dma_start3A_80 = tpu.memref_slice %arg7[%dma_start3A_69] : memref<3x!tpu.dma_semaphore, #tpu.memory_space<semaphore_mem>> -> memref<1x!tpu.dma_semaphore, #tpu.memory_space<semaphore_mem>>
    %dma_start3A_81 = tpu.memref_squeeze %dma_start3A_80 : memref<1x!tpu.dma_semaphore, #tpu.memory_space<semaphore_mem>> -> memref<!tpu.dma_semaphore, #tpu.memory_space<semaphore_mem>>
    tpu.enqueue_indirect_dma source(%dma_start3A_79 : memref<1000448x32xf32, #tpu.memory_space<hbm>>) target(%dma_start3A_73 : memref<128x32xf32, #tpu.memory_space<vmem>>) offsets(%dma_start3A_76 : memref<128xi32, #tpu.memory_space<vmem>>) semaphore(%dma_start3A_81 : memref<!tpu.dma_semaphore, #tpu.memory_space<semaphore_mem>>)
    %dma_start3A_82 = arith.constant 5 : i32
    %dma_start3A_83 = arith.constant 0 : i32
    %dma_start3A_84 = arith.constant 0 : i32
    %dma_start3A_85 = arith.constant 640 : i32
    %dma_start3A_86 = arith.constant 0 : i32
    %dma_start3A_87 = tpu.memref_slice %arg6[%dma_start3A_83, %dma_start3A_85, %dma_start3A_86] : memref<3x1024x32xf32, #tpu.memory_space<vmem>> -> memref<1x128x32xf32, #tpu.memory_space<vmem>>
    %dma_start3A_88 = tpu.memref_squeeze %dma_start3A_87 : memref<1x128x32xf32, #tpu.memory_space<vmem>> -> memref<128x32xf32, #tpu.memory_space<vmem>>
    %dma_start3A_89 = arith.constant 0 : i32
    %dma_start3A_90 = tpu.memref_slice %arg5[%dma_start3A_82, %dma_start3A_89] : memref<104x128xi32, #tpu.memory_space<vmem>> -> memref<1x128xi32, #tpu.memory_space<vmem>>
    %dma_start3A_91 = tpu.memref_squeeze %dma_start3A_90 : memref<1x128xi32, #tpu.memory_space<vmem>> -> memref<128xi32, #tpu.memory_space<vmem>>
    %dma_start3A_92 = arith.constant 0 : i32
    %dma_start3A_93 = arith.constant 0 : i32
    %dma_start3A_94 = tpu.memref_slice %arg3[%dma_start3A_92, %dma_start3A_93] : memref<1000448x32xf32, #tpu.memory_space<hbm>> -> memref<1000448x32xf32, #tpu.memory_space<hbm>>
    %dma_start3A_95 = tpu.memref_slice %arg7[%dma_start3A_84] : memref<3x!tpu.dma_semaphore, #tpu.memory_space<semaphore_mem>> -> memref<1x!tpu.dma_semaphore, #tpu.memory_space<semaphore_mem>>
    %dma_start3A_96 = tpu.memref_squeeze %dma_start3A_95 : memref<1x!tpu.dma_semaphore, #tpu.memory_space<semaphore_mem>> -> memref<!tpu.dma_semaphore, #tpu.memory_space<semaphore_mem>>
    tpu.enqueue_indirect_dma source(%dma_start3A_94 : memref<1000448x32xf32, #tpu.memory_space<hbm>>) target(%dma_start3A_88 : memref<128x32xf32, #tpu.memory_space<vmem>>) offsets(%dma_start3A_91 : memref<128xi32, #tpu.memory_space<vmem>>) semaphore(%dma_start3A_96 : memref<!tpu.dma_semaphore, #tpu.memory_space<semaphore_mem>>)
    %dma_start3A_97 = arith.constant 6 : i32
    %dma_start3A_98 = arith.constant 0 : i32
    %dma_start3A_99 = arith.constant 0 : i32
    %dma_start3A_100 = arith.constant 768 : i32
    %dma_start3A_101 = arith.constant 0 : i32
    %dma_start3A_102 = tpu.memref_slice %arg6[%dma_start3A_98, %dma_start3A_100, %dma_start3A_101] : memref<3x1024x32xf32, #tpu.memory_space<vmem>> -> memref<1x128x32xf32, #tpu.memory_space<vmem>>
    %dma_start3A_103 = tpu.memref_squeeze %dma_start3A_102 : memref<1x128x32xf32, #tpu.memory_space<vmem>> -> memref<128x32xf32, #tpu.memory_space<vmem>>
    %dma_start3A_104 = arith.constant 0 : i32
    %dma_start3A_105 = tpu.memref_slice %arg5[%dma_start3A_97, %dma_start3A_104] : memref<104x128xi32, #tpu.memory_space<vmem>> -> memref<1x128xi32, #tpu.memory_space<vmem>>
    %dma_start3A_106 = tpu.memref_squeeze %dma_start3A_105 : memref<1x128xi32, #tpu.memory_space<vmem>> -> memref<128xi32, #tpu.memory_space<vmem>>
    %dma_start3A_107 = arith.constant 0 : i32
    %dma_start3A_108 = arith.constant 0 : i32
    %dma_start3A_109 = tpu.memref_slice %arg3[%dma_start3A_107, %dma_start3A_108] : memref<1000448x32xf32, #tpu.memory_space<hbm>> -> memref<1000448x32xf32, #tpu.memory_space<hbm>>
    %dma_start3A_110 = tpu.memref_slice %arg7[%dma_start3A_99] : memref<3x!tpu.dma_semaphore, #tpu.memory_space<semaphore_mem>> -> memref<1x!tpu.dma_semaphore, #tpu.memory_space<semaphore_mem>>
    %dma_start3A_111 = tpu.memref_squeeze %dma_start3A_110 : memref<1x!tpu.dma_semaphore, #tpu.memory_space<semaphore_mem>> -> memref<!tpu.dma_semaphore, #tpu.memory_space<semaphore_mem>>
    tpu.enqueue_indirect_dma source(%dma_start3A_109 : memref<1000448x32xf32, #tpu.memory_space<hbm>>) target(%dma_start3A_103 : memref<128x32xf32, #tpu.memory_space<vmem>>) offsets(%dma_start3A_106 : memref<128xi32, #tpu.memory_space<vmem>>) semaphore(%dma_start3A_111 : memref<!tpu.dma_semaphore, #tpu.memory_space<semaphore_mem>>)
    %dma_start3A_112 = arith.constant 7 : i32
    %dma_start3A_113 = arith.constant 0 : i32
    %dma_start3A_114 = arith.constant 0 : i32
    %dma_start3A_115 = arith.constant 896 : i32
    %dma_start3A_116 = arith.constant 0 : i32
    %dma_start3A_117 = tpu.memref_slice %arg6[%dma_start3A_113, %dma_start3A_115, %dma_start3A_116] : memref<3x1024x32xf32, #tpu.memory_space<vmem>> -> memref<1x128x32xf32, #tpu.memory_space<vmem>>
    %dma_start3A_118 = tpu.memref_squeeze %dma_start3A_117 : memref<1x128x32xf32, #tpu.memory_space<vmem>> -> memref<128x32xf32, #tpu.memory_space<vmem>>
    %dma_start3A_119 = arith.constant 0 : i32
    %dma_start3A_120 = tpu.memref_slice %arg5[%dma_start3A_112, %dma_start3A_119] : memref<104x128xi32, #tpu.memory_space<vmem>> -> memref<1x128xi32, #tpu.memory_space<vmem>>
    %dma_start3A_121 = tpu.memref_squeeze %dma_start3A_120 : memref<1x128xi32, #tpu.memory_space<vmem>> -> memref<128xi32, #tpu.memory_space<vmem>>
    %dma_start3A_122 = arith.constant 0 : i32
    %dma_start3A_123 = arith.constant 0 : i32
    %dma_start3A_124 = tpu.memref_slice %arg3[%dma_start3A_122, %dma_start3A_123] : memref<1000448x32xf32, #tpu.memory_space<hbm>> -> memref<1000448x32xf32, #tpu.memory_space<hbm>>
    %dma_start3A_125 = tpu.memref_slice %arg7[%dma_start3A_114] : memref<3x!tpu.dma_semaphore, #tpu.memory_space<semaphore_mem>> -> memref<1x!tpu.dma_semaphore, #tpu.memory_space<semaphore_mem>>
    %dma_start3A_126 = tpu.memref_squeeze %dma_start3A_125 : memref<1x!tpu.dma_semaphore, #tpu.memory_space<semaphore_mem>> -> memref<!tpu.dma_semaphore, #tpu.memory_space<semaphore_mem>>
    tpu.enqueue_indirect_dma source(%dma_start3A_124 : memref<1000448x32xf32, #tpu.memory_space<hbm>>) target(%dma_start3A_118 : memref<128x32xf32, #tpu.memory_space<vmem>>) offsets(%dma_start3A_121 : memref<128xi32, #tpu.memory_space<vmem>>) semaphore(%dma_start3A_126 : memref<!tpu.dma_semaphore, #tpu.memory_space<semaphore_mem>>)
    %dma_start3A_127 = arith.constant 8 : i32
    %dma_start3A_128 = arith.constant 1 : i32
    %dma_start3A_129 = arith.constant 1 : i32
    %dma_start3A_130 = arith.constant 0 : i32
    %dma_start3A_131 = arith.constant 0 : i32
    %dma_start3A_132 = tpu.memref_slice %arg6[%dma_start3A_128, %dma_start3A_130, %dma_start3A_131] : memref<3x1024x32xf32, #tpu.memory_space<vmem>> -> memref<1x128x32xf32, #tpu.memory_space<vmem>>
    %dma_start3A_133 = tpu.memref_squeeze %dma_start3A_132 : memref<1x128x32xf32, #tpu.memory_space<vmem>> -> memref<128x32xf32, #tpu.memory_space<vmem>>
    %dma_start3A_134 = arith.constant 0 : i32
    %dma_start3A_135 = tpu.memref_slice %arg5[%dma_start3A_127, %dma_start3A_134] : memref<104x128xi32, #tpu.memory_space<vmem>> -> memref<1x128xi32, #tpu.memory_space<vmem>>
    %dma_start3A_136 = tpu.memref_squeeze %dma_start3A_135 : memref<1x128xi32, #tpu.memory_space<vmem>> -> memref<128xi32, #tpu.memory_space<vmem>>
    %dma_start3A_137 = arith.constant 0 : i32
    %dma_start3A_138 = arith.constant 0 : i32
    %dma_start3A_139 = tpu.memref_slice %arg3[%dma_start3A_137, %dma_start3A_138] : memref<1000448x32xf32, #tpu.memory_space<hbm>> -> memref<1000448x32xf32, #tpu.memory_space<hbm>>
    %dma_start3A_140 = tpu.memref_slice %arg7[%dma_start3A_129] : memref<3x!tpu.dma_semaphore, #tpu.memory_space<semaphore_mem>> -> memref<1x!tpu.dma_semaphore, #tpu.memory_space<semaphore_mem>>
    %dma_start3A_141 = tpu.memref_squeeze %dma_start3A_140 : memref<1x!tpu.dma_semaphore, #tpu.memory_space<semaphore_mem>> -> memref<!tpu.dma_semaphore, #tpu.memory_space<semaphore_mem>>
    tpu.enqueue_indirect_dma source(%dma_start3A_139 : memref<1000448x32xf32, #tpu.memory_space<hbm>>) target(%dma_start3A_133 : memref<128x32xf32, #tpu.memory_space<vmem>>) offsets(%dma_start3A_136 : memref<128xi32, #tpu.memory_space<vmem>>) semaphore(%dma_start3A_141 : memref<!tpu.dma_semaphore, #tpu.memory_space<semaphore_mem>>)
    %dma_start3A_142 = arith.constant 9 : i32
    %dma_start3A_143 = arith.constant 1 : i32
    %dma_start3A_144 = arith.constant 1 : i32
    %dma_start3A_145 = arith.constant 128 : i32
    %dma_start3A_146 = arith.constant 0 : i32
    %dma_start3A_147 = tpu.memref_slice %arg6[%dma_start3A_143, %dma_start3A_145, %dma_start3A_146] : memref<3x1024x32xf32, #tpu.memory_space<vmem>> -> memref<1x128x32xf32, #tpu.memory_space<vmem>>
    %dma_start3A_148 = tpu.memref_squeeze %dma_start3A_147 : memref<1x128x32xf32, #tpu.memory_space<vmem>> -> memref<128x32xf32, #tpu.memory_space<vmem>>
    %dma_start3A_149 = arith.constant 0 : i32
    %dma_start3A_150 = tpu.memref_slice %arg5[%dma_start3A_142, %dma_start3A_149] : memref<104x128xi32, #tpu.memory_space<vmem>> -> memref<1x128xi32, #tpu.memory_space<vmem>>
    %dma_start3A_151 = tpu.memref_squeeze %dma_start3A_150 : memref<1x128xi32, #tpu.memory_space<vmem>> -> memref<128xi32, #tpu.memory_space<vmem>>
    %dma_start3A_152 = arith.constant 0 : i32
    %dma_start3A_153 = arith.constant 0 : i32
    %dma_start3A_154 = tpu.memref_slice %arg3[%dma_start3A_152, %dma_start3A_153] : memref<1000448x32xf32, #tpu.memory_space<hbm>> -> memref<1000448x32xf32, #tpu.memory_space<hbm>>
    %dma_start3A_155 = tpu.memref_slice %arg7[%dma_start3A_144] : memref<3x!tpu.dma_semaphore, #tpu.memory_space<semaphore_mem>> -> memref<1x!tpu.dma_semaphore, #tpu.memory_space<semaphore_mem>>
    %dma_start3A_156 = tpu.memref_squeeze %dma_start3A_155 : memref<1x!tpu.dma_semaphore, #tpu.memory_space<semaphore_mem>> -> memref<!tpu.dma_semaphore, #tpu.memory_space<semaphore_mem>>
    tpu.enqueue_indirect_dma source(%dma_start3A_154 : memref<1000448x32xf32, #tpu.memory_space<hbm>>) target(%dma_start3A_148 : memref<128x32xf32, #tpu.memory_space<vmem>>) offsets(%dma_start3A_151 : memref<128xi32, #tpu.memory_space<vmem>>) semaphore(%dma_start3A_156 : memref<!tpu.dma_semaphore, #tpu.memory_space<semaphore_mem>>)
    %dma_start3A_157 = arith.constant 10 : i32
    %dma_start3A_158 = arith.constant 1 : i32
    %dma_start3A_159 = arith.constant 1 : i32
    %dma_start3A_160 = arith.constant 256 : i32
    %dma_start3A_161 = arith.constant 0 : i32
    %dma_start3A_162 = tpu.memref_slice %arg6[%dma_start3A_158, %dma_start3A_160, %dma_start3A_161] : memref<3x1024x32xf32, #tpu.memory_space<vmem>> -> memref<1x128x32xf32, #tpu.memory_space<vmem>>
    %dma_start3A_163 = tpu.memref_squeeze %dma_start3A_162 : memref<1x128x32xf32, #tpu.memory_space<vmem>> -> memref<128x32xf32, #tpu.memory_space<vmem>>
    %dma_start3A_164 = arith.constant 0 : i32
    %dma_start3A_165 = tpu.memref_slice %arg5[%dma_start3A_157, %dma_start3A_164] : memref<104x128xi32, #tpu.memory_space<vmem>> -> memref<1x128xi32, #tpu.memory_space<vmem>>
    %dma_start3A_166 = tpu.memref_squeeze %dma_start3A_165 : memref<1x128xi32, #tpu.memory_space<vmem>> -> memref<128xi32, #tpu.memory_space<vmem>>
    %dma_start3A_167 = arith.constant 0 : i32
    %dma_start3A_168 = arith.constant 0 : i32
    %dma_start3A_169 = tpu.memref_slice %arg3[%dma_start3A_167, %dma_start3A_168] : memref<1000448x32xf32, #tpu.memory_space<hbm>> -> memref<1000448x32xf32, #tpu.memory_space<hbm>>
    %dma_start3A_170 = tpu.memref_slice %arg7[%dma_start3A_159] : memref<3x!tpu.dma_semaphore, #tpu.memory_space<semaphore_mem>> -> memref<1x!tpu.dma_semaphore, #tpu.memory_space<semaphore_mem>>
    %dma_start3A_171 = tpu.memref_squeeze %dma_start3A_170 : memref<1x!tpu.dma_semaphore, #tpu.memory_space<semaphore_mem>> -> memref<!tpu.dma_semaphore, #tpu.memory_space<semaphore_mem>>
    tpu.enqueue_indirect_dma source(%dma_start3A_169 : memref<1000448x32xf32, #tpu.memory_space<hbm>>) target(%dma_start3A_163 : memref<128x32xf32, #tpu.memory_space<vmem>>) offsets(%dma_start3A_166 : memref<128xi32, #tpu.memory_space<vmem>>) semaphore(%dma_start3A_171 : memref<!tpu.dma_semaphore, #tpu.memory_space<semaphore_mem>>)
    %dma_start3A_172 = arith.constant 11 : i32
    %dma_start3A_173 = arith.constant 1 : i32
    %dma_start3A_174 = arith.constant 1 : i32
    %dma_start3A_175 = arith.constant 384 : i32
    %dma_start3A_176 = arith.constant 0 : i32
    %dma_start3A_177 = tpu.memref_slice %arg6[%dma_start3A_173, %dma_start3A_175, %dma_start3A_176] : memref<3x1024x32xf32, #tpu.memory_space<vmem>> -> memref<1x128x32xf32, #tpu.memory_space<vmem>>
    %dma_start3A_178 = tpu.memref_squeeze %dma_start3A_177 : memref<1x128x32xf32, #tpu.memory_space<vmem>> -> memref<128x32xf32, #tpu.memory_space<vmem>>
    %dma_start3A_179 = arith.constant 0 : i32
    %dma_start3A_180 = tpu.memref_slice %arg5[%dma_start3A_172, %dma_start3A_179] : memref<104x128xi32, #tpu.memory_space<vmem>> -> memref<1x128xi32, #tpu.memory_space<vmem>>
    %dma_start3A_181 = tpu.memref_squeeze %dma_start3A_180 : memref<1x128xi32, #tpu.memory_space<vmem>> -> memref<128xi32, #tpu.memory_space<vmem>>
    %dma_start3A_182 = arith.constant 0 : i32
    %dma_start3A_183 = arith.constant 0 : i32
    %dma_start3A_184 = tpu.memref_slice %arg3[%dma_start3A_182, %dma_start3A_183] : memref<1000448x32xf32, #tpu.memory_space<hbm>> -> memref<1000448x32xf32, #tpu.memory_space<hbm>>
    %dma_start3A_185 = tpu.memref_slice %arg7[%dma_start3A_174] : memref<3x!tpu.dma_semaphore, #tpu.memory_space<semaphore_mem>> -> memref<1x!tpu.dma_semaphore, #tpu.memory_space<semaphore_mem>>
    %dma_start3A_186 = tpu.memref_squeeze %dma_start3A_185 : memref<1x!tpu.dma_semaphore, #tpu.memory_space<semaphore_mem>> -> memref<!tpu.dma_semaphore, #tpu.memory_space<semaphore_mem>>
    tpu.enqueue_indirect_dma source(%dma_start3A_184 : memref<1000448x32xf32, #tpu.memory_space<hbm>>) target(%dma_start3A_178 : memref<128x32xf32, #tpu.memory_space<vmem>>) offsets(%dma_start3A_181 : memref<128xi32, #tpu.memory_space<vmem>>) semaphore(%dma_start3A_186 : memref<!tpu.dma_semaphore, #tpu.memory_space<semaphore_mem>>)
    %dma_start3A_187 = arith.constant 12 : i32
    %dma_start3A_188 = arith.constant 1 : i32
    %dma_start3A_189 = arith.constant 1 : i32
    %dma_start3A_190 = arith.constant 512 : i32
    %dma_start3A_191 = arith.constant 0 : i32
    %dma_start3A_192 = tpu.memref_slice %arg6[%dma_start3A_188, %dma_start3A_190, %dma_start3A_191] : memref<3x1024x32xf32, #tpu.memory_space<vmem>> -> memref<1x128x32xf32, #tpu.memory_space<vmem>>
    %dma_start3A_193 = tpu.memref_squeeze %dma_start3A_192 : memref<1x128x32xf32, #tpu.memory_space<vmem>> -> memref<128x32xf32, #tpu.memory_space<vmem>>
    %dma_start3A_194 = arith.constant 0 : i32
    %dma_start3A_195 = tpu.memref_slice %arg5[%dma_start3A_187, %dma_start3A_194] : memref<104x128xi32, #tpu.memory_space<vmem>> -> memref<1x128xi32, #tpu.memory_space<vmem>>
    %dma_start3A_196 = tpu.memref_squeeze %dma_start3A_195 : memref<1x128xi32, #tpu.memory_space<vmem>> -> memref<128xi32, #tpu.memory_space<vmem>>
    %dma_start3A_197 = arith.constant 0 : i32
    %dma_start3A_198 = arith.constant 0 : i32
    %dma_start3A_199 = tpu.memref_slice %arg3[%dma_start3A_197, %dma_start3A_198] : memref<1000448x32xf32, #tpu.memory_space<hbm>> -> memref<1000448x32xf32, #tpu.memory_space<hbm>>
    %dma_start3A_200 = tpu.memref_slice %arg7[%dma_start3A_189] : memref<3x!tpu.dma_semaphore, #tpu.memory_space<semaphore_mem>> -> memref<1x!tpu.dma_semaphore, #tpu.memory_space<semaphore_mem>>
    %dma_start3A_201 = tpu.memref_squeeze %dma_start3A_200 : memref<1x!tpu.dma_semaphore, #tpu.memory_space<semaphore_mem>> -> memref<!tpu.dma_semaphore, #tpu.memory_space<semaphore_mem>>
    tpu.enqueue_indirect_dma source(%dma_start3A_199 : memref<1000448x32xf32, #tpu.memory_space<hbm>>) target(%dma_start3A_193 : memref<128x32xf32, #tpu.memory_space<vmem>>) offsets(%dma_start3A_196 : memref<128xi32, #tpu.memory_space<vmem>>) semaphore(%dma_start3A_201 : memref<!tpu.dma_semaphore, #tpu.memory_space<semaphore_mem>>)
    %dma_start3A_202 = arith.constant 13 : i32
    %dma_start3A_203 = arith.constant 1 : i32
    %dma_start3A_204 = arith.constant 1 : i32
    %dma_start3A_205 = arith.constant 640 : i32
    %dma_start3A_206 = arith.constant 0 : i32
    %dma_start3A_207 = tpu.memref_slice %arg6[%dma_start3A_203, %dma_start3A_205, %dma_start3A_206] : memref<3x1024x32xf32, #tpu.memory_space<vmem>> -> memref<1x128x32xf32, #tpu.memory_space<vmem>>
    %dma_start3A_208 = tpu.memref_squeeze %dma_start3A_207 : memref<1x128x32xf32, #tpu.memory_space<vmem>> -> memref<128x32xf32, #tpu.memory_space<vmem>>
    %dma_start3A_209 = arith.constant 0 : i32
    %dma_start3A_210 = tpu.memref_slice %arg5[%dma_start3A_202, %dma_start3A_209] : memref<104x128xi32, #tpu.memory_space<vmem>> -> memref<1x128xi32, #tpu.memory_space<vmem>>
    %dma_start3A_211 = tpu.memref_squeeze %dma_start3A_210 : memref<1x128xi32, #tpu.memory_space<vmem>> -> memref<128xi32, #tpu.memory_space<vmem>>
    %dma_start3A_212 = arith.constant 0 : i32
    %dma_start3A_213 = arith.constant 0 : i32
    %dma_start3A_214 = tpu.memref_slice %arg3[%dma_start3A_212, %dma_start3A_213] : memref<1000448x32xf32, #tpu.memory_space<hbm>> -> memref<1000448x32xf32, #tpu.memory_space<hbm>>
    %dma_start3A_215 = tpu.memref_slice %arg7[%dma_start3A_204] : memref<3x!tpu.dma_semaphore, #tpu.memory_space<semaphore_mem>> -> memref<1x!tpu.dma_semaphore, #tpu.memory_space<semaphore_mem>>
    %dma_start3A_216 = tpu.memref_squeeze %dma_start3A_215 : memref<1x!tpu.dma_semaphore, #tpu.memory_space<semaphore_mem>> -> memref<!tpu.dma_semaphore, #tpu.memory_space<semaphore_mem>>
    tpu.enqueue_indirect_dma source(%dma_start3A_214 : memref<1000448x32xf32, #tpu.memory_space<hbm>>) target(%dma_start3A_208 : memref<128x32xf32, #tpu.memory_space<vmem>>) offsets(%dma_start3A_211 : memref<128xi32, #tpu.memory_space<vmem>>) semaphore(%dma_start3A_216 : memref<!tpu.dma_semaphore, #tpu.memory_space<semaphore_mem>>)
    %dma_start3A_217 = arith.constant 14 : i32
    %dma_start3A_218 = arith.constant 1 : i32
    %dma_start3A_219 = arith.constant 1 : i32
    %dma_start3A_220 = arith.constant 768 : i32
    %dma_start3A_221 = arith.constant 0 : i32
    %dma_start3A_222 = tpu.memref_slice %arg6[%dma_start3A_218, %dma_start3A_220, %dma_start3A_221] : memref<3x1024x32xf32, #tpu.memory_space<vmem>> -> memref<1x128x32xf32, #tpu.memory_space<vmem>>
    %dma_start3A_223 = tpu.memref_squeeze %dma_start3A_222 : memref<1x128x32xf32, #tpu.memory_space<vmem>> -> memref<128x32xf32, #tpu.memory_space<vmem>>
    %dma_start3A_224 = arith.constant 0 : i32
    %dma_start3A_225 = tpu.memref_slice %arg5[%dma_start3A_217, %dma_start3A_224] : memref<104x128xi32, #tpu.memory_space<vmem>> -> memref<1x128xi32, #tpu.memory_space<vmem>>
    %dma_start3A_226 = tpu.memref_squeeze %dma_start3A_225 : memref<1x128xi32, #tpu.memory_space<vmem>> -> memref<128xi32, #tpu.memory_space<vmem>>
    %dma_start3A_227 = arith.constant 0 : i32
    %dma_start3A_228 = arith.constant 0 : i32
    %dma_start3A_229 = tpu.memref_slice %arg3[%dma_start3A_227, %dma_start3A_228] : memref<1000448x32xf32, #tpu.memory_space<hbm>> -> memref<1000448x32xf32, #tpu.memory_space<hbm>>
    %dma_start3A_230 = tpu.memref_slice %arg7[%dma_start3A_219] : memref<3x!tpu.dma_semaphore, #tpu.memory_space<semaphore_mem>> -> memref<1x!tpu.dma_semaphore, #tpu.memory_space<semaphore_mem>>
    %dma_start3A_231 = tpu.memref_squeeze %dma_start3A_230 : memref<1x!tpu.dma_semaphore, #tpu.memory_space<semaphore_mem>> -> memref<!tpu.dma_semaphore, #tpu.memory_space<semaphore_mem>>
    tpu.enqueue_indirect_dma source(%dma_start3A_229 : memref<1000448x32xf32, #tpu.memory_space<hbm>>) target(%dma_start3A_223 : memref<128x32xf32, #tpu.memory_space<vmem>>) offsets(%dma_start3A_226 : memref<128xi32, #tpu.memory_space<vmem>>) semaphore(%dma_start3A_231 : memref<!tpu.dma_semaphore, #tpu.memory_space<semaphore_mem>>)
    %dma_start3A_232 = arith.constant 15 : i32
    %dma_start3A_233 = arith.constant 1 : i32
    %dma_start3A_234 = arith.constant 1 : i32
    %dma_start3A_235 = arith.constant 896 : i32
    %dma_start3A_236 = arith.constant 0 : i32
    %dma_start3A_237 = tpu.memref_slice %arg6[%dma_start3A_233, %dma_start3A_235, %dma_start3A_236] : memref<3x1024x32xf32, #tpu.memory_space<vmem>> -> memref<1x128x32xf32, #tpu.memory_space<vmem>>
    %dma_start3A_238 = tpu.memref_squeeze %dma_start3A_237 : memref<1x128x32xf32, #tpu.memory_space<vmem>> -> memref<128x32xf32, #tpu.memory_space<vmem>>
    %dma_start3A_239 = arith.constant 0 : i32
    %dma_start3A_240 = tpu.memref_slice %arg5[%dma_start3A_232, %dma_start3A_239] : memref<104x128xi32, #tpu.memory_space<vmem>> -> memref<1x128xi32, #tpu.memory_space<vmem>>
    %dma_start3A_241 = tpu.memref_squeeze %dma_start3A_240 : memref<1x128xi32, #tpu.memory_space<vmem>> -> memref<128xi32, #tpu.memory_space<vmem>>
    %dma_start3A_242 = arith.constant 0 : i32
    %dma_start3A_243 = arith.constant 0 : i32
    %dma_start3A_244 = tpu.memref_slice %arg3[%dma_start3A_242, %dma_start3A_243] : memref<1000448x32xf32, #tpu.memory_space<hbm>> -> memref<1000448x32xf32, #tpu.memory_space<hbm>>
    %dma_start3A_245 = tpu.memref_slice %arg7[%dma_start3A_234] : memref<3x!tpu.dma_semaphore, #tpu.memory_space<semaphore_mem>> -> memref<1x!tpu.dma_semaphore, #tpu.memory_space<semaphore_mem>>
    %dma_start3A_246 = tpu.memref_squeeze %dma_start3A_245 : memref<1x!tpu.dma_semaphore, #tpu.memory_space<semaphore_mem>> -> memref<!tpu.dma_semaphore, #tpu.memory_space<semaphore_mem>>
    tpu.enqueue_indirect_dma source(%dma_start3A_244 : memref<1000448x32xf32, #tpu.memory_space<hbm>>) target(%dma_start3A_238 : memref<128x32xf32, #tpu.memory_space<vmem>>) offsets(%dma_start3A_241 : memref<128xi32, #tpu.memory_space<vmem>>) semaphore(%dma_start3A_246 : memref<!tpu.dma_semaphore, #tpu.memory_space<semaphore_mem>>)
    %dma_start3A_247 = arith.constant 16 : i32
    %dma_start3A_248 = arith.constant 2 : i32
    %dma_start3A_249 = arith.constant 2 : i32
    %dma_start3A_250 = arith.constant 0 : i32
    %dma_start3A_251 = arith.constant 0 : i32
    %dma_start3A_252 = tpu.memref_slice %arg6[%dma_start3A_248, %dma_start3A_250, %dma_start3A_251] : memref<3x1024x32xf32, #tpu.memory_space<vmem>> -> memref<1x128x32xf32, #tpu.memory_space<vmem>>
    %dma_start3A_253 = tpu.memref_squeeze %dma_start3A_252 : memref<1x128x32xf32, #tpu.memory_space<vmem>> -> memref<128x32xf32, #tpu.memory_space<vmem>>
    %dma_start3A_254 = arith.constant 0 : i32
    %dma_start3A_255 = tpu.memref_slice %arg5[%dma_start3A_247, %dma_start3A_254] : memref<104x128xi32, #tpu.memory_space<vmem>> -> memref<1x128xi32, #tpu.memory_space<vmem>>
    %dma_start3A_256 = tpu.memref_squeeze %dma_start3A_255 : memref<1x128xi32, #tpu.memory_space<vmem>> -> memref<128xi32, #tpu.memory_space<vmem>>
    %dma_start3A_257 = arith.constant 0 : i32
    %dma_start3A_258 = arith.constant 0 : i32
    %dma_start3A_259 = tpu.memref_slice %arg3[%dma_start3A_257, %dma_start3A_258] : memref<1000448x32xf32, #tpu.memory_space<hbm>> -> memref<1000448x32xf32, #tpu.memory_space<hbm>>
    %dma_start3A_260 = tpu.memref_slice %arg7[%dma_start3A_249] : memref<3x!tpu.dma_semaphore, #tpu.memory_space<semaphore_mem>> -> memref<1x!tpu.dma_semaphore, #tpu.memory_space<semaphore_mem>>
    %dma_start3A_261 = tpu.memref_squeeze %dma_start3A_260 : memref<1x!tpu.dma_semaphore, #tpu.memory_space<semaphore_mem>> -> memref<!tpu.dma_semaphore, #tpu.memory_space<semaphore_mem>>
    tpu.enqueue_indirect_dma source(%dma_start3A_259 : memref<1000448x32xf32, #tpu.memory_space<hbm>>) target(%dma_start3A_253 : memref<128x32xf32, #tpu.memory_space<vmem>>) offsets(%dma_start3A_256 : memref<128xi32, #tpu.memory_space<vmem>>) semaphore(%dma_start3A_261 : memref<!tpu.dma_semaphore, #tpu.memory_space<semaphore_mem>>)
    %dma_start3A_262 = arith.constant 17 : i32
    %dma_start3A_263 = arith.constant 2 : i32
    %dma_start3A_264 = arith.constant 2 : i32
    %dma_start3A_265 = arith.constant 128 : i32
    %dma_start3A_266 = arith.constant 0 : i32
    %dma_start3A_267 = tpu.memref_slice %arg6[%dma_start3A_263, %dma_start3A_265, %dma_start3A_266] : memref<3x1024x32xf32, #tpu.memory_space<vmem>> -> memref<1x128x32xf32, #tpu.memory_space<vmem>>
    %dma_start3A_268 = tpu.memref_squeeze %dma_start3A_267 : memref<1x128x32xf32, #tpu.memory_space<vmem>> -> memref<128x32xf32, #tpu.memory_space<vmem>>
    %dma_start3A_269 = arith.constant 0 : i32
    %dma_start3A_270 = tpu.memref_slice %arg5[%dma_start3A_262, %dma_start3A_269] : memref<104x128xi32, #tpu.memory_space<vmem>> -> memref<1x128xi32, #tpu.memory_space<vmem>>
    %dma_start3A_271 = tpu.memref_squeeze %dma_start3A_270 : memref<1x128xi32, #tpu.memory_space<vmem>> -> memref<128xi32, #tpu.memory_space<vmem>>
    %dma_start3A_272 = arith.constant 0 : i32
    %dma_start3A_273 = arith.constant 0 : i32
    %dma_start3A_274 = tpu.memref_slice %arg3[%dma_start3A_272, %dma_start3A_273] : memref<1000448x32xf32, #tpu.memory_space<hbm>> -> memref<1000448x32xf32, #tpu.memory_space<hbm>>
    %dma_start3A_275 = tpu.memref_slice %arg7[%dma_start3A_264] : memref<3x!tpu.dma_semaphore, #tpu.memory_space<semaphore_mem>> -> memref<1x!tpu.dma_semaphore, #tpu.memory_space<semaphore_mem>>
    %dma_start3A_276 = tpu.memref_squeeze %dma_start3A_275 : memref<1x!tpu.dma_semaphore, #tpu.memory_space<semaphore_mem>> -> memref<!tpu.dma_semaphore, #tpu.memory_space<semaphore_mem>>
    tpu.enqueue_indirect_dma source(%dma_start3A_274 : memref<1000448x32xf32, #tpu.memory_space<hbm>>) target(%dma_start3A_268 : memref<128x32xf32, #tpu.memory_space<vmem>>) offsets(%dma_start3A_271 : memref<128xi32, #tpu.memory_space<vmem>>) semaphore(%dma_start3A_276 : memref<!tpu.dma_semaphore, #tpu.memory_space<semaphore_mem>>)
    %dma_start3A_277 = arith.constant 18 : i32
    %dma_start3A_278 = arith.constant 2 : i32
    %dma_start3A_279 = arith.constant 2 : i32
    %dma_start3A_280 = arith.constant 256 : i32
    %dma_start3A_281 = arith.constant 0 : i32
    %dma_start3A_282 = tpu.memref_slice %arg6[%dma_start3A_278, %dma_start3A_280, %dma_start3A_281] : memref<3x1024x32xf32, #tpu.memory_space<vmem>> -> memref<1x128x32xf32, #tpu.memory_space<vmem>>
    %dma_start3A_283 = tpu.memref_squeeze %dma_start3A_282 : memref<1x128x32xf32, #tpu.memory_space<vmem>> -> memref<128x32xf32, #tpu.memory_space<vmem>>
    %dma_start3A_284 = arith.constant 0 : i32
    %dma_start3A_285 = tpu.memref_slice %arg5[%dma_start3A_277, %dma_start3A_284] : memref<104x128xi32, #tpu.memory_space<vmem>> -> memref<1x128xi32, #tpu.memory_space<vmem>>
    %dma_start3A_286 = tpu.memref_squeeze %dma_start3A_285 : memref<1x128xi32, #tpu.memory_space<vmem>> -> memref<128xi32, #tpu.memory_space<vmem>>
    %dma_start3A_287 = arith.constant 0 : i32
    %dma_start3A_288 = arith.constant 0 : i32
    %dma_start3A_289 = tpu.memref_slice %arg3[%dma_start3A_287, %dma_start3A_288] : memref<1000448x32xf32, #tpu.memory_space<hbm>> -> memref<1000448x32xf32, #tpu.memory_space<hbm>>
    %dma_start3A_290 = tpu.memref_slice %arg7[%dma_start3A_279] : memref<3x!tpu.dma_semaphore, #tpu.memory_space<semaphore_mem>> -> memref<1x!tpu.dma_semaphore, #tpu.memory_space<semaphore_mem>>
    %dma_start3A_291 = tpu.memref_squeeze %dma_start3A_290 : memref<1x!tpu.dma_semaphore, #tpu.memory_space<semaphore_mem>> -> memref<!tpu.dma_semaphore, #tpu.memory_space<semaphore_mem>>
    tpu.enqueue_indirect_dma source(%dma_start3A_289 : memref<1000448x32xf32, #tpu.memory_space<hbm>>) target(%dma_start3A_283 : memref<128x32xf32, #tpu.memory_space<vmem>>) offsets(%dma_start3A_286 : memref<128xi32, #tpu.memory_space<vmem>>) semaphore(%dma_start3A_291 : memref<!tpu.dma_semaphore, #tpu.memory_space<semaphore_mem>>)
    %dma_start3A_292 = arith.constant 19 : i32
    %dma_start3A_293 = arith.constant 2 : i32
    %dma_start3A_294 = arith.constant 2 : i32
    %dma_start3A_295 = arith.constant 384 : i32
    %dma_start3A_296 = arith.constant 0 : i32
    %dma_start3A_297 = tpu.memref_slice %arg6[%dma_start3A_293, %dma_start3A_295, %dma_start3A_296] : memref<3x1024x32xf32, #tpu.memory_space<vmem>> -> memref<1x128x32xf32, #tpu.memory_space<vmem>>
    %dma_start3A_298 = tpu.memref_squeeze %dma_start3A_297 : memref<1x128x32xf32, #tpu.memory_space<vmem>> -> memref<128x32xf32, #tpu.memory_space<vmem>>
    %dma_start3A_299 = arith.constant 0 : i32
    %dma_start3A_300 = tpu.memref_slice %arg5[%dma_start3A_292, %dma_start3A_299] : memref<104x128xi32, #tpu.memory_space<vmem>> -> memref<1x128xi32, #tpu.memory_space<vmem>>
    %dma_start3A_301 = tpu.memref_squeeze %dma_start3A_300 : memref<1x128xi32, #tpu.memory_space<vmem>> -> memref<128xi32, #tpu.memory_space<vmem>>
    %dma_start3A_302 = arith.constant 0 : i32
    %dma_start3A_303 = arith.constant 0 : i32
    %dma_start3A_304 = tpu.memref_slice %arg3[%dma_start3A_302, %dma_start3A_303] : memref<1000448x32xf32, #tpu.memory_space<hbm>> -> memref<1000448x32xf32, #tpu.memory_space<hbm>>
    %dma_start3A_305 = tpu.memref_slice %arg7[%dma_start3A_294] : memref<3x!tpu.dma_semaphore, #tpu.memory_space<semaphore_mem>> -> memref<1x!tpu.dma_semaphore, #tpu.memory_space<semaphore_mem>>
    %dma_start3A_306 = tpu.memref_squeeze %dma_start3A_305 : memref<1x!tpu.dma_semaphore, #tpu.memory_space<semaphore_mem>> -> memref<!tpu.dma_semaphore, #tpu.memory_space<semaphore_mem>>
    tpu.enqueue_indirect_dma source(%dma_start3A_304 : memref<1000448x32xf32, #tpu.memory_space<hbm>>) target(%dma_start3A_298 : memref<128x32xf32, #tpu.memory_space<vmem>>) offsets(%dma_start3A_301 : memref<128xi32, #tpu.memory_space<vmem>>) semaphore(%dma_start3A_306 : memref<!tpu.dma_semaphore, #tpu.memory_space<semaphore_mem>>)
    %dma_start3A_307 = arith.constant 20 : i32
    %dma_start3A_308 = arith.constant 2 : i32
    %dma_start3A_309 = arith.constant 2 : i32
    %dma_start3A_310 = arith.constant 512 : i32
    %dma_start3A_311 = arith.constant 0 : i32
    %dma_start3A_312 = tpu.memref_slice %arg6[%dma_start3A_308, %dma_start3A_310, %dma_start3A_311] : memref<3x1024x32xf32, #tpu.memory_space<vmem>> -> memref<1x128x32xf32, #tpu.memory_space<vmem>>
    %dma_start3A_313 = tpu.memref_squeeze %dma_start3A_312 : memref<1x128x32xf32, #tpu.memory_space<vmem>> -> memref<128x32xf32, #tpu.memory_space<vmem>>
    %dma_start3A_314 = arith.constant 0 : i32
    %dma_start3A_315 = tpu.memref_slice %arg5[%dma_start3A_307, %dma_start3A_314] : memref<104x128xi32, #tpu.memory_space<vmem>> -> memref<1x128xi32, #tpu.memory_space<vmem>>
    %dma_start3A_316 = tpu.memref_squeeze %dma_start3A_315 : memref<1x128xi32, #tpu.memory_space<vmem>> -> memref<128xi32, #tpu.memory_space<vmem>>
    %dma_start3A_317 = arith.constant 0 : i32
    %dma_start3A_318 = arith.constant 0 : i32
    %dma_start3A_319 = tpu.memref_slice %arg3[%dma_start3A_317, %dma_start3A_318] : memref<1000448x32xf32, #tpu.memory_space<hbm>> -> memref<1000448x32xf32, #tpu.memory_space<hbm>>
    %dma_start3A_320 = tpu.memref_slice %arg7[%dma_start3A_309] : memref<3x!tpu.dma_semaphore, #tpu.memory_space<semaphore_mem>> -> memref<1x!tpu.dma_semaphore, #tpu.memory_space<semaphore_mem>>
    %dma_start3A_321 = tpu.memref_squeeze %dma_start3A_320 : memref<1x!tpu.dma_semaphore, #tpu.memory_space<semaphore_mem>> -> memref<!tpu.dma_semaphore, #tpu.memory_space<semaphore_mem>>
    tpu.enqueue_indirect_dma source(%dma_start3A_319 : memref<1000448x32xf32, #tpu.memory_space<hbm>>) target(%dma_start3A_313 : memref<128x32xf32, #tpu.memory_space<vmem>>) offsets(%dma_start3A_316 : memref<128xi32, #tpu.memory_space<vmem>>) semaphore(%dma_start3A_321 : memref<!tpu.dma_semaphore, #tpu.memory_space<semaphore_mem>>)
    %dma_start3A_322 = arith.constant 21 : i32
    %dma_start3A_323 = arith.constant 2 : i32
    %dma_start3A_324 = arith.constant 2 : i32
    %dma_start3A_325 = arith.constant 640 : i32
    %dma_start3A_326 = arith.constant 0 : i32
    %dma_start3A_327 = tpu.memref_slice %arg6[%dma_start3A_323, %dma_start3A_325, %dma_start3A_326] : memref<3x1024x32xf32, #tpu.memory_space<vmem>> -> memref<1x128x32xf32, #tpu.memory_space<vmem>>
    %dma_start3A_328 = tpu.memref_squeeze %dma_start3A_327 : memref<1x128x32xf32, #tpu.memory_space<vmem>> -> memref<128x32xf32, #tpu.memory_space<vmem>>
    %dma_start3A_329 = arith.constant 0 : i32
    %dma_start3A_330 = tpu.memref_slice %arg5[%dma_start3A_322, %dma_start3A_329] : memref<104x128xi32, #tpu.memory_space<vmem>> -> memref<1x128xi32, #tpu.memory_space<vmem>>
    %dma_start3A_331 = tpu.memref_squeeze %dma_start3A_330 : memref<1x128xi32, #tpu.memory_space<vmem>> -> memref<128xi32, #tpu.memory_space<vmem>>
    %dma_start3A_332 = arith.constant 0 : i32
    %dma_start3A_333 = arith.constant 0 : i32
    %dma_start3A_334 = tpu.memref_slice %arg3[%dma_start3A_332, %dma_start3A_333] : memref<1000448x32xf32, #tpu.memory_space<hbm>> -> memref<1000448x32xf32, #tpu.memory_space<hbm>>
    %dma_start3A_335 = tpu.memref_slice %arg7[%dma_start3A_324] : memref<3x!tpu.dma_semaphore, #tpu.memory_space<semaphore_mem>> -> memref<1x!tpu.dma_semaphore, #tpu.memory_space<semaphore_mem>>
    %dma_start3A_336 = tpu.memref_squeeze %dma_start3A_335 : memref<1x!tpu.dma_semaphore, #tpu.memory_space<semaphore_mem>> -> memref<!tpu.dma_semaphore, #tpu.memory_space<semaphore_mem>>
    tpu.enqueue_indirect_dma source(%dma_start3A_334 : memref<1000448x32xf32, #tpu.memory_space<hbm>>) target(%dma_start3A_328 : memref<128x32xf32, #tpu.memory_space<vmem>>) offsets(%dma_start3A_331 : memref<128xi32, #tpu.memory_space<vmem>>) semaphore(%dma_start3A_336 : memref<!tpu.dma_semaphore, #tpu.memory_space<semaphore_mem>>)
    %dma_start3A_337 = arith.constant 22 : i32
    %dma_start3A_338 = arith.constant 2 : i32
    %dma_start3A_339 = arith.constant 2 : i32
    %dma_start3A_340 = arith.constant 768 : i32
    %dma_start3A_341 = arith.constant 0 : i32
    %dma_start3A_342 = tpu.memref_slice %arg6[%dma_start3A_338, %dma_start3A_340, %dma_start3A_341] : memref<3x1024x32xf32, #tpu.memory_space<vmem>> -> memref<1x128x32xf32, #tpu.memory_space<vmem>>
    %dma_start3A_343 = tpu.memref_squeeze %dma_start3A_342 : memref<1x128x32xf32, #tpu.memory_space<vmem>> -> memref<128x32xf32, #tpu.memory_space<vmem>>
    %dma_start3A_344 = arith.constant 0 : i32
    %dma_start3A_345 = tpu.memref_slice %arg5[%dma_start3A_337, %dma_start3A_344] : memref<104x128xi32, #tpu.memory_space<vmem>> -> memref<1x128xi32, #tpu.memory_space<vmem>>
    %dma_start3A_346 = tpu.memref_squeeze %dma_start3A_345 : memref<1x128xi32, #tpu.memory_space<vmem>> -> memref<128xi32, #tpu.memory_space<vmem>>
    %dma_start3A_347 = arith.constant 0 : i32
    %dma_start3A_348 = arith.constant 0 : i32
    %dma_start3A_349 = tpu.memref_slice %arg3[%dma_start3A_347, %dma_start3A_348] : memref<1000448x32xf32, #tpu.memory_space<hbm>> -> memref<1000448x32xf32, #tpu.memory_space<hbm>>
    %dma_start3A_350 = tpu.memref_slice %arg7[%dma_start3A_339] : memref<3x!tpu.dma_semaphore, #tpu.memory_space<semaphore_mem>> -> memref<1x!tpu.dma_semaphore, #tpu.memory_space<semaphore_mem>>
    %dma_start3A_351 = tpu.memref_squeeze %dma_start3A_350 : memref<1x!tpu.dma_semaphore, #tpu.memory_space<semaphore_mem>> -> memref<!tpu.dma_semaphore, #tpu.memory_space<semaphore_mem>>
    tpu.enqueue_indirect_dma source(%dma_start3A_349 : memref<1000448x32xf32, #tpu.memory_space<hbm>>) target(%dma_start3A_343 : memref<128x32xf32, #tpu.memory_space<vmem>>) offsets(%dma_start3A_346 : memref<128xi32, #tpu.memory_space<vmem>>) semaphore(%dma_start3A_351 : memref<!tpu.dma_semaphore, #tpu.memory_space<semaphore_mem>>)
    %dma_start3A_352 = arith.constant 23 : i32
    %dma_start3A_353 = arith.constant 2 : i32
    %dma_start3A_354 = arith.constant 2 : i32
    %dma_start3A_355 = arith.constant 896 : i32
    %dma_start3A_356 = arith.constant 0 : i32
    %dma_start3A_357 = tpu.memref_slice %arg6[%dma_start3A_353, %dma_start3A_355, %dma_start3A_356] : memref<3x1024x32xf32, #tpu.memory_space<vmem>> -> memref<1x128x32xf32, #tpu.memory_space<vmem>>
    %dma_start3A_358 = tpu.memref_squeeze %dma_start3A_357 : memref<1x128x32xf32, #tpu.memory_space<vmem>> -> memref<128x32xf32, #tpu.memory_space<vmem>>
    %dma_start3A_359 = arith.constant 0 : i32
    %dma_start3A_360 = tpu.memref_slice %arg5[%dma_start3A_352, %dma_start3A_359] : memref<104x128xi32, #tpu.memory_space<vmem>> -> memref<1x128xi32, #tpu.memory_space<vmem>>
    %dma_start3A_361 = tpu.memref_squeeze %dma_start3A_360 : memref<1x128xi32, #tpu.memory_space<vmem>> -> memref<128xi32, #tpu.memory_space<vmem>>
    %dma_start3A_362 = arith.constant 0 : i32
    %dma_start3A_363 = arith.constant 0 : i32
    %dma_start3A_364 = tpu.memref_slice %arg3[%dma_start3A_362, %dma_start3A_363] : memref<1000448x32xf32, #tpu.memory_space<hbm>> -> memref<1000448x32xf32, #tpu.memory_space<hbm>>
    %dma_start3A_365 = tpu.memref_slice %arg7[%dma_start3A_354] : memref<3x!tpu.dma_semaphore, #tpu.memory_space<semaphore_mem>> -> memref<1x!tpu.dma_semaphore, #tpu.memory_space<semaphore_mem>>
    %dma_start3A_366 = tpu.memref_squeeze %dma_start3A_365 : memref<1x!tpu.dma_semaphore, #tpu.memory_space<semaphore_mem>> -> memref<!tpu.dma_semaphore, #tpu.memory_space<semaphore_mem>>
    tpu.enqueue_indirect_dma source(%dma_start3A_364 : memref<1000448x32xf32, #tpu.memory_space<hbm>>) target(%dma_start3A_358 : memref<128x32xf32, #tpu.memory_space<vmem>>) offsets(%dma_start3A_361 : memref<128xi32, #tpu.memory_space<vmem>>) semaphore(%dma_start3A_366 : memref<!tpu.dma_semaphore, #tpu.memory_space<semaphore_mem>>)
    %scan3A_367 = arith.constant 0 : i32
    %scan3A_368 = arith.constant 0 : i32
    %scan3A_369 = arith.constant 13 : i32
    %scan3A_370 = arith.addi %scan3A_368, %scan3A_369 : i32
    %scan3A_371 = arith.constant 1 : i32
    scf.for %scan3A_373 = %scan3A_368 to %scan3A_370 step %scan3A_371  : i32 {
      %rem3A = arith.constant 3 : i32
      %rem3A_374 = arith.remsi %scan3A_373, %rem3A : i32
      %dma_wait3A = arith.constant 0 : i32
      %dma_wait3A_375 = arith.constant 0 : i32
      %dma_wait3A_376 = tpu.memref_slice %arg6[%rem3A_374, %dma_wait3A, %dma_wait3A_375] : memref<3x1024x32xf32, #tpu.memory_space<vmem>> -> memref<1x1024x32xf32, #tpu.memory_space<vmem>>
      %dma_wait3A_377 = tpu.memref_squeeze %dma_wait3A_376 : memref<1x1024x32xf32, #tpu.memory_space<vmem>> -> memref<1024x32xf32, #tpu.memory_space<vmem>>
      %dma_wait3A_378 = arith.constant 0 : i32
      %dma_wait3A_379 = arith.constant 0 : i32
      %dma_wait3A_380 = tpu.memref_slice %arg3[%dma_wait3A_378, %dma_wait3A_379] : memref<1000448x32xf32, #tpu.memory_space<hbm>> -> memref<1024x32xf32, #tpu.memory_space<hbm>>
      %dma_wait3A_381 = tpu.memref_slice %arg7[%rem3A_374] : memref<3x!tpu.dma_semaphore, #tpu.memory_space<semaphore_mem>> -> memref<1x!tpu.dma_semaphore, #tpu.memory_space<semaphore_mem>>
      %dma_wait3A_382 = tpu.memref_squeeze %dma_wait3A_381 : memref<1x!tpu.dma_semaphore, #tpu.memory_space<semaphore_mem>> -> memref<!tpu.dma_semaphore, #tpu.memory_space<semaphore_mem>>
      %dma_wait3A_383 = arith.constant 0 : i32
      %dma_wait3A_384 = arith.constant 0 : i32
      %dma_wait3A_385 = tpu.memref_slice %arg6[%rem3A_374, %dma_wait3A_383, %dma_wait3A_384] : memref<3x1024x32xf32, #tpu.memory_space<vmem>> -> memref<1x1024x32xf32, #tpu.memory_space<vmem>>
      %dma_wait3A_386 = tpu.memref_squeeze %dma_wait3A_385 : memref<1x1024x32xf32, #tpu.memory_space<vmem>> -> memref<1024x32xf32, #tpu.memory_space<vmem>>
      %dma_wait3A_387 = arith.constant 0 : i32
      %dma_wait3A_388 = arith.constant 0 : i32
      %dma_wait3A_389 = tpu.memref_slice %arg3[%dma_wait3A_387, %dma_wait3A_388] : memref<1000448x32xf32, #tpu.memory_space<hbm>> -> memref<1024x32xf32, #tpu.memory_space<hbm>>
      tpu.wait_dma2 semaphore(%dma_wait3A_382 : memref<!tpu.dma_semaphore, #tpu.memory_space<semaphore_mem>>) src(%dma_wait3A_389 : memref<1024x32xf32, #tpu.memory_space<hbm>>) dst(%dma_wait3A_386 : memref<1024x32xf32, #tpu.memory_space<vmem>>)
      %mul3A_390 = arith.constant 1024 : i32
      %mul3A_391 = arith.muli %scan3A_373, %mul3A_390 : i32
      %add3A_392 = arith.addi %mul3A_2, %mul3A_391 : i32
      "tpu.region"() ({
        %run_scoped3A = tpu.sem_alloc : memref<!tpu.dma_semaphore, #tpu.memory_space<semaphore_mem>>
        %dma_start3A_397 = arith.constant 0 : i32
        %dma_start3A_398 = arith.constant 0 : i32
        %dma_start3A_399 = tpu.memref_slice %arg6[%rem3A_374, %dma_start3A_397, %dma_start3A_398] : memref<3x1024x32xf32, #tpu.memory_space<vmem>> -> memref<1x1024x32xf32, #tpu.memory_space<vmem>>
        %dma_start3A_400 = tpu.memref_squeeze %dma_start3A_399 : memref<1x1024x32xf32, #tpu.memory_space<vmem>> -> memref<1024x32xf32, #tpu.memory_space<vmem>>
        %dma_start3A_401 = arith.constant 0 : i32
        %dma_start3A_402 = tpu.memref_slice %arg4[%add3A_392, %dma_start3A_401] : memref<425984x32xf32, #tpu.memory_space<hbm>> -> memref<1024x32xf32, #tpu.memory_space<hbm>>
        %dma_start3A_403 = arith.constant 0 : i32
        %dma_start3A_404 = tpu.memref_slice %arg4[%add3A_392, %dma_start3A_403] : memref<425984x32xf32, #tpu.memory_space<hbm>> -> memref<1024x32xf32, #tpu.memory_space<hbm>>
        %dma_start3A_405 = arith.constant 0 : i32
        %dma_start3A_406 = arith.constant 0 : i32
        %dma_start3A_407 = tpu.memref_slice %arg6[%rem3A_374, %dma_start3A_405, %dma_start3A_406] : memref<3x1024x32xf32, #tpu.memory_space<vmem>> -> memref<1x1024x32xf32, #tpu.memory_space<vmem>>
        %dma_start3A_408 = tpu.memref_squeeze %dma_start3A_407 : memref<1x1024x32xf32, #tpu.memory_space<vmem>> -> memref<1024x32xf32, #tpu.memory_space<vmem>>
        tpu.enqueue_dma source(%dma_start3A_408 : memref<1024x32xf32, #tpu.memory_space<vmem>>) target(%dma_start3A_404 : memref<1024x32xf32, #tpu.memory_space<hbm>>) target_semaphore(%run_scoped3A : memref<!tpu.dma_semaphore, #tpu.memory_space<semaphore_mem>>)
        %dma_wait3A_409 = arith.constant 0 : i32
        %dma_wait3A_410 = arith.constant 0 : i32
        %dma_wait3A_411 = tpu.memref_slice %arg6[%rem3A_374, %dma_wait3A_409, %dma_wait3A_410] : memref<3x1024x32xf32, #tpu.memory_space<vmem>> -> memref<1x1024x32xf32, #tpu.memory_space<vmem>>
        %dma_wait3A_412 = tpu.memref_squeeze %dma_wait3A_411 : memref<1x1024x32xf32, #tpu.memory_space<vmem>> -> memref<1024x32xf32, #tpu.memory_space<vmem>>
        %dma_wait3A_413 = arith.constant 0 : i32
        %dma_wait3A_414 = tpu.memref_slice %arg4[%add3A_392, %dma_wait3A_413] : memref<425984x32xf32, #tpu.memory_space<hbm>> -> memref<1024x32xf32, #tpu.memory_space<hbm>>
        %dma_wait3A_415 = arith.constant 0 : i32
        %dma_wait3A_416 = tpu.memref_slice %arg4[%add3A_392, %dma_wait3A_415] : memref<425984x32xf32, #tpu.memory_space<hbm>> -> memref<1024x32xf32, #tpu.memory_space<hbm>>
        %dma_wait3A_417 = arith.constant 0 : i32
        %dma_wait3A_418 = arith.constant 0 : i32
        %dma_wait3A_419 = tpu.memref_slice %arg6[%rem3A_374, %dma_wait3A_417, %dma_wait3A_418] : memref<3x1024x32xf32, #tpu.memory_space<vmem>> -> memref<1x1024x32xf32, #tpu.memory_space<vmem>>
        %dma_wait3A_420 = tpu.memref_squeeze %dma_wait3A_419 : memref<1x1024x32xf32, #tpu.memory_space<vmem>> -> memref<1024x32xf32, #tpu.memory_space<vmem>>
        tpu.wait_dma2 semaphore(%run_scoped3A : memref<!tpu.dma_semaphore, #tpu.memory_space<semaphore_mem>>) src(%dma_wait3A_420 : memref<1024x32xf32, #tpu.memory_space<vmem>>) dst(%dma_wait3A_416 : memref<1024x32xf32, #tpu.memory_space<hbm>>)
        tpu.yield
      }) : () -> ()
      %add3A_393 = arith.constant 3 : i32
      %add3A_394 = arith.addi %scan3A_373, %add3A_393 : i32
      %lt3A = arith.constant 13 : i32
      %lt3A_395 = arith.cmpi slt, %add3A_394, %lt3A : i32
      %convert_element_type3A = arith.extui %lt3A_395 : i1 to i32
      %cond3A = arith.constant 0 : i32
      %cond3A_396 = arith.cmpi ne, %convert_element_type3A, %cond3A : i32
      scf.if %cond3A_396 {
        %add3A_397 = arith.constant 3 : i32
        %add3A_398 = arith.addi %scan3A_373, %add3A_397 : i32
        %mul3A_399 = arith.constant 8 : i32
        %mul3A_400 = arith.muli %add3A_398, %mul3A_399 : i32
        %add3A_401 = arith.constant 0 : i32
        %add3A_402 = arith.addi %mul3A_400, %add3A_401 : i32
        %dma_start3A_403 = arith.constant 0 : i32
        %dma_start3A_404 = arith.constant 0 : i32
        %dma_start3A_405 = tpu.memref_slice %arg6[%rem3A_374, %dma_start3A_403, %dma_start3A_404] : memref<3x1024x32xf32, #tpu.memory_space<vmem>> -> memref<1x128x32xf32, #tpu.memory_space<vmem>>
        %dma_start3A_406 = tpu.memref_squeeze %dma_start3A_405 : memref<1x128x32xf32, #tpu.memory_space<vmem>> -> memref<128x32xf32, #tpu.memory_space<vmem>>
        %dma_start3A_407 = arith.constant 0 : i32
        %dma_start3A_408 = tpu.memref_slice %arg5[%add3A_402, %dma_start3A_407] : memref<104x128xi32, #tpu.memory_space<vmem>> -> memref<1x128xi32, #tpu.memory_space<vmem>>
        %dma_start3A_409 = tpu.memref_squeeze %dma_start3A_408 : memref<1x128xi32, #tpu.memory_space<vmem>> -> memref<128xi32, #tpu.memory_space<vmem>>
        %dma_start3A_410 = arith.constant 0 : i32
        %dma_start3A_411 = arith.constant 0 : i32
        %dma_start3A_412 = tpu.memref_slice %arg3[%dma_start3A_410, %dma_start3A_411] : memref<1000448x32xf32, #tpu.memory_space<hbm>> -> memref<1000448x32xf32, #tpu.memory_space<hbm>>
        %dma_start3A_413 = tpu.memref_slice %arg7[%rem3A_374] : memref<3x!tpu.dma_semaphore, #tpu.memory_space<semaphore_mem>> -> memref<1x!tpu.dma_semaphore, #tpu.memory_space<semaphore_mem>>
        %dma_start3A_414 = tpu.memref_squeeze %dma_start3A_413 : memref<1x!tpu.dma_semaphore, #tpu.memory_space<semaphore_mem>> -> memref<!tpu.dma_semaphore, #tpu.memory_space<semaphore_mem>>
        tpu.enqueue_indirect_dma source(%dma_start3A_412 : memref<1000448x32xf32, #tpu.memory_space<hbm>>) target(%dma_start3A_406 : memref<128x32xf32, #tpu.memory_space<vmem>>) offsets(%dma_start3A_409 : memref<128xi32, #tpu.memory_space<vmem>>) semaphore(%dma_start3A_414 : memref<!tpu.dma_semaphore, #tpu.memory_space<semaphore_mem>>)
        %mul3A_415 = arith.constant 8 : i32
        %mul3A_416 = arith.muli %add3A_398, %mul3A_415 : i32
        %add3A_417 = arith.constant 1 : i32
        %add3A_418 = arith.addi %mul3A_416, %add3A_417 : i32
        %dma_start3A_419 = arith.constant 128 : i32
        %dma_start3A_420 = arith.constant 0 : i32
        %dma_start3A_421 = tpu.memref_slice %arg6[%rem3A_374, %dma_start3A_419, %dma_start3A_420] : memref<3x1024x32xf32, #tpu.memory_space<vmem>> -> memref<1x128x32xf32, #tpu.memory_space<vmem>>
        %dma_start3A_422 = tpu.memref_squeeze %dma_start3A_421 : memref<1x128x32xf32, #tpu.memory_space<vmem>> -> memref<128x32xf32, #tpu.memory_space<vmem>>
        %dma_start3A_423 = arith.constant 0 : i32
        %dma_start3A_424 = tpu.memref_slice %arg5[%add3A_418, %dma_start3A_423] : memref<104x128xi32, #tpu.memory_space<vmem>> -> memref<1x128xi32, #tpu.memory_space<vmem>>
        %dma_start3A_425 = tpu.memref_squeeze %dma_start3A_424 : memref<1x128xi32, #tpu.memory_space<vmem>> -> memref<128xi32, #tpu.memory_space<vmem>>
        %dma_start3A_426 = arith.constant 0 : i32
        %dma_start3A_427 = arith.constant 0 : i32
        %dma_start3A_428 = tpu.memref_slice %arg3[%dma_start3A_426, %dma_start3A_427] : memref<1000448x32xf32, #tpu.memory_space<hbm>> -> memref<1000448x32xf32, #tpu.memory_space<hbm>>
        %dma_start3A_429 = tpu.memref_slice %arg7[%rem3A_374] : memref<3x!tpu.dma_semaphore, #tpu.memory_space<semaphore_mem>> -> memref<1x!tpu.dma_semaphore, #tpu.memory_space<semaphore_mem>>
        %dma_start3A_430 = tpu.memref_squeeze %dma_start3A_429 : memref<1x!tpu.dma_semaphore, #tpu.memory_space<semaphore_mem>> -> memref<!tpu.dma_semaphore, #tpu.memory_space<semaphore_mem>>
        tpu.enqueue_indirect_dma source(%dma_start3A_428 : memref<1000448x32xf32, #tpu.memory_space<hbm>>) target(%dma_start3A_422 : memref<128x32xf32, #tpu.memory_space<vmem>>) offsets(%dma_start3A_425 : memref<128xi32, #tpu.memory_space<vmem>>) semaphore(%dma_start3A_430 : memref<!tpu.dma_semaphore, #tpu.memory_space<semaphore_mem>>)
        %mul3A_431 = arith.constant 8 : i32
        %mul3A_432 = arith.muli %add3A_398, %mul3A_431 : i32
        %add3A_433 = arith.constant 2 : i32
        %add3A_434 = arith.addi %mul3A_432, %add3A_433 : i32
        %dma_start3A_435 = arith.constant 256 : i32
        %dma_start3A_436 = arith.constant 0 : i32
        %dma_start3A_437 = tpu.memref_slice %arg6[%rem3A_374, %dma_start3A_435, %dma_start3A_436] : memref<3x1024x32xf32, #tpu.memory_space<vmem>> -> memref<1x128x32xf32, #tpu.memory_space<vmem>>
        %dma_start3A_438 = tpu.memref_squeeze %dma_start3A_437 : memref<1x128x32xf32, #tpu.memory_space<vmem>> -> memref<128x32xf32, #tpu.memory_space<vmem>>
        %dma_start3A_439 = arith.constant 0 : i32
        %dma_start3A_440 = tpu.memref_slice %arg5[%add3A_434, %dma_start3A_439] : memref<104x128xi32, #tpu.memory_space<vmem>> -> memref<1x128xi32, #tpu.memory_space<vmem>>
        %dma_start3A_441 = tpu.memref_squeeze %dma_start3A_440 : memref<1x128xi32, #tpu.memory_space<vmem>> -> memref<128xi32, #tpu.memory_space<vmem>>
        %dma_start3A_442 = arith.constant 0 : i32
        %dma_start3A_443 = arith.constant 0 : i32
        %dma_start3A_444 = tpu.memref_slice %arg3[%dma_start3A_442, %dma_start3A_443] : memref<1000448x32xf32, #tpu.memory_space<hbm>> -> memref<1000448x32xf32, #tpu.memory_space<hbm>>
        %dma_start3A_445 = tpu.memref_slice %arg7[%rem3A_374] : memref<3x!tpu.dma_semaphore, #tpu.memory_space<semaphore_mem>> -> memref<1x!tpu.dma_semaphore, #tpu.memory_space<semaphore_mem>>
        %dma_start3A_446 = tpu.memref_squeeze %dma_start3A_445 : memref<1x!tpu.dma_semaphore, #tpu.memory_space<semaphore_mem>> -> memref<!tpu.dma_semaphore, #tpu.memory_space<semaphore_mem>>
        tpu.enqueue_indirect_dma source(%dma_start3A_444 : memref<1000448x32xf32, #tpu.memory_space<hbm>>) target(%dma_start3A_438 : memref<128x32xf32, #tpu.memory_space<vmem>>) offsets(%dma_start3A_441 : memref<128xi32, #tpu.memory_space<vmem>>) semaphore(%dma_start3A_446 : memref<!tpu.dma_semaphore, #tpu.memory_space<semaphore_mem>>)
        %mul3A_447 = arith.constant 8 : i32
        %mul3A_448 = arith.muli %add3A_398, %mul3A_447 : i32
        %add3A_449 = arith.constant 3 : i32
        %add3A_450 = arith.addi %mul3A_448, %add3A_449 : i32
        %dma_start3A_451 = arith.constant 384 : i32
        %dma_start3A_452 = arith.constant 0 : i32
        %dma_start3A_453 = tpu.memref_slice %arg6[%rem3A_374, %dma_start3A_451, %dma_start3A_452] : memref<3x1024x32xf32, #tpu.memory_space<vmem>> -> memref<1x128x32xf32, #tpu.memory_space<vmem>>
        %dma_start3A_454 = tpu.memref_squeeze %dma_start3A_453 : memref<1x128x32xf32, #tpu.memory_space<vmem>> -> memref<128x32xf32, #tpu.memory_space<vmem>>
        %dma_start3A_455 = arith.constant 0 : i32
        %dma_start3A_456 = tpu.memref_slice %arg5[%add3A_450, %dma_start3A_455] : memref<104x128xi32, #tpu.memory_space<vmem>> -> memref<1x128xi32, #tpu.memory_space<vmem>>
        %dma_start3A_457 = tpu.memref_squeeze %dma_start3A_456 : memref<1x128xi32, #tpu.memory_space<vmem>> -> memref<128xi32, #tpu.memory_space<vmem>>
        %dma_start3A_458 = arith.constant 0 : i32
        %dma_start3A_459 = arith.constant 0 : i32
        %dma_start3A_460 = tpu.memref_slice %arg3[%dma_start3A_458, %dma_start3A_459] : memref<1000448x32xf32, #tpu.memory_space<hbm>> -> memref<1000448x32xf32, #tpu.memory_space<hbm>>
        %dma_start3A_461 = tpu.memref_slice %arg7[%rem3A_374] : memref<3x!tpu.dma_semaphore, #tpu.memory_space<semaphore_mem>> -> memref<1x!tpu.dma_semaphore, #tpu.memory_space<semaphore_mem>>
        %dma_start3A_462 = tpu.memref_squeeze %dma_start3A_461 : memref<1x!tpu.dma_semaphore, #tpu.memory_space<semaphore_mem>> -> memref<!tpu.dma_semaphore, #tpu.memory_space<semaphore_mem>>
        tpu.enqueue_indirect_dma source(%dma_start3A_460 : memref<1000448x32xf32, #tpu.memory_space<hbm>>) target(%dma_start3A_454 : memref<128x32xf32, #tpu.memory_space<vmem>>) offsets(%dma_start3A_457 : memref<128xi32, #tpu.memory_space<vmem>>) semaphore(%dma_start3A_462 : memref<!tpu.dma_semaphore, #tpu.memory_space<semaphore_mem>>)
        %mul3A_463 = arith.constant 8 : i32
        %mul3A_464 = arith.muli %add3A_398, %mul3A_463 : i32
        %add3A_465 = arith.constant 4 : i32
        %add3A_466 = arith.addi %mul3A_464, %add3A_465 : i32
        %dma_start3A_467 = arith.constant 512 : i32
        %dma_start3A_468 = arith.constant 0 : i32
        %dma_start3A_469 = tpu.memref_slice %arg6[%rem3A_374, %dma_start3A_467, %dma_start3A_468] : memref<3x1024x32xf32, #tpu.memory_space<vmem>> -> memref<1x128x32xf32, #tpu.memory_space<vmem>>
        %dma_start3A_470 = tpu.memref_squeeze %dma_start3A_469 : memref<1x128x32xf32, #tpu.memory_space<vmem>> -> memref<128x32xf32, #tpu.memory_space<vmem>>
        %dma_start3A_471 = arith.constant 0 : i32
        %dma_start3A_472 = tpu.memref_slice %arg5[%add3A_466, %dma_start3A_471] : memref<104x128xi32, #tpu.memory_space<vmem>> -> memref<1x128xi32, #tpu.memory_space<vmem>>
        %dma_start3A_473 = tpu.memref_squeeze %dma_start3A_472 : memref<1x128xi32, #tpu.memory_space<vmem>> -> memref<128xi32, #tpu.memory_space<vmem>>
        %dma_start3A_474 = arith.constant 0 : i32
        %dma_start3A_475 = arith.constant 0 : i32
        %dma_start3A_476 = tpu.memref_slice %arg3[%dma_start3A_474, %dma_start3A_475] : memref<1000448x32xf32, #tpu.memory_space<hbm>> -> memref<1000448x32xf32, #tpu.memory_space<hbm>>
        %dma_start3A_477 = tpu.memref_slice %arg7[%rem3A_374] : memref<3x!tpu.dma_semaphore, #tpu.memory_space<semaphore_mem>> -> memref<1x!tpu.dma_semaphore, #tpu.memory_space<semaphore_mem>>
        %dma_start3A_478 = tpu.memref_squeeze %dma_start3A_477 : memref<1x!tpu.dma_semaphore, #tpu.memory_space<semaphore_mem>> -> memref<!tpu.dma_semaphore, #tpu.memory_space<semaphore_mem>>
        tpu.enqueue_indirect_dma source(%dma_start3A_476 : memref<1000448x32xf32, #tpu.memory_space<hbm>>) target(%dma_start3A_470 : memref<128x32xf32, #tpu.memory_space<vmem>>) offsets(%dma_start3A_473 : memref<128xi32, #tpu.memory_space<vmem>>) semaphore(%dma_start3A_478 : memref<!tpu.dma_semaphore, #tpu.memory_space<semaphore_mem>>)
        %mul3A_479 = arith.constant 8 : i32
        %mul3A_480 = arith.muli %add3A_398, %mul3A_479 : i32
        %add3A_481 = arith.constant 5 : i32
        %add3A_482 = arith.addi %mul3A_480, %add3A_481 : i32
        %dma_start3A_483 = arith.constant 640 : i32
        %dma_start3A_484 = arith.constant 0 : i32
        %dma_start3A_485 = tpu.memref_slice %arg6[%rem3A_374, %dma_start3A_483, %dma_start3A_484] : memref<3x1024x32xf32, #tpu.memory_space<vmem>> -> memref<1x128x32xf32, #tpu.memory_space<vmem>>
        %dma_start3A_486 = tpu.memref_squeeze %dma_start3A_485 : memref<1x128x32xf32, #tpu.memory_space<vmem>> -> memref<128x32xf32, #tpu.memory_space<vmem>>
        %dma_start3A_487 = arith.constant 0 : i32
        %dma_start3A_488 = tpu.memref_slice %arg5[%add3A_482, %dma_start3A_487] : memref<104x128xi32, #tpu.memory_space<vmem>> -> memref<1x128xi32, #tpu.memory_space<vmem>>
        %dma_start3A_489 = tpu.memref_squeeze %dma_start3A_488 : memref<1x128xi32, #tpu.memory_space<vmem>> -> memref<128xi32, #tpu.memory_space<vmem>>
        %dma_start3A_490 = arith.constant 0 : i32
        %dma_start3A_491 = arith.constant 0 : i32
        %dma_start3A_492 = tpu.memref_slice %arg3[%dma_start3A_490, %dma_start3A_491] : memref<1000448x32xf32, #tpu.memory_space<hbm>> -> memref<1000448x32xf32, #tpu.memory_space<hbm>>
        %dma_start3A_493 = tpu.memref_slice %arg7[%rem3A_374] : memref<3x!tpu.dma_semaphore, #tpu.memory_space<semaphore_mem>> -> memref<1x!tpu.dma_semaphore, #tpu.memory_space<semaphore_mem>>
        %dma_start3A_494 = tpu.memref_squeeze %dma_start3A_493 : memref<1x!tpu.dma_semaphore, #tpu.memory_space<semaphore_mem>> -> memref<!tpu.dma_semaphore, #tpu.memory_space<semaphore_mem>>
        tpu.enqueue_indirect_dma source(%dma_start3A_492 : memref<1000448x32xf32, #tpu.memory_space<hbm>>) target(%dma_start3A_486 : memref<128x32xf32, #tpu.memory_space<vmem>>) offsets(%dma_start3A_489 : memref<128xi32, #tpu.memory_space<vmem>>) semaphore(%dma_start3A_494 : memref<!tpu.dma_semaphore, #tpu.memory_space<semaphore_mem>>)
        %mul3A_495 = arith.constant 8 : i32
        %mul3A_496 = arith.muli %add3A_398, %mul3A_495 : i32
        %add3A_497 = arith.constant 6 : i32
        %add3A_498 = arith.addi %mul3A_496, %add3A_497 : i32
        %dma_start3A_499 = arith.constant 768 : i32
        %dma_start3A_500 = arith.constant 0 : i32
        %dma_start3A_501 = tpu.memref_slice %arg6[%rem3A_374, %dma_start3A_499, %dma_start3A_500] : memref<3x1024x32xf32, #tpu.memory_space<vmem>> -> memref<1x128x32xf32, #tpu.memory_space<vmem>>
        %dma_start3A_502 = tpu.memref_squeeze %dma_start3A_501 : memref<1x128x32xf32, #tpu.memory_space<vmem>> -> memref<128x32xf32, #tpu.memory_space<vmem>>
        %dma_start3A_503 = arith.constant 0 : i32
        %dma_start3A_504 = tpu.memref_slice %arg5[%add3A_498, %dma_start3A_503] : memref<104x128xi32, #tpu.memory_space<vmem>> -> memref<1x128xi32, #tpu.memory_space<vmem>>
        %dma_start3A_505 = tpu.memref_squeeze %dma_start3A_504 : memref<1x128xi32, #tpu.memory_space<vmem>> -> memref<128xi32, #tpu.memory_space<vmem>>
        %dma_start3A_506 = arith.constant 0 : i32
        %dma_start3A_507 = arith.constant 0 : i32
        %dma_start3A_508 = tpu.memref_slice %arg3[%dma_start3A_506, %dma_start3A_507] : memref<1000448x32xf32, #tpu.memory_space<hbm>> -> memref<1000448x32xf32, #tpu.memory_space<hbm>>
        %dma_start3A_509 = tpu.memref_slice %arg7[%rem3A_374] : memref<3x!tpu.dma_semaphore, #tpu.memory_space<semaphore_mem>> -> memref<1x!tpu.dma_semaphore, #tpu.memory_space<semaphore_mem>>
        %dma_start3A_510 = tpu.memref_squeeze %dma_start3A_509 : memref<1x!tpu.dma_semaphore, #tpu.memory_space<semaphore_mem>> -> memref<!tpu.dma_semaphore, #tpu.memory_space<semaphore_mem>>
        tpu.enqueue_indirect_dma source(%dma_start3A_508 : memref<1000448x32xf32, #tpu.memory_space<hbm>>) target(%dma_start3A_502 : memref<128x32xf32, #tpu.memory_space<vmem>>) offsets(%dma_start3A_505 : memref<128xi32, #tpu.memory_space<vmem>>) semaphore(%dma_start3A_510 : memref<!tpu.dma_semaphore, #tpu.memory_space<semaphore_mem>>)
        %mul3A_511 = arith.constant 8 : i32
        %mul3A_512 = arith.muli %add3A_398, %mul3A_511 : i32
        %add3A_513 = arith.constant 7 : i32
        %add3A_514 = arith.addi %mul3A_512, %add3A_513 : i32
        %dma_start3A_515 = arith.constant 896 : i32
        %dma_start3A_516 = arith.constant 0 : i32
        %dma_start3A_517 = tpu.memref_slice %arg6[%rem3A_374, %dma_start3A_515, %dma_start3A_516] : memref<3x1024x32xf32, #tpu.memory_space<vmem>> -> memref<1x128x32xf32, #tpu.memory_space<vmem>>
        %dma_start3A_518 = tpu.memref_squeeze %dma_start3A_517 : memref<1x128x32xf32, #tpu.memory_space<vmem>> -> memref<128x32xf32, #tpu.memory_space<vmem>>
        %dma_start3A_519 = arith.constant 0 : i32
        %dma_start3A_520 = tpu.memref_slice %arg5[%add3A_514, %dma_start3A_519] : memref<104x128xi32, #tpu.memory_space<vmem>> -> memref<1x128xi32, #tpu.memory_space<vmem>>
        %dma_start3A_521 = tpu.memref_squeeze %dma_start3A_520 : memref<1x128xi32, #tpu.memory_space<vmem>> -> memref<128xi32, #tpu.memory_space<vmem>>
        %dma_start3A_522 = arith.constant 0 : i32
        %dma_start3A_523 = arith.constant 0 : i32
        %dma_start3A_524 = tpu.memref_slice %arg3[%dma_start3A_522, %dma_start3A_523] : memref<1000448x32xf32, #tpu.memory_space<hbm>> -> memref<1000448x32xf32, #tpu.memory_space<hbm>>
        %dma_start3A_525 = tpu.memref_slice %arg7[%rem3A_374] : memref<3x!tpu.dma_semaphore, #tpu.memory_space<semaphore_mem>> -> memref<1x!tpu.dma_semaphore, #tpu.memory_space<semaphore_mem>>
        %dma_start3A_526 = tpu.memref_squeeze %dma_start3A_525 : memref<1x!tpu.dma_semaphore, #tpu.memory_space<semaphore_mem>> -> memref<!tpu.dma_semaphore, #tpu.memory_space<semaphore_mem>>
        tpu.enqueue_indirect_dma source(%dma_start3A_524 : memref<1000448x32xf32, #tpu.memory_space<hbm>>) target(%dma_start3A_518 : memref<128x32xf32, #tpu.memory_space<vmem>>) offsets(%dma_start3A_521 : memref<128xi32, #tpu.memory_space<vmem>>) semaphore(%dma_start3A_526 : memref<!tpu.dma_semaphore, #tpu.memory_space<semaphore_mem>>)
      } else {
      }
    }
    %scan3A_372 = arith.constant 13 : i32
    return
  }
}

module attributes {stable_mosaic.version = 14 : i64} {
  func.func @body(%arg0: i32, %arg1: memref<32x65536xf32, #tpu.memory_space<vmem>>, %arg2: memref<16384x128xf32, #tpu.memory_space<vmem>>) attributes {dimension_semantics = [#tpu.dimension_semantics<arbitrary>], iteration_bounds = array<i64: 16>, scalar_prefetch = 0 : i64, scratch_operands = 0 : i64, tpu.core_type = #tpu.core_type<tc>, window_params = [{transform_indices = @transform_0, window_bounds = array<i64: 32, 65536>}, {transform_indices = @transform_1, window_bounds = array<i64: 16384, 128>}]} {
    %get3A = arith.constant 0 : index
    %get3A_0 = arith.constant 0 : index
    %get3A_1 = vector.load %arg1[%get3A, %get3A_0] : memref<32x65536xf32, #tpu.memory_space<vmem>>, vector<32x65536xf32>
    %slice3A = vector.extract_strided_slice %get3A_1 {offsets = [0, 0], sizes = [32, 512], strides = [1, 1]} : vector<32x65536xf32> to vector<32x512xf32>
    %slice3A_2 = vector.extract_strided_slice %slice3A {offsets = [0, 0], sizes = [32, 128], strides = [1, 1]} : vector<32x512xf32> to vector<32x128xf32>
    %slice3A_3 = vector.extract_strided_slice %slice3A {offsets = [0, 128], sizes = [32, 128], strides = [1, 1]} : vector<32x512xf32> to vector<32x128xf32>
    %slice3A_4 = vector.extract_strided_slice %slice3A {offsets = [0, 256], sizes = [32, 128], strides = [1, 1]} : vector<32x512xf32> to vector<32x128xf32>
    %slice3A_5 = vector.extract_strided_slice %slice3A {offsets = [0, 384], sizes = [32, 128], strides = [1, 1]} : vector<32x512xf32> to vector<32x128xf32>
    %concatenate3A = tpu.concatenate %slice3A_2, %slice3A_3, %slice3A_4, %slice3A_5 in 0 : vector<32x128xf32>, vector<32x128xf32>, vector<32x128xf32>, vector<32x128xf32> -> vector<128x128xf32>
    %transpose3A = tpu.transpose %concatenate3A, [1, 0] : vector<128x128xf32> -> vector<128x128xf32>
    %swap3A = arith.constant 0 : index
    %swap3A_6 = arith.constant 0 : index
    %swap3A_7 = vector.load %arg2[%swap3A, %swap3A_6] : memref<16384x128xf32, #tpu.memory_space<vmem>>, vector<128x128xf32>
    tpu.vector_store %arg2[%swap3A, %swap3A_6], %transpose3A {strides = array<i32>} : memref<16384x128xf32, #tpu.memory_space<vmem>>, vector<128x128xf32>,
    %slice3A_8 = vector.extract_strided_slice %get3A_1 {offsets = [0, 512], sizes = [32, 512], strides = [1, 1]} : vector<32x65536xf32> to vector<32x512xf32>
    %slice3A_9 = vector.extract_strided_slice %slice3A_8 {offsets = [0, 0], sizes = [32, 128], strides = [1, 1]} : vector<32x512xf32> to vector<32x128xf32>
    %slice3A_10 = vector.extract_strided_slice %slice3A_8 {offsets = [0, 128], sizes = [32, 128], strides = [1, 1]} : vector<32x512xf32> to vector<32x128xf32>
    %slice3A_11 = vector.extract_strided_slice %slice3A_8 {offsets = [0, 256], sizes = [32, 128], strides = [1, 1]} : vector<32x512xf32> to vector<32x128xf32>
    %slice3A_12 = vector.extract_strided_slice %slice3A_8 {offsets = [0, 384], sizes = [32, 128], strides = [1, 1]} : vector<32x512xf32> to vector<32x128xf32>
    %concatenate3A_13 = tpu.concatenate %slice3A_9, %slice3A_10, %slice3A_11, %slice3A_12 in 0 : vector<32x128xf32>, vector<32x128xf32>, vector<32x128xf32>, vector<32x128xf32> -> vector<128x128xf32>
    %transpose3A_14 = tpu.transpose %concatenate3A_13, [1, 0] : vector<128x128xf32> -> vector<128x128xf32>
    %swap3A_15 = arith.constant 128 : index
    %swap3A_16 = arith.constant 0 : index
    %swap3A_17 = vector.load %arg2[%swap3A_15, %swap3A_16] : memref<16384x128xf32, #tpu.memory_space<vmem>>, vector<128x128xf32>
    tpu.vector_store %arg2[%swap3A_15, %swap3A_16], %transpose3A_14 {strides = array<i32>} : memref<16384x128xf32, #tpu.memory_space<vmem>>, vector<128x128xf32>,
    %slice3A_18 = vector.extract_strided_slice %get3A_1 {offsets = [0, 1024], sizes = [32, 512], strides = [1, 1]} : vector<32x65536xf32> to vector<32x512xf32>
    %slice3A_19 = vector.extract_strided_slice %slice3A_18 {offsets = [0, 0], sizes = [32, 128], strides = [1, 1]} : vector<32x512xf32> to vector<32x128xf32>
    %slice3A_20 = vector.extract_strided_slice %slice3A_18 {offsets = [0, 128], sizes = [32, 128], strides = [1, 1]} : vector<32x512xf32> to vector<32x128xf32>
    %slice3A_21 = vector.extract_strided_slice %slice3A_18 {offsets = [0, 256], sizes = [32, 128], strides = [1, 1]} : vector<32x512xf32> to vector<32x128xf32>
    %slice3A_22 = vector.extract_strided_slice %slice3A_18 {offsets = [0, 384], sizes = [32, 128], strides = [1, 1]} : vector<32x512xf32> to vector<32x128xf32>
    %concatenate3A_23 = tpu.concatenate %slice3A_19, %slice3A_20, %slice3A_21, %slice3A_22 in 0 : vector<32x128xf32>, vector<32x128xf32>, vector<32x128xf32>, vector<32x128xf32> -> vector<128x128xf32>
    %transpose3A_24 = tpu.transpose %concatenate3A_23, [1, 0] : vector<128x128xf32> -> vector<128x128xf32>
    %swap3A_25 = arith.constant 256 : index
    %swap3A_26 = arith.constant 0 : index
    %swap3A_27 = vector.load %arg2[%swap3A_25, %swap3A_26] : memref<16384x128xf32, #tpu.memory_space<vmem>>, vector<128x128xf32>
    tpu.vector_store %arg2[%swap3A_25, %swap3A_26], %transpose3A_24 {strides = array<i32>} : memref<16384x128xf32, #tpu.memory_space<vmem>>, vector<128x128xf32>,
    %slice3A_28 = vector.extract_strided_slice %get3A_1 {offsets = [0, 1536], sizes = [32, 512], strides = [1, 1]} : vector<32x65536xf32> to vector<32x512xf32>
    %slice3A_29 = vector.extract_strided_slice %slice3A_28 {offsets = [0, 0], sizes = [32, 128], strides = [1, 1]} : vector<32x512xf32> to vector<32x128xf32>
    %slice3A_30 = vector.extract_strided_slice %slice3A_28 {offsets = [0, 128], sizes = [32, 128], strides = [1, 1]} : vector<32x512xf32> to vector<32x128xf32>
    %slice3A_31 = vector.extract_strided_slice %slice3A_28 {offsets = [0, 256], sizes = [32, 128], strides = [1, 1]} : vector<32x512xf32> to vector<32x128xf32>
    %slice3A_32 = vector.extract_strided_slice %slice3A_28 {offsets = [0, 384], sizes = [32, 128], strides = [1, 1]} : vector<32x512xf32> to vector<32x128xf32>
    %concatenate3A_33 = tpu.concatenate %slice3A_29, %slice3A_30, %slice3A_31, %slice3A_32 in 0 : vector<32x128xf32>, vector<32x128xf32>, vector<32x128xf32>, vector<32x128xf32> -> vector<128x128xf32>
    %transpose3A_34 = tpu.transpose %concatenate3A_33, [1, 0] : vector<128x128xf32> -> vector<128x128xf32>
    %swap3A_35 = arith.constant 384 : index
    %swap3A_36 = arith.constant 0 : index
    %swap3A_37 = vector.load %arg2[%swap3A_35, %swap3A_36] : memref<16384x128xf32, #tpu.memory_space<vmem>>, vector<128x128xf32>
    tpu.vector_store %arg2[%swap3A_35, %swap3A_36], %transpose3A_34 {strides = array<i32>} : memref<16384x128xf32, #tpu.memory_space<vmem>>, vector<128x128xf32>,
    %slice3A_38 = vector.extract_strided_slice %get3A_1 {offsets = [0, 2048], sizes = [32, 512], strides = [1, 1]} : vector<32x65536xf32> to vector<32x512xf32>
    %slice3A_39 = vector.extract_strided_slice %slice3A_38 {offsets = [0, 0], sizes = [32, 128], strides = [1, 1]} : vector<32x512xf32> to vector<32x128xf32>
    %slice3A_40 = vector.extract_strided_slice %slice3A_38 {offsets = [0, 128], sizes = [32, 128], strides = [1, 1]} : vector<32x512xf32> to vector<32x128xf32>
    %slice3A_41 = vector.extract_strided_slice %slice3A_38 {offsets = [0, 256], sizes = [32, 128], strides = [1, 1]} : vector<32x512xf32> to vector<32x128xf32>
    %slice3A_42 = vector.extract_strided_slice %slice3A_38 {offsets = [0, 384], sizes = [32, 128], strides = [1, 1]} : vector<32x512xf32> to vector<32x128xf32>
    %concatenate3A_43 = tpu.concatenate %slice3A_39, %slice3A_40, %slice3A_41, %slice3A_42 in 0 : vector<32x128xf32>, vector<32x128xf32>, vector<32x128xf32>, vector<32x128xf32> -> vector<128x128xf32>
    %transpose3A_44 = tpu.transpose %concatenate3A_43, [1, 0] : vector<128x128xf32> -> vector<128x128xf32>
    %swap3A_45 = arith.constant 512 : index
    %swap3A_46 = arith.constant 0 : index
    %swap3A_47 = vector.load %arg2[%swap3A_45, %swap3A_46] : memref<16384x128xf32, #tpu.memory_space<vmem>>, vector<128x128xf32>
    tpu.vector_store %arg2[%swap3A_45, %swap3A_46], %transpose3A_44 {strides = array<i32>} : memref<16384x128xf32, #tpu.memory_space<vmem>>, vector<128x128xf32>,
    %slice3A_48 = vector.extract_strided_slice %get3A_1 {offsets = [0, 2560], sizes = [32, 512], strides = [1, 1]} : vector<32x65536xf32> to vector<32x512xf32>
    %slice3A_49 = vector.extract_strided_slice %slice3A_48 {offsets = [0, 0], sizes = [32, 128], strides = [1, 1]} : vector<32x512xf32> to vector<32x128xf32>
    %slice3A_50 = vector.extract_strided_slice %slice3A_48 {offsets = [0, 128], sizes = [32, 128], strides = [1, 1]} : vector<32x512xf32> to vector<32x128xf32>
    %slice3A_51 = vector.extract_strided_slice %slice3A_48 {offsets = [0, 256], sizes = [32, 128], strides = [1, 1]} : vector<32x512xf32> to vector<32x128xf32>
    %slice3A_52 = vector.extract_strided_slice %slice3A_48 {offsets = [0, 384], sizes = [32, 128], strides = [1, 1]} : vector<32x512xf32> to vector<32x128xf32>
    %concatenate3A_53 = tpu.concatenate %slice3A_49, %slice3A_50, %slice3A_51, %slice3A_52 in 0 : vector<32x128xf32>, vector<32x128xf32>, vector<32x128xf32>, vector<32x128xf32> -> vector<128x128xf32>
    %transpose3A_54 = tpu.transpose %concatenate3A_53, [1, 0] : vector<128x128xf32> -> vector<128x128xf32>
    %swap3A_55 = arith.constant 640 : index
    %swap3A_56 = arith.constant 0 : index
    %swap3A_57 = vector.load %arg2[%swap3A_55, %swap3A_56] : memref<16384x128xf32, #tpu.memory_space<vmem>>, vector<128x128xf32>
    tpu.vector_store %arg2[%swap3A_55, %swap3A_56], %transpose3A_54 {strides = array<i32>} : memref<16384x128xf32, #tpu.memory_space<vmem>>, vector<128x128xf32>,
    %slice3A_58 = vector.extract_strided_slice %get3A_1 {offsets = [0, 3072], sizes = [32, 512], strides = [1, 1]} : vector<32x65536xf32> to vector<32x512xf32>
    %slice3A_59 = vector.extract_strided_slice %slice3A_58 {offsets = [0, 0], sizes = [32, 128], strides = [1, 1]} : vector<32x512xf32> to vector<32x128xf32>
    %slice3A_60 = vector.extract_strided_slice %slice3A_58 {offsets = [0, 128], sizes = [32, 128], strides = [1, 1]} : vector<32x512xf32> to vector<32x128xf32>
    %slice3A_61 = vector.extract_strided_slice %slice3A_58 {offsets = [0, 256], sizes = [32, 128], strides = [1, 1]} : vector<32x512xf32> to vector<32x128xf32>
    %slice3A_62 = vector.extract_strided_slice %slice3A_58 {offsets = [0, 384], sizes = [32, 128], strides = [1, 1]} : vector<32x512xf32> to vector<32x128xf32>
    %concatenate3A_63 = tpu.concatenate %slice3A_59, %slice3A_60, %slice3A_61, %slice3A_62 in 0 : vector<32x128xf32>, vector<32x128xf32>, vector<32x128xf32>, vector<32x128xf32> -> vector<128x128xf32>
    %transpose3A_64 = tpu.transpose %concatenate3A_63, [1, 0] : vector<128x128xf32> -> vector<128x128xf32>
    %swap3A_65 = arith.constant 768 : index
    %swap3A_66 = arith.constant 0 : index
    %swap3A_67 = vector.load %arg2[%swap3A_65, %swap3A_66] : memref<16384x128xf32, #tpu.memory_space<vmem>>, vector<128x128xf32>
    tpu.vector_store %arg2[%swap3A_65, %swap3A_66], %transpose3A_64 {strides = array<i32>} : memref<16384x128xf32, #tpu.memory_space<vmem>>, vector<128x128xf32>,
    %slice3A_68 = vector.extract_strided_slice %get3A_1 {offsets = [0, 3584], sizes = [32, 512], strides = [1, 1]} : vector<32x65536xf32> to vector<32x512xf32>
    %slice3A_69 = vector.extract_strided_slice %slice3A_68 {offsets = [0, 0], sizes = [32, 128], strides = [1, 1]} : vector<32x512xf32> to vector<32x128xf32>
    %slice3A_70 = vector.extract_strided_slice %slice3A_68 {offsets = [0, 128], sizes = [32, 128], strides = [1, 1]} : vector<32x512xf32> to vector<32x128xf32>
    %slice3A_71 = vector.extract_strided_slice %slice3A_68 {offsets = [0, 256], sizes = [32, 128], strides = [1, 1]} : vector<32x512xf32> to vector<32x128xf32>
    %slice3A_72 = vector.extract_strided_slice %slice3A_68 {offsets = [0, 384], sizes = [32, 128], strides = [1, 1]} : vector<32x512xf32> to vector<32x128xf32>
    %concatenate3A_73 = tpu.concatenate %slice3A_69, %slice3A_70, %slice3A_71, %slice3A_72 in 0 : vector<32x128xf32>, vector<32x128xf32>, vector<32x128xf32>, vector<32x128xf32> -> vector<128x128xf32>
    %transpose3A_74 = tpu.transpose %concatenate3A_73, [1, 0] : vector<128x128xf32> -> vector<128x128xf32>
    %swap3A_75 = arith.constant 896 : index
    %swap3A_76 = arith.constant 0 : index
    %swap3A_77 = vector.load %arg2[%swap3A_75, %swap3A_76] : memref<16384x128xf32, #tpu.memory_space<vmem>>, vector<128x128xf32>
    tpu.vector_store %arg2[%swap3A_75, %swap3A_76], %transpose3A_74 {strides = array<i32>} : memref<16384x128xf32, #tpu.memory_space<vmem>>, vector<128x128xf32>,
    %slice3A_78 = vector.extract_strided_slice %get3A_1 {offsets = [0, 4096], sizes = [32, 512], strides = [1, 1]} : vector<32x65536xf32> to vector<32x512xf32>
    %slice3A_79 = vector.extract_strided_slice %slice3A_78 {offsets = [0, 0], sizes = [32, 128], strides = [1, 1]} : vector<32x512xf32> to vector<32x128xf32>
    %slice3A_80 = vector.extract_strided_slice %slice3A_78 {offsets = [0, 128], sizes = [32, 128], strides = [1, 1]} : vector<32x512xf32> to vector<32x128xf32>
    %slice3A_81 = vector.extract_strided_slice %slice3A_78 {offsets = [0, 256], sizes = [32, 128], strides = [1, 1]} : vector<32x512xf32> to vector<32x128xf32>
    %slice3A_82 = vector.extract_strided_slice %slice3A_78 {offsets = [0, 384], sizes = [32, 128], strides = [1, 1]} : vector<32x512xf32> to vector<32x128xf32>
    %concatenate3A_83 = tpu.concatenate %slice3A_79, %slice3A_80, %slice3A_81, %slice3A_82 in 0 : vector<32x128xf32>, vector<32x128xf32>, vector<32x128xf32>, vector<32x128xf32> -> vector<128x128xf32>
    %transpose3A_84 = tpu.transpose %concatenate3A_83, [1, 0] : vector<128x128xf32> -> vector<128x128xf32>
    %swap3A_85 = arith.constant 1024 : index
    %swap3A_86 = arith.constant 0 : index
    %swap3A_87 = vector.load %arg2[%swap3A_85, %swap3A_86] : memref<16384x128xf32, #tpu.memory_space<vmem>>, vector<128x128xf32>
    tpu.vector_store %arg2[%swap3A_85, %swap3A_86], %transpose3A_84 {strides = array<i32>} : memref<16384x128xf32, #tpu.memory_space<vmem>>, vector<128x128xf32>,
    %slice3A_88 = vector.extract_strided_slice %get3A_1 {offsets = [0, 4608], sizes = [32, 512], strides = [1, 1]} : vector<32x65536xf32> to vector<32x512xf32>
    %slice3A_89 = vector.extract_strided_slice %slice3A_88 {offsets = [0, 0], sizes = [32, 128], strides = [1, 1]} : vector<32x512xf32> to vector<32x128xf32>
    %slice3A_90 = vector.extract_strided_slice %slice3A_88 {offsets = [0, 128], sizes = [32, 128], strides = [1, 1]} : vector<32x512xf32> to vector<32x128xf32>
    %slice3A_91 = vector.extract_strided_slice %slice3A_88 {offsets = [0, 256], sizes = [32, 128], strides = [1, 1]} : vector<32x512xf32> to vector<32x128xf32>
    %slice3A_92 = vector.extract_strided_slice %slice3A_88 {offsets = [0, 384], sizes = [32, 128], strides = [1, 1]} : vector<32x512xf32> to vector<32x128xf32>
    %concatenate3A_93 = tpu.concatenate %slice3A_89, %slice3A_90, %slice3A_91, %slice3A_92 in 0 : vector<32x128xf32>, vector<32x128xf32>, vector<32x128xf32>, vector<32x128xf32> -> vector<128x128xf32>
    %transpose3A_94 = tpu.transpose %concatenate3A_93, [1, 0] : vector<128x128xf32> -> vector<128x128xf32>
    %swap3A_95 = arith.constant 1152 : index
    %swap3A_96 = arith.constant 0 : index
    %swap3A_97 = vector.load %arg2[%swap3A_95, %swap3A_96] : memref<16384x128xf32, #tpu.memory_space<vmem>>, vector<128x128xf32>
    tpu.vector_store %arg2[%swap3A_95, %swap3A_96], %transpose3A_94 {strides = array<i32>} : memref<16384x128xf32, #tpu.memory_space<vmem>>, vector<128x128xf32>,
    %slice3A_98 = vector.extract_strided_slice %get3A_1 {offsets = [0, 5120], sizes = [32, 512], strides = [1, 1]} : vector<32x65536xf32> to vector<32x512xf32>
    %slice3A_99 = vector.extract_strided_slice %slice3A_98 {offsets = [0, 0], sizes = [32, 128], strides = [1, 1]} : vector<32x512xf32> to vector<32x128xf32>
    %slice3A_100 = vector.extract_strided_slice %slice3A_98 {offsets = [0, 128], sizes = [32, 128], strides = [1, 1]} : vector<32x512xf32> to vector<32x128xf32>
    %slice3A_101 = vector.extract_strided_slice %slice3A_98 {offsets = [0, 256], sizes = [32, 128], strides = [1, 1]} : vector<32x512xf32> to vector<32x128xf32>
    %slice3A_102 = vector.extract_strided_slice %slice3A_98 {offsets = [0, 384], sizes = [32, 128], strides = [1, 1]} : vector<32x512xf32> to vector<32x128xf32>
    %concatenate3A_103 = tpu.concatenate %slice3A_99, %slice3A_100, %slice3A_101, %slice3A_102 in 0 : vector<32x128xf32>, vector<32x128xf32>, vector<32x128xf32>, vector<32x128xf32> -> vector<128x128xf32>
    %transpose3A_104 = tpu.transpose %concatenate3A_103, [1, 0] : vector<128x128xf32> -> vector<128x128xf32>
    %swap3A_105 = arith.constant 1280 : index
    %swap3A_106 = arith.constant 0 : index
    %swap3A_107 = vector.load %arg2[%swap3A_105, %swap3A_106] : memref<16384x128xf32, #tpu.memory_space<vmem>>, vector<128x128xf32>
    tpu.vector_store %arg2[%swap3A_105, %swap3A_106], %transpose3A_104 {strides = array<i32>} : memref<16384x128xf32, #tpu.memory_space<vmem>>, vector<128x128xf32>,
    %slice3A_108 = vector.extract_strided_slice %get3A_1 {offsets = [0, 5632], sizes = [32, 512], strides = [1, 1]} : vector<32x65536xf32> to vector<32x512xf32>
    %slice3A_109 = vector.extract_strided_slice %slice3A_108 {offsets = [0, 0], sizes = [32, 128], strides = [1, 1]} : vector<32x512xf32> to vector<32x128xf32>
    %slice3A_110 = vector.extract_strided_slice %slice3A_108 {offsets = [0, 128], sizes = [32, 128], strides = [1, 1]} : vector<32x512xf32> to vector<32x128xf32>
    %slice3A_111 = vector.extract_strided_slice %slice3A_108 {offsets = [0, 256], sizes = [32, 128], strides = [1, 1]} : vector<32x512xf32> to vector<32x128xf32>
    %slice3A_112 = vector.extract_strided_slice %slice3A_108 {offsets = [0, 384], sizes = [32, 128], strides = [1, 1]} : vector<32x512xf32> to vector<32x128xf32>
    %concatenate3A_113 = tpu.concatenate %slice3A_109, %slice3A_110, %slice3A_111, %slice3A_112 in 0 : vector<32x128xf32>, vector<32x128xf32>, vector<32x128xf32>, vector<32x128xf32> -> vector<128x128xf32>
    %transpose3A_114 = tpu.transpose %concatenate3A_113, [1, 0] : vector<128x128xf32> -> vector<128x128xf32>
    %swap3A_115 = arith.constant 1408 : index
    %swap3A_116 = arith.constant 0 : index
    %swap3A_117 = vector.load %arg2[%swap3A_115, %swap3A_116] : memref<16384x128xf32, #tpu.memory_space<vmem>>, vector<128x128xf32>
    tpu.vector_store %arg2[%swap3A_115, %swap3A_116], %transpose3A_114 {strides = array<i32>} : memref<16384x128xf32, #tpu.memory_space<vmem>>, vector<128x128xf32>,
    %slice3A_118 = vector.extract_strided_slice %get3A_1 {offsets = [0, 6144], sizes = [32, 512], strides = [1, 1]} : vector<32x65536xf32> to vector<32x512xf32>
    %slice3A_119 = vector.extract_strided_slice %slice3A_118 {offsets = [0, 0], sizes = [32, 128], strides = [1, 1]} : vector<32x512xf32> to vector<32x128xf32>
    %slice3A_120 = vector.extract_strided_slice %slice3A_118 {offsets = [0, 128], sizes = [32, 128], strides = [1, 1]} : vector<32x512xf32> to vector<32x128xf32>
    %slice3A_121 = vector.extract_strided_slice %slice3A_118 {offsets = [0, 256], sizes = [32, 128], strides = [1, 1]} : vector<32x512xf32> to vector<32x128xf32>
    %slice3A_122 = vector.extract_strided_slice %slice3A_118 {offsets = [0, 384], sizes = [32, 128], strides = [1, 1]} : vector<32x512xf32> to vector<32x128xf32>
    %concatenate3A_123 = tpu.concatenate %slice3A_119, %slice3A_120, %slice3A_121, %slice3A_122 in 0 : vector<32x128xf32>, vector<32x128xf32>, vector<32x128xf32>, vector<32x128xf32> -> vector<128x128xf32>
    %transpose3A_124 = tpu.transpose %concatenate3A_123, [1, 0] : vector<128x128xf32> -> vector<128x128xf32>
    %swap3A_125 = arith.constant 1536 : index
    %swap3A_126 = arith.constant 0 : index
    %swap3A_127 = vector.load %arg2[%swap3A_125, %swap3A_126] : memref<16384x128xf32, #tpu.memory_space<vmem>>, vector<128x128xf32>
    tpu.vector_store %arg2[%swap3A_125, %swap3A_126], %transpose3A_124 {strides = array<i32>} : memref<16384x128xf32, #tpu.memory_space<vmem>>, vector<128x128xf32>,
    %slice3A_128 = vector.extract_strided_slice %get3A_1 {offsets = [0, 6656], sizes = [32, 512], strides = [1, 1]} : vector<32x65536xf32> to vector<32x512xf32>
    %slice3A_129 = vector.extract_strided_slice %slice3A_128 {offsets = [0, 0], sizes = [32, 128], strides = [1, 1]} : vector<32x512xf32> to vector<32x128xf32>
    %slice3A_130 = vector.extract_strided_slice %slice3A_128 {offsets = [0, 128], sizes = [32, 128], strides = [1, 1]} : vector<32x512xf32> to vector<32x128xf32>
    %slice3A_131 = vector.extract_strided_slice %slice3A_128 {offsets = [0, 256], sizes = [32, 128], strides = [1, 1]} : vector<32x512xf32> to vector<32x128xf32>
    %slice3A_132 = vector.extract_strided_slice %slice3A_128 {offsets = [0, 384], sizes = [32, 128], strides = [1, 1]} : vector<32x512xf32> to vector<32x128xf32>
    %concatenate3A_133 = tpu.concatenate %slice3A_129, %slice3A_130, %slice3A_131, %slice3A_132 in 0 : vector<32x128xf32>, vector<32x128xf32>, vector<32x128xf32>, vector<32x128xf32> -> vector<128x128xf32>
    %transpose3A_134 = tpu.transpose %concatenate3A_133, [1, 0] : vector<128x128xf32> -> vector<128x128xf32>
    %swap3A_135 = arith.constant 1664 : index
    %swap3A_136 = arith.constant 0 : index
    %swap3A_137 = vector.load %arg2[%swap3A_135, %swap3A_136] : memref<16384x128xf32, #tpu.memory_space<vmem>>, vector<128x128xf32>
    tpu.vector_store %arg2[%swap3A_135, %swap3A_136], %transpose3A_134 {strides = array<i32>} : memref<16384x128xf32, #tpu.memory_space<vmem>>, vector<128x128xf32>,
    %slice3A_138 = vector.extract_strided_slice %get3A_1 {offsets = [0, 7168], sizes = [32, 512], strides = [1, 1]} : vector<32x65536xf32> to vector<32x512xf32>
    %slice3A_139 = vector.extract_strided_slice %slice3A_138 {offsets = [0, 0], sizes = [32, 128], strides = [1, 1]} : vector<32x512xf32> to vector<32x128xf32>
    %slice3A_140 = vector.extract_strided_slice %slice3A_138 {offsets = [0, 128], sizes = [32, 128], strides = [1, 1]} : vector<32x512xf32> to vector<32x128xf32>
    %slice3A_141 = vector.extract_strided_slice %slice3A_138 {offsets = [0, 256], sizes = [32, 128], strides = [1, 1]} : vector<32x512xf32> to vector<32x128xf32>
    %slice3A_142 = vector.extract_strided_slice %slice3A_138 {offsets = [0, 384], sizes = [32, 128], strides = [1, 1]} : vector<32x512xf32> to vector<32x128xf32>
    %concatenate3A_143 = tpu.concatenate %slice3A_139, %slice3A_140, %slice3A_141, %slice3A_142 in 0 : vector<32x128xf32>, vector<32x128xf32>, vector<32x128xf32>, vector<32x128xf32> -> vector<128x128xf32>
    %transpose3A_144 = tpu.transpose %concatenate3A_143, [1, 0] : vector<128x128xf32> -> vector<128x128xf32>
    %swap3A_145 = arith.constant 1792 : index
    %swap3A_146 = arith.constant 0 : index
    %swap3A_147 = vector.load %arg2[%swap3A_145, %swap3A_146] : memref<16384x128xf32, #tpu.memory_space<vmem>>, vector<128x128xf32>
    tpu.vector_store %arg2[%swap3A_145, %swap3A_146], %transpose3A_144 {strides = array<i32>} : memref<16384x128xf32, #tpu.memory_space<vmem>>, vector<128x128xf32>,
    %slice3A_148 = vector.extract_strided_slice %get3A_1 {offsets = [0, 7680], sizes = [32, 512], strides = [1, 1]} : vector<32x65536xf32> to vector<32x512xf32>
    %slice3A_149 = vector.extract_strided_slice %slice3A_148 {offsets = [0, 0], sizes = [32, 128], strides = [1, 1]} : vector<32x512xf32> to vector<32x128xf32>
    %slice3A_150 = vector.extract_strided_slice %slice3A_148 {offsets = [0, 128], sizes = [32, 128], strides = [1, 1]} : vector<32x512xf32> to vector<32x128xf32>
    %slice3A_151 = vector.extract_strided_slice %slice3A_148 {offsets = [0, 256], sizes = [32, 128], strides = [1, 1]} : vector<32x512xf32> to vector<32x128xf32>
    %slice3A_152 = vector.extract_strided_slice %slice3A_148 {offsets = [0, 384], sizes = [32, 128], strides = [1, 1]} : vector<32x512xf32> to vector<32x128xf32>
    %concatenate3A_153 = tpu.concatenate %slice3A_149, %slice3A_150, %slice3A_151, %slice3A_152 in 0 : vector<32x128xf32>, vector<32x128xf32>, vector<32x128xf32>, vector<32x128xf32> -> vector<128x128xf32>
    %transpose3A_154 = tpu.transpose %concatenate3A_153, [1, 0] : vector<128x128xf32> -> vector<128x128xf32>
    %swap3A_155 = arith.constant 1920 : index
    %swap3A_156 = arith.constant 0 : index
    %swap3A_157 = vector.load %arg2[%swap3A_155, %swap3A_156] : memref<16384x128xf32, #tpu.memory_space<vmem>>, vector<128x128xf32>
    tpu.vector_store %arg2[%swap3A_155, %swap3A_156], %transpose3A_154 {strides = array<i32>} : memref<16384x128xf32, #tpu.memory_space<vmem>>, vector<128x128xf32>,
    %slice3A_158 = vector.extract_strided_slice %get3A_1 {offsets = [0, 8192], sizes = [32, 512], strides = [1, 1]} : vector<32x65536xf32> to vector<32x512xf32>
    %slice3A_159 = vector.extract_strided_slice %slice3A_158 {offsets = [0, 0], sizes = [32, 128], strides = [1, 1]} : vector<32x512xf32> to vector<32x128xf32>
    %slice3A_160 = vector.extract_strided_slice %slice3A_158 {offsets = [0, 128], sizes = [32, 128], strides = [1, 1]} : vector<32x512xf32> to vector<32x128xf32>
    %slice3A_161 = vector.extract_strided_slice %slice3A_158 {offsets = [0, 256], sizes = [32, 128], strides = [1, 1]} : vector<32x512xf32> to vector<32x128xf32>
    %slice3A_162 = vector.extract_strided_slice %slice3A_158 {offsets = [0, 384], sizes = [32, 128], strides = [1, 1]} : vector<32x512xf32> to vector<32x128xf32>
    %concatenate3A_163 = tpu.concatenate %slice3A_159, %slice3A_160, %slice3A_161, %slice3A_162 in 0 : vector<32x128xf32>, vector<32x128xf32>, vector<32x128xf32>, vector<32x128xf32> -> vector<128x128xf32>
    %transpose3A_164 = tpu.transpose %concatenate3A_163, [1, 0] : vector<128x128xf32> -> vector<128x128xf32>
    %swap3A_165 = arith.constant 2048 : index
    %swap3A_166 = arith.constant 0 : index
    %swap3A_167 = vector.load %arg2[%swap3A_165, %swap3A_166] : memref<16384x128xf32, #tpu.memory_space<vmem>>, vector<128x128xf32>
    tpu.vector_store %arg2[%swap3A_165, %swap3A_166], %transpose3A_164 {strides = array<i32>} : memref<16384x128xf32, #tpu.memory_space<vmem>>, vector<128x128xf32>,
    %slice3A_168 = vector.extract_strided_slice %get3A_1 {offsets = [0, 8704], sizes = [32, 512], strides = [1, 1]} : vector<32x65536xf32> to vector<32x512xf32>
    %slice3A_169 = vector.extract_strided_slice %slice3A_168 {offsets = [0, 0], sizes = [32, 128], strides = [1, 1]} : vector<32x512xf32> to vector<32x128xf32>
    %slice3A_170 = vector.extract_strided_slice %slice3A_168 {offsets = [0, 128], sizes = [32, 128], strides = [1, 1]} : vector<32x512xf32> to vector<32x128xf32>
    %slice3A_171 = vector.extract_strided_slice %slice3A_168 {offsets = [0, 256], sizes = [32, 128], strides = [1, 1]} : vector<32x512xf32> to vector<32x128xf32>
    %slice3A_172 = vector.extract_strided_slice %slice3A_168 {offsets = [0, 384], sizes = [32, 128], strides = [1, 1]} : vector<32x512xf32> to vector<32x128xf32>
    %concatenate3A_173 = tpu.concatenate %slice3A_169, %slice3A_170, %slice3A_171, %slice3A_172 in 0 : vector<32x128xf32>, vector<32x128xf32>, vector<32x128xf32>, vector<32x128xf32> -> vector<128x128xf32>
    %transpose3A_174 = tpu.transpose %concatenate3A_173, [1, 0] : vector<128x128xf32> -> vector<128x128xf32>
    %swap3A_175 = arith.constant 2176 : index
    %swap3A_176 = arith.constant 0 : index
    %swap3A_177 = vector.load %arg2[%swap3A_175, %swap3A_176] : memref<16384x128xf32, #tpu.memory_space<vmem>>, vector<128x128xf32>
    tpu.vector_store %arg2[%swap3A_175, %swap3A_176], %transpose3A_174 {strides = array<i32>} : memref<16384x128xf32, #tpu.memory_space<vmem>>, vector<128x128xf32>,
    %slice3A_178 = vector.extract_strided_slice %get3A_1 {offsets = [0, 9216], sizes = [32, 512], strides = [1, 1]} : vector<32x65536xf32> to vector<32x512xf32>
    %slice3A_179 = vector.extract_strided_slice %slice3A_178 {offsets = [0, 0], sizes = [32, 128], strides = [1, 1]} : vector<32x512xf32> to vector<32x128xf32>
    %slice3A_180 = vector.extract_strided_slice %slice3A_178 {offsets = [0, 128], sizes = [32, 128], strides = [1, 1]} : vector<32x512xf32> to vector<32x128xf32>
    %slice3A_181 = vector.extract_strided_slice %slice3A_178 {offsets = [0, 256], sizes = [32, 128], strides = [1, 1]} : vector<32x512xf32> to vector<32x128xf32>
    %slice3A_182 = vector.extract_strided_slice %slice3A_178 {offsets = [0, 384], sizes = [32, 128], strides = [1, 1]} : vector<32x512xf32> to vector<32x128xf32>
    %concatenate3A_183 = tpu.concatenate %slice3A_179, %slice3A_180, %slice3A_181, %slice3A_182 in 0 : vector<32x128xf32>, vector<32x128xf32>, vector<32x128xf32>, vector<32x128xf32> -> vector<128x128xf32>
    %transpose3A_184 = tpu.transpose %concatenate3A_183, [1, 0] : vector<128x128xf32> -> vector<128x128xf32>
    %swap3A_185 = arith.constant 2304 : index
    %swap3A_186 = arith.constant 0 : index
    %swap3A_187 = vector.load %arg2[%swap3A_185, %swap3A_186] : memref<16384x128xf32, #tpu.memory_space<vmem>>, vector<128x128xf32>
    tpu.vector_store %arg2[%swap3A_185, %swap3A_186], %transpose3A_184 {strides = array<i32>} : memref<16384x128xf32, #tpu.memory_space<vmem>>, vector<128x128xf32>,
    %slice3A_188 = vector.extract_strided_slice %get3A_1 {offsets = [0, 9728], sizes = [32, 512], strides = [1, 1]} : vector<32x65536xf32> to vector<32x512xf32>
    %slice3A_189 = vector.extract_strided_slice %slice3A_188 {offsets = [0, 0], sizes = [32, 128], strides = [1, 1]} : vector<32x512xf32> to vector<32x128xf32>
    %slice3A_190 = vector.extract_strided_slice %slice3A_188 {offsets = [0, 128], sizes = [32, 128], strides = [1, 1]} : vector<32x512xf32> to vector<32x128xf32>
    %slice3A_191 = vector.extract_strided_slice %slice3A_188 {offsets = [0, 256], sizes = [32, 128], strides = [1, 1]} : vector<32x512xf32> to vector<32x128xf32>
    %slice3A_192 = vector.extract_strided_slice %slice3A_188 {offsets = [0, 384], sizes = [32, 128], strides = [1, 1]} : vector<32x512xf32> to vector<32x128xf32>
    %concatenate3A_193 = tpu.concatenate %slice3A_189, %slice3A_190, %slice3A_191, %slice3A_192 in 0 : vector<32x128xf32>, vector<32x128xf32>, vector<32x128xf32>, vector<32x128xf32> -> vector<128x128xf32>
    %transpose3A_194 = tpu.transpose %concatenate3A_193, [1, 0] : vector<128x128xf32> -> vector<128x128xf32>
    %swap3A_195 = arith.constant 2432 : index
    %swap3A_196 = arith.constant 0 : index
    %swap3A_197 = vector.load %arg2[%swap3A_195, %swap3A_196] : memref<16384x128xf32, #tpu.memory_space<vmem>>, vector<128x128xf32>
    tpu.vector_store %arg2[%swap3A_195, %swap3A_196], %transpose3A_194 {strides = array<i32>} : memref<16384x128xf32, #tpu.memory_space<vmem>>, vector<128x128xf32>,
    %slice3A_198 = vector.extract_strided_slice %get3A_1 {offsets = [0, 10240], sizes = [32, 512], strides = [1, 1]} : vector<32x65536xf32> to vector<32x512xf32>
    %slice3A_199 = vector.extract_strided_slice %slice3A_198 {offsets = [0, 0], sizes = [32, 128], strides = [1, 1]} : vector<32x512xf32> to vector<32x128xf32>
    %slice3A_200 = vector.extract_strided_slice %slice3A_198 {offsets = [0, 128], sizes = [32, 128], strides = [1, 1]} : vector<32x512xf32> to vector<32x128xf32>
    %slice3A_201 = vector.extract_strided_slice %slice3A_198 {offsets = [0, 256], sizes = [32, 128], strides = [1, 1]} : vector<32x512xf32> to vector<32x128xf32>
    %slice3A_202 = vector.extract_strided_slice %slice3A_198 {offsets = [0, 384], sizes = [32, 128], strides = [1, 1]} : vector<32x512xf32> to vector<32x128xf32>
    %concatenate3A_203 = tpu.concatenate %slice3A_199, %slice3A_200, %slice3A_201, %slice3A_202 in 0 : vector<32x128xf32>, vector<32x128xf32>, vector<32x128xf32>, vector<32x128xf32> -> vector<128x128xf32>
    %transpose3A_204 = tpu.transpose %concatenate3A_203, [1, 0] : vector<128x128xf32> -> vector<128x128xf32>
    %swap3A_205 = arith.constant 2560 : index
    %swap3A_206 = arith.constant 0 : index
    %swap3A_207 = vector.load %arg2[%swap3A_205, %swap3A_206] : memref<16384x128xf32, #tpu.memory_space<vmem>>, vector<128x128xf32>
    tpu.vector_store %arg2[%swap3A_205, %swap3A_206], %transpose3A_204 {strides = array<i32>} : memref<16384x128xf32, #tpu.memory_space<vmem>>, vector<128x128xf32>,
    %slice3A_208 = vector.extract_strided_slice %get3A_1 {offsets = [0, 10752], sizes = [32, 512], strides = [1, 1]} : vector<32x65536xf32> to vector<32x512xf32>
    %slice3A_209 = vector.extract_strided_slice %slice3A_208 {offsets = [0, 0], sizes = [32, 128], strides = [1, 1]} : vector<32x512xf32> to vector<32x128xf32>
    %slice3A_210 = vector.extract_strided_slice %slice3A_208 {offsets = [0, 128], sizes = [32, 128], strides = [1, 1]} : vector<32x512xf32> to vector<32x128xf32>
    %slice3A_211 = vector.extract_strided_slice %slice3A_208 {offsets = [0, 256], sizes = [32, 128], strides = [1, 1]} : vector<32x512xf32> to vector<32x128xf32>
    %slice3A_212 = vector.extract_strided_slice %slice3A_208 {offsets = [0, 384], sizes = [32, 128], strides = [1, 1]} : vector<32x512xf32> to vector<32x128xf32>
    %concatenate3A_213 = tpu.concatenate %slice3A_209, %slice3A_210, %slice3A_211, %slice3A_212 in 0 : vector<32x128xf32>, vector<32x128xf32>, vector<32x128xf32>, vector<32x128xf32> -> vector<128x128xf32>
    %transpose3A_214 = tpu.transpose %concatenate3A_213, [1, 0] : vector<128x128xf32> -> vector<128x128xf32>
    %swap3A_215 = arith.constant 2688 : index
    %swap3A_216 = arith.constant 0 : index
    %swap3A_217 = vector.load %arg2[%swap3A_215, %swap3A_216] : memref<16384x128xf32, #tpu.memory_space<vmem>>, vector<128x128xf32>
    tpu.vector_store %arg2[%swap3A_215, %swap3A_216], %transpose3A_214 {strides = array<i32>} : memref<16384x128xf32, #tpu.memory_space<vmem>>, vector<128x128xf32>,
    %slice3A_218 = vector.extract_strided_slice %get3A_1 {offsets = [0, 11264], sizes = [32, 512], strides = [1, 1]} : vector<32x65536xf32> to vector<32x512xf32>
    %slice3A_219 = vector.extract_strided_slice %slice3A_218 {offsets = [0, 0], sizes = [32, 128], strides = [1, 1]} : vector<32x512xf32> to vector<32x128xf32>
    %slice3A_220 = vector.extract_strided_slice %slice3A_218 {offsets = [0, 128], sizes = [32, 128], strides = [1, 1]} : vector<32x512xf32> to vector<32x128xf32>
    %slice3A_221 = vector.extract_strided_slice %slice3A_218 {offsets = [0, 256], sizes = [32, 128], strides = [1, 1]} : vector<32x512xf32> to vector<32x128xf32>
    %slice3A_222 = vector.extract_strided_slice %slice3A_218 {offsets = [0, 384], sizes = [32, 128], strides = [1, 1]} : vector<32x512xf32> to vector<32x128xf32>
    %concatenate3A_223 = tpu.concatenate %slice3A_219, %slice3A_220, %slice3A_221, %slice3A_222 in 0 : vector<32x128xf32>, vector<32x128xf32>, vector<32x128xf32>, vector<32x128xf32> -> vector<128x128xf32>
    %transpose3A_224 = tpu.transpose %concatenate3A_223, [1, 0] : vector<128x128xf32> -> vector<128x128xf32>
    %swap3A_225 = arith.constant 2816 : index
    %swap3A_226 = arith.constant 0 : index
    %swap3A_227 = vector.load %arg2[%swap3A_225, %swap3A_226] : memref<16384x128xf32, #tpu.memory_space<vmem>>, vector<128x128xf32>
    tpu.vector_store %arg2[%swap3A_225, %swap3A_226], %transpose3A_224 {strides = array<i32>} : memref<16384x128xf32, #tpu.memory_space<vmem>>, vector<128x128xf32>,
    %slice3A_228 = vector.extract_strided_slice %get3A_1 {offsets = [0, 11776], sizes = [32, 512], strides = [1, 1]} : vector<32x65536xf32> to vector<32x512xf32>
    %slice3A_229 = vector.extract_strided_slice %slice3A_228 {offsets = [0, 0], sizes = [32, 128], strides = [1, 1]} : vector<32x512xf32> to vector<32x128xf32>
    %slice3A_230 = vector.extract_strided_slice %slice3A_228 {offsets = [0, 128], sizes = [32, 128], strides = [1, 1]} : vector<32x512xf32> to vector<32x128xf32>
    %slice3A_231 = vector.extract_strided_slice %slice3A_228 {offsets = [0, 256], sizes = [32, 128], strides = [1, 1]} : vector<32x512xf32> to vector<32x128xf32>
    %slice3A_232 = vector.extract_strided_slice %slice3A_228 {offsets = [0, 384], sizes = [32, 128], strides = [1, 1]} : vector<32x512xf32> to vector<32x128xf32>
    %concatenate3A_233 = tpu.concatenate %slice3A_229, %slice3A_230, %slice3A_231, %slice3A_232 in 0 : vector<32x128xf32>, vector<32x128xf32>, vector<32x128xf32>, vector<32x128xf32> -> vector<128x128xf32>
    %transpose3A_234 = tpu.transpose %concatenate3A_233, [1, 0] : vector<128x128xf32> -> vector<128x128xf32>
    %swap3A_235 = arith.constant 2944 : index
    %swap3A_236 = arith.constant 0 : index
    %swap3A_237 = vector.load %arg2[%swap3A_235, %swap3A_236] : memref<16384x128xf32, #tpu.memory_space<vmem>>, vector<128x128xf32>
    tpu.vector_store %arg2[%swap3A_235, %swap3A_236], %transpose3A_234 {strides = array<i32>} : memref<16384x128xf32, #tpu.memory_space<vmem>>, vector<128x128xf32>,
    %slice3A_238 = vector.extract_strided_slice %get3A_1 {offsets = [0, 12288], sizes = [32, 512], strides = [1, 1]} : vector<32x65536xf32> to vector<32x512xf32>
    %slice3A_239 = vector.extract_strided_slice %slice3A_238 {offsets = [0, 0], sizes = [32, 128], strides = [1, 1]} : vector<32x512xf32> to vector<32x128xf32>
    %slice3A_240 = vector.extract_strided_slice %slice3A_238 {offsets = [0, 128], sizes = [32, 128], strides = [1, 1]} : vector<32x512xf32> to vector<32x128xf32>
    %slice3A_241 = vector.extract_strided_slice %slice3A_238 {offsets = [0, 256], sizes = [32, 128], strides = [1, 1]} : vector<32x512xf32> to vector<32x128xf32>
    %slice3A_242 = vector.extract_strided_slice %slice3A_238 {offsets = [0, 384], sizes = [32, 128], strides = [1, 1]} : vector<32x512xf32> to vector<32x128xf32>
    %concatenate3A_243 = tpu.concatenate %slice3A_239, %slice3A_240, %slice3A_241, %slice3A_242 in 0 : vector<32x128xf32>, vector<32x128xf32>, vector<32x128xf32>, vector<32x128xf32> -> vector<128x128xf32>
    %transpose3A_244 = tpu.transpose %concatenate3A_243, [1, 0] : vector<128x128xf32> -> vector<128x128xf32>
    %swap3A_245 = arith.constant 3072 : index
    %swap3A_246 = arith.constant 0 : index
    %swap3A_247 = vector.load %arg2[%swap3A_245, %swap3A_246] : memref<16384x128xf32, #tpu.memory_space<vmem>>, vector<128x128xf32>
    tpu.vector_store %arg2[%swap3A_245, %swap3A_246], %transpose3A_244 {strides = array<i32>} : memref<16384x128xf32, #tpu.memory_space<vmem>>, vector<128x128xf32>,
    %slice3A_248 = vector.extract_strided_slice %get3A_1 {offsets = [0, 12800], sizes = [32, 512], strides = [1, 1]} : vector<32x65536xf32> to vector<32x512xf32>
    %slice3A_249 = vector.extract_strided_slice %slice3A_248 {offsets = [0, 0], sizes = [32, 128], strides = [1, 1]} : vector<32x512xf32> to vector<32x128xf32>
    %slice3A_250 = vector.extract_strided_slice %slice3A_248 {offsets = [0, 128], sizes = [32, 128], strides = [1, 1]} : vector<32x512xf32> to vector<32x128xf32>
    %slice3A_251 = vector.extract_strided_slice %slice3A_248 {offsets = [0, 256], sizes = [32, 128], strides = [1, 1]} : vector<32x512xf32> to vector<32x128xf32>
    %slice3A_252 = vector.extract_strided_slice %slice3A_248 {offsets = [0, 384], sizes = [32, 128], strides = [1, 1]} : vector<32x512xf32> to vector<32x128xf32>
    %concatenate3A_253 = tpu.concatenate %slice3A_249, %slice3A_250, %slice3A_251, %slice3A_252 in 0 : vector<32x128xf32>, vector<32x128xf32>, vector<32x128xf32>, vector<32x128xf32> -> vector<128x128xf32>
    %transpose3A_254 = tpu.transpose %concatenate3A_253, [1, 0] : vector<128x128xf32> -> vector<128x128xf32>
    %swap3A_255 = arith.constant 3200 : index
    %swap3A_256 = arith.constant 0 : index
    %swap3A_257 = vector.load %arg2[%swap3A_255, %swap3A_256] : memref<16384x128xf32, #tpu.memory_space<vmem>>, vector<128x128xf32>
    tpu.vector_store %arg2[%swap3A_255, %swap3A_256], %transpose3A_254 {strides = array<i32>} : memref<16384x128xf32, #tpu.memory_space<vmem>>, vector<128x128xf32>,
    %slice3A_258 = vector.extract_strided_slice %get3A_1 {offsets = [0, 13312], sizes = [32, 512], strides = [1, 1]} : vector<32x65536xf32> to vector<32x512xf32>
    %slice3A_259 = vector.extract_strided_slice %slice3A_258 {offsets = [0, 0], sizes = [32, 128], strides = [1, 1]} : vector<32x512xf32> to vector<32x128xf32>
    %slice3A_260 = vector.extract_strided_slice %slice3A_258 {offsets = [0, 128], sizes = [32, 128], strides = [1, 1]} : vector<32x512xf32> to vector<32x128xf32>
    %slice3A_261 = vector.extract_strided_slice %slice3A_258 {offsets = [0, 256], sizes = [32, 128], strides = [1, 1]} : vector<32x512xf32> to vector<32x128xf32>
    %slice3A_262 = vector.extract_strided_slice %slice3A_258 {offsets = [0, 384], sizes = [32, 128], strides = [1, 1]} : vector<32x512xf32> to vector<32x128xf32>
    %concatenate3A_263 = tpu.concatenate %slice3A_259, %slice3A_260, %slice3A_261, %slice3A_262 in 0 : vector<32x128xf32>, vector<32x128xf32>, vector<32x128xf32>, vector<32x128xf32> -> vector<128x128xf32>
    %transpose3A_264 = tpu.transpose %concatenate3A_263, [1, 0] : vector<128x128xf32> -> vector<128x128xf32>
    %swap3A_265 = arith.constant 3328 : index
    %swap3A_266 = arith.constant 0 : index
    %swap3A_267 = vector.load %arg2[%swap3A_265, %swap3A_266] : memref<16384x128xf32, #tpu.memory_space<vmem>>, vector<128x128xf32>
    tpu.vector_store %arg2[%swap3A_265, %swap3A_266], %transpose3A_264 {strides = array<i32>} : memref<16384x128xf32, #tpu.memory_space<vmem>>, vector<128x128xf32>,
    %slice3A_268 = vector.extract_strided_slice %get3A_1 {offsets = [0, 13824], sizes = [32, 512], strides = [1, 1]} : vector<32x65536xf32> to vector<32x512xf32>
    %slice3A_269 = vector.extract_strided_slice %slice3A_268 {offsets = [0, 0], sizes = [32, 128], strides = [1, 1]} : vector<32x512xf32> to vector<32x128xf32>
    %slice3A_270 = vector.extract_strided_slice %slice3A_268 {offsets = [0, 128], sizes = [32, 128], strides = [1, 1]} : vector<32x512xf32> to vector<32x128xf32>
    %slice3A_271 = vector.extract_strided_slice %slice3A_268 {offsets = [0, 256], sizes = [32, 128], strides = [1, 1]} : vector<32x512xf32> to vector<32x128xf32>
    %slice3A_272 = vector.extract_strided_slice %slice3A_268 {offsets = [0, 384], sizes = [32, 128], strides = [1, 1]} : vector<32x512xf32> to vector<32x128xf32>
    %concatenate3A_273 = tpu.concatenate %slice3A_269, %slice3A_270, %slice3A_271, %slice3A_272 in 0 : vector<32x128xf32>, vector<32x128xf32>, vector<32x128xf32>, vector<32x128xf32> -> vector<128x128xf32>
    %transpose3A_274 = tpu.transpose %concatenate3A_273, [1, 0] : vector<128x128xf32> -> vector<128x128xf32>
    %swap3A_275 = arith.constant 3456 : index
    %swap3A_276 = arith.constant 0 : index
    %swap3A_277 = vector.load %arg2[%swap3A_275, %swap3A_276] : memref<16384x128xf32, #tpu.memory_space<vmem>>, vector<128x128xf32>
    tpu.vector_store %arg2[%swap3A_275, %swap3A_276], %transpose3A_274 {strides = array<i32>} : memref<16384x128xf32, #tpu.memory_space<vmem>>, vector<128x128xf32>,
    %slice3A_278 = vector.extract_strided_slice %get3A_1 {offsets = [0, 14336], sizes = [32, 512], strides = [1, 1]} : vector<32x65536xf32> to vector<32x512xf32>
    %slice3A_279 = vector.extract_strided_slice %slice3A_278 {offsets = [0, 0], sizes = [32, 128], strides = [1, 1]} : vector<32x512xf32> to vector<32x128xf32>
    %slice3A_280 = vector.extract_strided_slice %slice3A_278 {offsets = [0, 128], sizes = [32, 128], strides = [1, 1]} : vector<32x512xf32> to vector<32x128xf32>
    %slice3A_281 = vector.extract_strided_slice %slice3A_278 {offsets = [0, 256], sizes = [32, 128], strides = [1, 1]} : vector<32x512xf32> to vector<32x128xf32>
    %slice3A_282 = vector.extract_strided_slice %slice3A_278 {offsets = [0, 384], sizes = [32, 128], strides = [1, 1]} : vector<32x512xf32> to vector<32x128xf32>
    %concatenate3A_283 = tpu.concatenate %slice3A_279, %slice3A_280, %slice3A_281, %slice3A_282 in 0 : vector<32x128xf32>, vector<32x128xf32>, vector<32x128xf32>, vector<32x128xf32> -> vector<128x128xf32>
    %transpose3A_284 = tpu.transpose %concatenate3A_283, [1, 0] : vector<128x128xf32> -> vector<128x128xf32>
    %swap3A_285 = arith.constant 3584 : index
    %swap3A_286 = arith.constant 0 : index
    %swap3A_287 = vector.load %arg2[%swap3A_285, %swap3A_286] : memref<16384x128xf32, #tpu.memory_space<vmem>>, vector<128x128xf32>
    tpu.vector_store %arg2[%swap3A_285, %swap3A_286], %transpose3A_284 {strides = array<i32>} : memref<16384x128xf32, #tpu.memory_space<vmem>>, vector<128x128xf32>,
    %slice3A_288 = vector.extract_strided_slice %get3A_1 {offsets = [0, 14848], sizes = [32, 512], strides = [1, 1]} : vector<32x65536xf32> to vector<32x512xf32>
    %slice3A_289 = vector.extract_strided_slice %slice3A_288 {offsets = [0, 0], sizes = [32, 128], strides = [1, 1]} : vector<32x512xf32> to vector<32x128xf32>
    %slice3A_290 = vector.extract_strided_slice %slice3A_288 {offsets = [0, 128], sizes = [32, 128], strides = [1, 1]} : vector<32x512xf32> to vector<32x128xf32>
    %slice3A_291 = vector.extract_strided_slice %slice3A_288 {offsets = [0, 256], sizes = [32, 128], strides = [1, 1]} : vector<32x512xf32> to vector<32x128xf32>
    %slice3A_292 = vector.extract_strided_slice %slice3A_288 {offsets = [0, 384], sizes = [32, 128], strides = [1, 1]} : vector<32x512xf32> to vector<32x128xf32>
    %concatenate3A_293 = tpu.concatenate %slice3A_289, %slice3A_290, %slice3A_291, %slice3A_292 in 0 : vector<32x128xf32>, vector<32x128xf32>, vector<32x128xf32>, vector<32x128xf32> -> vector<128x128xf32>
    %transpose3A_294 = tpu.transpose %concatenate3A_293, [1, 0] : vector<128x128xf32> -> vector<128x128xf32>
    %swap3A_295 = arith.constant 3712 : index
    %swap3A_296 = arith.constant 0 : index
    %swap3A_297 = vector.load %arg2[%swap3A_295, %swap3A_296] : memref<16384x128xf32, #tpu.memory_space<vmem>>, vector<128x128xf32>
    tpu.vector_store %arg2[%swap3A_295, %swap3A_296], %transpose3A_294 {strides = array<i32>} : memref<16384x128xf32, #tpu.memory_space<vmem>>, vector<128x128xf32>,
    %slice3A_298 = vector.extract_strided_slice %get3A_1 {offsets = [0, 15360], sizes = [32, 512], strides = [1, 1]} : vector<32x65536xf32> to vector<32x512xf32>
    %slice3A_299 = vector.extract_strided_slice %slice3A_298 {offsets = [0, 0], sizes = [32, 128], strides = [1, 1]} : vector<32x512xf32> to vector<32x128xf32>
    %slice3A_300 = vector.extract_strided_slice %slice3A_298 {offsets = [0, 128], sizes = [32, 128], strides = [1, 1]} : vector<32x512xf32> to vector<32x128xf32>
    %slice3A_301 = vector.extract_strided_slice %slice3A_298 {offsets = [0, 256], sizes = [32, 128], strides = [1, 1]} : vector<32x512xf32> to vector<32x128xf32>
    %slice3A_302 = vector.extract_strided_slice %slice3A_298 {offsets = [0, 384], sizes = [32, 128], strides = [1, 1]} : vector<32x512xf32> to vector<32x128xf32>
    %concatenate3A_303 = tpu.concatenate %slice3A_299, %slice3A_300, %slice3A_301, %slice3A_302 in 0 : vector<32x128xf32>, vector<32x128xf32>, vector<32x128xf32>, vector<32x128xf32> -> vector<128x128xf32>
    %transpose3A_304 = tpu.transpose %concatenate3A_303, [1, 0] : vector<128x128xf32> -> vector<128x128xf32>
    %swap3A_305 = arith.constant 3840 : index
    %swap3A_306 = arith.constant 0 : index
    %swap3A_307 = vector.load %arg2[%swap3A_305, %swap3A_306] : memref<16384x128xf32, #tpu.memory_space<vmem>>, vector<128x128xf32>
    tpu.vector_store %arg2[%swap3A_305, %swap3A_306], %transpose3A_304 {strides = array<i32>} : memref<16384x128xf32, #tpu.memory_space<vmem>>, vector<128x128xf32>,
    %slice3A_308 = vector.extract_strided_slice %get3A_1 {offsets = [0, 15872], sizes = [32, 512], strides = [1, 1]} : vector<32x65536xf32> to vector<32x512xf32>
    %slice3A_309 = vector.extract_strided_slice %slice3A_308 {offsets = [0, 0], sizes = [32, 128], strides = [1, 1]} : vector<32x512xf32> to vector<32x128xf32>
    %slice3A_310 = vector.extract_strided_slice %slice3A_308 {offsets = [0, 128], sizes = [32, 128], strides = [1, 1]} : vector<32x512xf32> to vector<32x128xf32>
    %slice3A_311 = vector.extract_strided_slice %slice3A_308 {offsets = [0, 256], sizes = [32, 128], strides = [1, 1]} : vector<32x512xf32> to vector<32x128xf32>
    %slice3A_312 = vector.extract_strided_slice %slice3A_308 {offsets = [0, 384], sizes = [32, 128], strides = [1, 1]} : vector<32x512xf32> to vector<32x128xf32>
    %concatenate3A_313 = tpu.concatenate %slice3A_309, %slice3A_310, %slice3A_311, %slice3A_312 in 0 : vector<32x128xf32>, vector<32x128xf32>, vector<32x128xf32>, vector<32x128xf32> -> vector<128x128xf32>
    %transpose3A_314 = tpu.transpose %concatenate3A_313, [1, 0] : vector<128x128xf32> -> vector<128x128xf32>
    %swap3A_315 = arith.constant 3968 : index
    %swap3A_316 = arith.constant 0 : index
    %swap3A_317 = vector.load %arg2[%swap3A_315, %swap3A_316] : memref<16384x128xf32, #tpu.memory_space<vmem>>, vector<128x128xf32>
    tpu.vector_store %arg2[%swap3A_315, %swap3A_316], %transpose3A_314 {strides = array<i32>} : memref<16384x128xf32, #tpu.memory_space<vmem>>, vector<128x128xf32>,
    %slice3A_318 = vector.extract_strided_slice %get3A_1 {offsets = [0, 16384], sizes = [32, 512], strides = [1, 1]} : vector<32x65536xf32> to vector<32x512xf32>
    %slice3A_319 = vector.extract_strided_slice %slice3A_318 {offsets = [0, 0], sizes = [32, 128], strides = [1, 1]} : vector<32x512xf32> to vector<32x128xf32>
    %slice3A_320 = vector.extract_strided_slice %slice3A_318 {offsets = [0, 128], sizes = [32, 128], strides = [1, 1]} : vector<32x512xf32> to vector<32x128xf32>
    %slice3A_321 = vector.extract_strided_slice %slice3A_318 {offsets = [0, 256], sizes = [32, 128], strides = [1, 1]} : vector<32x512xf32> to vector<32x128xf32>
    %slice3A_322 = vector.extract_strided_slice %slice3A_318 {offsets = [0, 384], sizes = [32, 128], strides = [1, 1]} : vector<32x512xf32> to vector<32x128xf32>
    %concatenate3A_323 = tpu.concatenate %slice3A_319, %slice3A_320, %slice3A_321, %slice3A_322 in 0 : vector<32x128xf32>, vector<32x128xf32>, vector<32x128xf32>, vector<32x128xf32> -> vector<128x128xf32>
    %transpose3A_324 = tpu.transpose %concatenate3A_323, [1, 0] : vector<128x128xf32> -> vector<128x128xf32>
    %swap3A_325 = arith.constant 4096 : index
    %swap3A_326 = arith.constant 0 : index
    %swap3A_327 = vector.load %arg2[%swap3A_325, %swap3A_326] : memref<16384x128xf32, #tpu.memory_space<vmem>>, vector<128x128xf32>
    tpu.vector_store %arg2[%swap3A_325, %swap3A_326], %transpose3A_324 {strides = array<i32>} : memref<16384x128xf32, #tpu.memory_space<vmem>>, vector<128x128xf32>,
    %slice3A_328 = vector.extract_strided_slice %get3A_1 {offsets = [0, 16896], sizes = [32, 512], strides = [1, 1]} : vector<32x65536xf32> to vector<32x512xf32>
    %slice3A_329 = vector.extract_strided_slice %slice3A_328 {offsets = [0, 0], sizes = [32, 128], strides = [1, 1]} : vector<32x512xf32> to vector<32x128xf32>
    %slice3A_330 = vector.extract_strided_slice %slice3A_328 {offsets = [0, 128], sizes = [32, 128], strides = [1, 1]} : vector<32x512xf32> to vector<32x128xf32>
    %slice3A_331 = vector.extract_strided_slice %slice3A_328 {offsets = [0, 256], sizes = [32, 128], strides = [1, 1]} : vector<32x512xf32> to vector<32x128xf32>
    %slice3A_332 = vector.extract_strided_slice %slice3A_328 {offsets = [0, 384], sizes = [32, 128], strides = [1, 1]} : vector<32x512xf32> to vector<32x128xf32>
    %concatenate3A_333 = tpu.concatenate %slice3A_329, %slice3A_330, %slice3A_331, %slice3A_332 in 0 : vector<32x128xf32>, vector<32x128xf32>, vector<32x128xf32>, vector<32x128xf32> -> vector<128x128xf32>
    %transpose3A_334 = tpu.transpose %concatenate3A_333, [1, 0] : vector<128x128xf32> -> vector<128x128xf32>
    %swap3A_335 = arith.constant 4224 : index
    %swap3A_336 = arith.constant 0 : index
    %swap3A_337 = vector.load %arg2[%swap3A_335, %swap3A_336] : memref<16384x128xf32, #tpu.memory_space<vmem>>, vector<128x128xf32>
    tpu.vector_store %arg2[%swap3A_335, %swap3A_336], %transpose3A_334 {strides = array<i32>} : memref<16384x128xf32, #tpu.memory_space<vmem>>, vector<128x128xf32>,
    %slice3A_338 = vector.extract_strided_slice %get3A_1 {offsets = [0, 17408], sizes = [32, 512], strides = [1, 1]} : vector<32x65536xf32> to vector<32x512xf32>
    %slice3A_339 = vector.extract_strided_slice %slice3A_338 {offsets = [0, 0], sizes = [32, 128], strides = [1, 1]} : vector<32x512xf32> to vector<32x128xf32>
    %slice3A_340 = vector.extract_strided_slice %slice3A_338 {offsets = [0, 128], sizes = [32, 128], strides = [1, 1]} : vector<32x512xf32> to vector<32x128xf32>
    %slice3A_341 = vector.extract_strided_slice %slice3A_338 {offsets = [0, 256], sizes = [32, 128], strides = [1, 1]} : vector<32x512xf32> to vector<32x128xf32>
    %slice3A_342 = vector.extract_strided_slice %slice3A_338 {offsets = [0, 384], sizes = [32, 128], strides = [1, 1]} : vector<32x512xf32> to vector<32x128xf32>
    %concatenate3A_343 = tpu.concatenate %slice3A_339, %slice3A_340, %slice3A_341, %slice3A_342 in 0 : vector<32x128xf32>, vector<32x128xf32>, vector<32x128xf32>, vector<32x128xf32> -> vector<128x128xf32>
    %transpose3A_344 = tpu.transpose %concatenate3A_343, [1, 0] : vector<128x128xf32> -> vector<128x128xf32>
    %swap3A_345 = arith.constant 4352 : index
    %swap3A_346 = arith.constant 0 : index
    %swap3A_347 = vector.load %arg2[%swap3A_345, %swap3A_346] : memref<16384x128xf32, #tpu.memory_space<vmem>>, vector<128x128xf32>
    tpu.vector_store %arg2[%swap3A_345, %swap3A_346], %transpose3A_344 {strides = array<i32>} : memref<16384x128xf32, #tpu.memory_space<vmem>>, vector<128x128xf32>,
    %slice3A_348 = vector.extract_strided_slice %get3A_1 {offsets = [0, 17920], sizes = [32, 512], strides = [1, 1]} : vector<32x65536xf32> to vector<32x512xf32>
    %slice3A_349 = vector.extract_strided_slice %slice3A_348 {offsets = [0, 0], sizes = [32, 128], strides = [1, 1]} : vector<32x512xf32> to vector<32x128xf32>
    %slice3A_350 = vector.extract_strided_slice %slice3A_348 {offsets = [0, 128], sizes = [32, 128], strides = [1, 1]} : vector<32x512xf32> to vector<32x128xf32>
    %slice3A_351 = vector.extract_strided_slice %slice3A_348 {offsets = [0, 256], sizes = [32, 128], strides = [1, 1]} : vector<32x512xf32> to vector<32x128xf32>
    %slice3A_352 = vector.extract_strided_slice %slice3A_348 {offsets = [0, 384], sizes = [32, 128], strides = [1, 1]} : vector<32x512xf32> to vector<32x128xf32>
    %concatenate3A_353 = tpu.concatenate %slice3A_349, %slice3A_350, %slice3A_351, %slice3A_352 in 0 : vector<32x128xf32>, vector<32x128xf32>, vector<32x128xf32>, vector<32x128xf32> -> vector<128x128xf32>
    %transpose3A_354 = tpu.transpose %concatenate3A_353, [1, 0] : vector<128x128xf32> -> vector<128x128xf32>
    %swap3A_355 = arith.constant 4480 : index
    %swap3A_356 = arith.constant 0 : index
    %swap3A_357 = vector.load %arg2[%swap3A_355, %swap3A_356] : memref<16384x128xf32, #tpu.memory_space<vmem>>, vector<128x128xf32>
    tpu.vector_store %arg2[%swap3A_355, %swap3A_356], %transpose3A_354 {strides = array<i32>} : memref<16384x128xf32, #tpu.memory_space<vmem>>, vector<128x128xf32>,
    %slice3A_358 = vector.extract_strided_slice %get3A_1 {offsets = [0, 18432], sizes = [32, 512], strides = [1, 1]} : vector<32x65536xf32> to vector<32x512xf32>
    %slice3A_359 = vector.extract_strided_slice %slice3A_358 {offsets = [0, 0], sizes = [32, 128], strides = [1, 1]} : vector<32x512xf32> to vector<32x128xf32>
    %slice3A_360 = vector.extract_strided_slice %slice3A_358 {offsets = [0, 128], sizes = [32, 128], strides = [1, 1]} : vector<32x512xf32> to vector<32x128xf32>
    %slice3A_361 = vector.extract_strided_slice %slice3A_358 {offsets = [0, 256], sizes = [32, 128], strides = [1, 1]} : vector<32x512xf32> to vector<32x128xf32>
    %slice3A_362 = vector.extract_strided_slice %slice3A_358 {offsets = [0, 384], sizes = [32, 128], strides = [1, 1]} : vector<32x512xf32> to vector<32x128xf32>
    %concatenate3A_363 = tpu.concatenate %slice3A_359, %slice3A_360, %slice3A_361, %slice3A_362 in 0 : vector<32x128xf32>, vector<32x128xf32>, vector<32x128xf32>, vector<32x128xf32> -> vector<128x128xf32>
    %transpose3A_364 = tpu.transpose %concatenate3A_363, [1, 0] : vector<128x128xf32> -> vector<128x128xf32>
    %swap3A_365 = arith.constant 4608 : index
    %swap3A_366 = arith.constant 0 : index
    %swap3A_367 = vector.load %arg2[%swap3A_365, %swap3A_366] : memref<16384x128xf32, #tpu.memory_space<vmem>>, vector<128x128xf32>
    tpu.vector_store %arg2[%swap3A_365, %swap3A_366], %transpose3A_364 {strides = array<i32>} : memref<16384x128xf32, #tpu.memory_space<vmem>>, vector<128x128xf32>,
    %slice3A_368 = vector.extract_strided_slice %get3A_1 {offsets = [0, 18944], sizes = [32, 512], strides = [1, 1]} : vector<32x65536xf32> to vector<32x512xf32>
    %slice3A_369 = vector.extract_strided_slice %slice3A_368 {offsets = [0, 0], sizes = [32, 128], strides = [1, 1]} : vector<32x512xf32> to vector<32x128xf32>
    %slice3A_370 = vector.extract_strided_slice %slice3A_368 {offsets = [0, 128], sizes = [32, 128], strides = [1, 1]} : vector<32x512xf32> to vector<32x128xf32>
    %slice3A_371 = vector.extract_strided_slice %slice3A_368 {offsets = [0, 256], sizes = [32, 128], strides = [1, 1]} : vector<32x512xf32> to vector<32x128xf32>
    %slice3A_372 = vector.extract_strided_slice %slice3A_368 {offsets = [0, 384], sizes = [32, 128], strides = [1, 1]} : vector<32x512xf32> to vector<32x128xf32>
    %concatenate3A_373 = tpu.concatenate %slice3A_369, %slice3A_370, %slice3A_371, %slice3A_372 in 0 : vector<32x128xf32>, vector<32x128xf32>, vector<32x128xf32>, vector<32x128xf32> -> vector<128x128xf32>
    %transpose3A_374 = tpu.transpose %concatenate3A_373, [1, 0] : vector<128x128xf32> -> vector<128x128xf32>
    %swap3A_375 = arith.constant 4736 : index
    %swap3A_376 = arith.constant 0 : index
    %swap3A_377 = vector.load %arg2[%swap3A_375, %swap3A_376] : memref<16384x128xf32, #tpu.memory_space<vmem>>, vector<128x128xf32>
    tpu.vector_store %arg2[%swap3A_375, %swap3A_376], %transpose3A_374 {strides = array<i32>} : memref<16384x128xf32, #tpu.memory_space<vmem>>, vector<128x128xf32>,
    %slice3A_378 = vector.extract_strided_slice %get3A_1 {offsets = [0, 19456], sizes = [32, 512], strides = [1, 1]} : vector<32x65536xf32> to vector<32x512xf32>
    %slice3A_379 = vector.extract_strided_slice %slice3A_378 {offsets = [0, 0], sizes = [32, 128], strides = [1, 1]} : vector<32x512xf32> to vector<32x128xf32>
    %slice3A_380 = vector.extract_strided_slice %slice3A_378 {offsets = [0, 128], sizes = [32, 128], strides = [1, 1]} : vector<32x512xf32> to vector<32x128xf32>
    %slice3A_381 = vector.extract_strided_slice %slice3A_378 {offsets = [0, 256], sizes = [32, 128], strides = [1, 1]} : vector<32x512xf32> to vector<32x128xf32>
    %slice3A_382 = vector.extract_strided_slice %slice3A_378 {offsets = [0, 384], sizes = [32, 128], strides = [1, 1]} : vector<32x512xf32> to vector<32x128xf32>
    %concatenate3A_383 = tpu.concatenate %slice3A_379, %slice3A_380, %slice3A_381, %slice3A_382 in 0 : vector<32x128xf32>, vector<32x128xf32>, vector<32x128xf32>, vector<32x128xf32> -> vector<128x128xf32>
    %transpose3A_384 = tpu.transpose %concatenate3A_383, [1, 0] : vector<128x128xf32> -> vector<128x128xf32>
    %swap3A_385 = arith.constant 4864 : index
    %swap3A_386 = arith.constant 0 : index
    %swap3A_387 = vector.load %arg2[%swap3A_385, %swap3A_386] : memref<16384x128xf32, #tpu.memory_space<vmem>>, vector<128x128xf32>
    tpu.vector_store %arg2[%swap3A_385, %swap3A_386], %transpose3A_384 {strides = array<i32>} : memref<16384x128xf32, #tpu.memory_space<vmem>>, vector<128x128xf32>,
    %slice3A_388 = vector.extract_strided_slice %get3A_1 {offsets = [0, 19968], sizes = [32, 512], strides = [1, 1]} : vector<32x65536xf32> to vector<32x512xf32>
    %slice3A_389 = vector.extract_strided_slice %slice3A_388 {offsets = [0, 0], sizes = [32, 128], strides = [1, 1]} : vector<32x512xf32> to vector<32x128xf32>
    %slice3A_390 = vector.extract_strided_slice %slice3A_388 {offsets = [0, 128], sizes = [32, 128], strides = [1, 1]} : vector<32x512xf32> to vector<32x128xf32>
    %slice3A_391 = vector.extract_strided_slice %slice3A_388 {offsets = [0, 256], sizes = [32, 128], strides = [1, 1]} : vector<32x512xf32> to vector<32x128xf32>
    %slice3A_392 = vector.extract_strided_slice %slice3A_388 {offsets = [0, 384], sizes = [32, 128], strides = [1, 1]} : vector<32x512xf32> to vector<32x128xf32>
    %concatenate3A_393 = tpu.concatenate %slice3A_389, %slice3A_390, %slice3A_391, %slice3A_392 in 0 : vector<32x128xf32>, vector<32x128xf32>, vector<32x128xf32>, vector<32x128xf32> -> vector<128x128xf32>
    %transpose3A_394 = tpu.transpose %concatenate3A_393, [1, 0] : vector<128x128xf32> -> vector<128x128xf32>
    %swap3A_395 = arith.constant 4992 : index
    %swap3A_396 = arith.constant 0 : index
    %swap3A_397 = vector.load %arg2[%swap3A_395, %swap3A_396] : memref<16384x128xf32, #tpu.memory_space<vmem>>, vector<128x128xf32>
    tpu.vector_store %arg2[%swap3A_395, %swap3A_396], %transpose3A_394 {strides = array<i32>} : memref<16384x128xf32, #tpu.memory_space<vmem>>, vector<128x128xf32>,
    %slice3A_398 = vector.extract_strided_slice %get3A_1 {offsets = [0, 20480], sizes = [32, 512], strides = [1, 1]} : vector<32x65536xf32> to vector<32x512xf32>
    %slice3A_399 = vector.extract_strided_slice %slice3A_398 {offsets = [0, 0], sizes = [32, 128], strides = [1, 1]} : vector<32x512xf32> to vector<32x128xf32>
    %slice3A_400 = vector.extract_strided_slice %slice3A_398 {offsets = [0, 128], sizes = [32, 128], strides = [1, 1]} : vector<32x512xf32> to vector<32x128xf32>
    %slice3A_401 = vector.extract_strided_slice %slice3A_398 {offsets = [0, 256], sizes = [32, 128], strides = [1, 1]} : vector<32x512xf32> to vector<32x128xf32>
    %slice3A_402 = vector.extract_strided_slice %slice3A_398 {offsets = [0, 384], sizes = [32, 128], strides = [1, 1]} : vector<32x512xf32> to vector<32x128xf32>
    %concatenate3A_403 = tpu.concatenate %slice3A_399, %slice3A_400, %slice3A_401, %slice3A_402 in 0 : vector<32x128xf32>, vector<32x128xf32>, vector<32x128xf32>, vector<32x128xf32> -> vector<128x128xf32>
    %transpose3A_404 = tpu.transpose %concatenate3A_403, [1, 0] : vector<128x128xf32> -> vector<128x128xf32>
    %swap3A_405 = arith.constant 5120 : index
    %swap3A_406 = arith.constant 0 : index
    %swap3A_407 = vector.load %arg2[%swap3A_405, %swap3A_406] : memref<16384x128xf32, #tpu.memory_space<vmem>>, vector<128x128xf32>
    tpu.vector_store %arg2[%swap3A_405, %swap3A_406], %transpose3A_404 {strides = array<i32>} : memref<16384x128xf32, #tpu.memory_space<vmem>>, vector<128x128xf32>,
    %slice3A_408 = vector.extract_strided_slice %get3A_1 {offsets = [0, 20992], sizes = [32, 512], strides = [1, 1]} : vector<32x65536xf32> to vector<32x512xf32>
    %slice3A_409 = vector.extract_strided_slice %slice3A_408 {offsets = [0, 0], sizes = [32, 128], strides = [1, 1]} : vector<32x512xf32> to vector<32x128xf32>
    %slice3A_410 = vector.extract_strided_slice %slice3A_408 {offsets = [0, 128], sizes = [32, 128], strides = [1, 1]} : vector<32x512xf32> to vector<32x128xf32>
    %slice3A_411 = vector.extract_strided_slice %slice3A_408 {offsets = [0, 256], sizes = [32, 128], strides = [1, 1]} : vector<32x512xf32> to vector<32x128xf32>
    %slice3A_412 = vector.extract_strided_slice %slice3A_408 {offsets = [0, 384], sizes = [32, 128], strides = [1, 1]} : vector<32x512xf32> to vector<32x128xf32>
    %concatenate3A_413 = tpu.concatenate %slice3A_409, %slice3A_410, %slice3A_411, %slice3A_412 in 0 : vector<32x128xf32>, vector<32x128xf32>, vector<32x128xf32>, vector<32x128xf32> -> vector<128x128xf32>
    %transpose3A_414 = tpu.transpose %concatenate3A_413, [1, 0] : vector<128x128xf32> -> vector<128x128xf32>
    %swap3A_415 = arith.constant 5248 : index
    %swap3A_416 = arith.constant 0 : index
    %swap3A_417 = vector.load %arg2[%swap3A_415, %swap3A_416] : memref<16384x128xf32, #tpu.memory_space<vmem>>, vector<128x128xf32>
    tpu.vector_store %arg2[%swap3A_415, %swap3A_416], %transpose3A_414 {strides = array<i32>} : memref<16384x128xf32, #tpu.memory_space<vmem>>, vector<128x128xf32>,
    %slice3A_418 = vector.extract_strided_slice %get3A_1 {offsets = [0, 21504], sizes = [32, 512], strides = [1, 1]} : vector<32x65536xf32> to vector<32x512xf32>
    %slice3A_419 = vector.extract_strided_slice %slice3A_418 {offsets = [0, 0], sizes = [32, 128], strides = [1, 1]} : vector<32x512xf32> to vector<32x128xf32>
    %slice3A_420 = vector.extract_strided_slice %slice3A_418 {offsets = [0, 128], sizes = [32, 128], strides = [1, 1]} : vector<32x512xf32> to vector<32x128xf32>
    %slice3A_421 = vector.extract_strided_slice %slice3A_418 {offsets = [0, 256], sizes = [32, 128], strides = [1, 1]} : vector<32x512xf32> to vector<32x128xf32>
    %slice3A_422 = vector.extract_strided_slice %slice3A_418 {offsets = [0, 384], sizes = [32, 128], strides = [1, 1]} : vector<32x512xf32> to vector<32x128xf32>
    %concatenate3A_423 = tpu.concatenate %slice3A_419, %slice3A_420, %slice3A_421, %slice3A_422 in 0 : vector<32x128xf32>, vector<32x128xf32>, vector<32x128xf32>, vector<32x128xf32> -> vector<128x128xf32>
    %transpose3A_424 = tpu.transpose %concatenate3A_423, [1, 0] : vector<128x128xf32> -> vector<128x128xf32>
    %swap3A_425 = arith.constant 5376 : index
    %swap3A_426 = arith.constant 0 : index
    %swap3A_427 = vector.load %arg2[%swap3A_425, %swap3A_426] : memref<16384x128xf32, #tpu.memory_space<vmem>>, vector<128x128xf32>
    tpu.vector_store %arg2[%swap3A_425, %swap3A_426], %transpose3A_424 {strides = array<i32>} : memref<16384x128xf32, #tpu.memory_space<vmem>>, vector<128x128xf32>,
    %slice3A_428 = vector.extract_strided_slice %get3A_1 {offsets = [0, 22016], sizes = [32, 512], strides = [1, 1]} : vector<32x65536xf32> to vector<32x512xf32>
    %slice3A_429 = vector.extract_strided_slice %slice3A_428 {offsets = [0, 0], sizes = [32, 128], strides = [1, 1]} : vector<32x512xf32> to vector<32x128xf32>
    %slice3A_430 = vector.extract_strided_slice %slice3A_428 {offsets = [0, 128], sizes = [32, 128], strides = [1, 1]} : vector<32x512xf32> to vector<32x128xf32>
    %slice3A_431 = vector.extract_strided_slice %slice3A_428 {offsets = [0, 256], sizes = [32, 128], strides = [1, 1]} : vector<32x512xf32> to vector<32x128xf32>
    %slice3A_432 = vector.extract_strided_slice %slice3A_428 {offsets = [0, 384], sizes = [32, 128], strides = [1, 1]} : vector<32x512xf32> to vector<32x128xf32>
    %concatenate3A_433 = tpu.concatenate %slice3A_429, %slice3A_430, %slice3A_431, %slice3A_432 in 0 : vector<32x128xf32>, vector<32x128xf32>, vector<32x128xf32>, vector<32x128xf32> -> vector<128x128xf32>
    %transpose3A_434 = tpu.transpose %concatenate3A_433, [1, 0] : vector<128x128xf32> -> vector<128x128xf32>
    %swap3A_435 = arith.constant 5504 : index
    %swap3A_436 = arith.constant 0 : index
    %swap3A_437 = vector.load %arg2[%swap3A_435, %swap3A_436] : memref<16384x128xf32, #tpu.memory_space<vmem>>, vector<128x128xf32>
    tpu.vector_store %arg2[%swap3A_435, %swap3A_436], %transpose3A_434 {strides = array<i32>} : memref<16384x128xf32, #tpu.memory_space<vmem>>, vector<128x128xf32>,
    %slice3A_438 = vector.extract_strided_slice %get3A_1 {offsets = [0, 22528], sizes = [32, 512], strides = [1, 1]} : vector<32x65536xf32> to vector<32x512xf32>
    %slice3A_439 = vector.extract_strided_slice %slice3A_438 {offsets = [0, 0], sizes = [32, 128], strides = [1, 1]} : vector<32x512xf32> to vector<32x128xf32>
    %slice3A_440 = vector.extract_strided_slice %slice3A_438 {offsets = [0, 128], sizes = [32, 128], strides = [1, 1]} : vector<32x512xf32> to vector<32x128xf32>
    %slice3A_441 = vector.extract_strided_slice %slice3A_438 {offsets = [0, 256], sizes = [32, 128], strides = [1, 1]} : vector<32x512xf32> to vector<32x128xf32>
    %slice3A_442 = vector.extract_strided_slice %slice3A_438 {offsets = [0, 384], sizes = [32, 128], strides = [1, 1]} : vector<32x512xf32> to vector<32x128xf32>
    %concatenate3A_443 = tpu.concatenate %slice3A_439, %slice3A_440, %slice3A_441, %slice3A_442 in 0 : vector<32x128xf32>, vector<32x128xf32>, vector<32x128xf32>, vector<32x128xf32> -> vector<128x128xf32>
    %transpose3A_444 = tpu.transpose %concatenate3A_443, [1, 0] : vector<128x128xf32> -> vector<128x128xf32>
    %swap3A_445 = arith.constant 5632 : index
    %swap3A_446 = arith.constant 0 : index
    %swap3A_447 = vector.load %arg2[%swap3A_445, %swap3A_446] : memref<16384x128xf32, #tpu.memory_space<vmem>>, vector<128x128xf32>
    tpu.vector_store %arg2[%swap3A_445, %swap3A_446], %transpose3A_444 {strides = array<i32>} : memref<16384x128xf32, #tpu.memory_space<vmem>>, vector<128x128xf32>,
    %slice3A_448 = vector.extract_strided_slice %get3A_1 {offsets = [0, 23040], sizes = [32, 512], strides = [1, 1]} : vector<32x65536xf32> to vector<32x512xf32>
    %slice3A_449 = vector.extract_strided_slice %slice3A_448 {offsets = [0, 0], sizes = [32, 128], strides = [1, 1]} : vector<32x512xf32> to vector<32x128xf32>
    %slice3A_450 = vector.extract_strided_slice %slice3A_448 {offsets = [0, 128], sizes = [32, 128], strides = [1, 1]} : vector<32x512xf32> to vector<32x128xf32>
    %slice3A_451 = vector.extract_strided_slice %slice3A_448 {offsets = [0, 256], sizes = [32, 128], strides = [1, 1]} : vector<32x512xf32> to vector<32x128xf32>
    %slice3A_452 = vector.extract_strided_slice %slice3A_448 {offsets = [0, 384], sizes = [32, 128], strides = [1, 1]} : vector<32x512xf32> to vector<32x128xf32>
    %concatenate3A_453 = tpu.concatenate %slice3A_449, %slice3A_450, %slice3A_451, %slice3A_452 in 0 : vector<32x128xf32>, vector<32x128xf32>, vector<32x128xf32>, vector<32x128xf32> -> vector<128x128xf32>
    %transpose3A_454 = tpu.transpose %concatenate3A_453, [1, 0] : vector<128x128xf32> -> vector<128x128xf32>
    %swap3A_455 = arith.constant 5760 : index
    %swap3A_456 = arith.constant 0 : index
    %swap3A_457 = vector.load %arg2[%swap3A_455, %swap3A_456] : memref<16384x128xf32, #tpu.memory_space<vmem>>, vector<128x128xf32>
    tpu.vector_store %arg2[%swap3A_455, %swap3A_456], %transpose3A_454 {strides = array<i32>} : memref<16384x128xf32, #tpu.memory_space<vmem>>, vector<128x128xf32>,
    %slice3A_458 = vector.extract_strided_slice %get3A_1 {offsets = [0, 23552], sizes = [32, 512], strides = [1, 1]} : vector<32x65536xf32> to vector<32x512xf32>
    %slice3A_459 = vector.extract_strided_slice %slice3A_458 {offsets = [0, 0], sizes = [32, 128], strides = [1, 1]} : vector<32x512xf32> to vector<32x128xf32>
    %slice3A_460 = vector.extract_strided_slice %slice3A_458 {offsets = [0, 128], sizes = [32, 128], strides = [1, 1]} : vector<32x512xf32> to vector<32x128xf32>
    %slice3A_461 = vector.extract_strided_slice %slice3A_458 {offsets = [0, 256], sizes = [32, 128], strides = [1, 1]} : vector<32x512xf32> to vector<32x128xf32>
    %slice3A_462 = vector.extract_strided_slice %slice3A_458 {offsets = [0, 384], sizes = [32, 128], strides = [1, 1]} : vector<32x512xf32> to vector<32x128xf32>
    %concatenate3A_463 = tpu.concatenate %slice3A_459, %slice3A_460, %slice3A_461, %slice3A_462 in 0 : vector<32x128xf32>, vector<32x128xf32>, vector<32x128xf32>, vector<32x128xf32> -> vector<128x128xf32>
    %transpose3A_464 = tpu.transpose %concatenate3A_463, [1, 0] : vector<128x128xf32> -> vector<128x128xf32>
    %swap3A_465 = arith.constant 5888 : index
    %swap3A_466 = arith.constant 0 : index
    %swap3A_467 = vector.load %arg2[%swap3A_465, %swap3A_466] : memref<16384x128xf32, #tpu.memory_space<vmem>>, vector<128x128xf32>
    tpu.vector_store %arg2[%swap3A_465, %swap3A_466], %transpose3A_464 {strides = array<i32>} : memref<16384x128xf32, #tpu.memory_space<vmem>>, vector<128x128xf32>,
    %slice3A_468 = vector.extract_strided_slice %get3A_1 {offsets = [0, 24064], sizes = [32, 512], strides = [1, 1]} : vector<32x65536xf32> to vector<32x512xf32>
    %slice3A_469 = vector.extract_strided_slice %slice3A_468 {offsets = [0, 0], sizes = [32, 128], strides = [1, 1]} : vector<32x512xf32> to vector<32x128xf32>
    %slice3A_470 = vector.extract_strided_slice %slice3A_468 {offsets = [0, 128], sizes = [32, 128], strides = [1, 1]} : vector<32x512xf32> to vector<32x128xf32>
    %slice3A_471 = vector.extract_strided_slice %slice3A_468 {offsets = [0, 256], sizes = [32, 128], strides = [1, 1]} : vector<32x512xf32> to vector<32x128xf32>
    %slice3A_472 = vector.extract_strided_slice %slice3A_468 {offsets = [0, 384], sizes = [32, 128], strides = [1, 1]} : vector<32x512xf32> to vector<32x128xf32>
    %concatenate3A_473 = tpu.concatenate %slice3A_469, %slice3A_470, %slice3A_471, %slice3A_472 in 0 : vector<32x128xf32>, vector<32x128xf32>, vector<32x128xf32>, vector<32x128xf32> -> vector<128x128xf32>
    %transpose3A_474 = tpu.transpose %concatenate3A_473, [1, 0] : vector<128x128xf32> -> vector<128x128xf32>
    %swap3A_475 = arith.constant 6016 : index
    %swap3A_476 = arith.constant 0 : index
    %swap3A_477 = vector.load %arg2[%swap3A_475, %swap3A_476] : memref<16384x128xf32, #tpu.memory_space<vmem>>, vector<128x128xf32>
    tpu.vector_store %arg2[%swap3A_475, %swap3A_476], %transpose3A_474 {strides = array<i32>} : memref<16384x128xf32, #tpu.memory_space<vmem>>, vector<128x128xf32>,
    %slice3A_478 = vector.extract_strided_slice %get3A_1 {offsets = [0, 24576], sizes = [32, 512], strides = [1, 1]} : vector<32x65536xf32> to vector<32x512xf32>
    %slice3A_479 = vector.extract_strided_slice %slice3A_478 {offsets = [0, 0], sizes = [32, 128], strides = [1, 1]} : vector<32x512xf32> to vector<32x128xf32>
    %slice3A_480 = vector.extract_strided_slice %slice3A_478 {offsets = [0, 128], sizes = [32, 128], strides = [1, 1]} : vector<32x512xf32> to vector<32x128xf32>
    %slice3A_481 = vector.extract_strided_slice %slice3A_478 {offsets = [0, 256], sizes = [32, 128], strides = [1, 1]} : vector<32x512xf32> to vector<32x128xf32>
    %slice3A_482 = vector.extract_strided_slice %slice3A_478 {offsets = [0, 384], sizes = [32, 128], strides = [1, 1]} : vector<32x512xf32> to vector<32x128xf32>
    %concatenate3A_483 = tpu.concatenate %slice3A_479, %slice3A_480, %slice3A_481, %slice3A_482 in 0 : vector<32x128xf32>, vector<32x128xf32>, vector<32x128xf32>, vector<32x128xf32> -> vector<128x128xf32>
    %transpose3A_484 = tpu.transpose %concatenate3A_483, [1, 0] : vector<128x128xf32> -> vector<128x128xf32>
    %swap3A_485 = arith.constant 6144 : index
    %swap3A_486 = arith.constant 0 : index
    %swap3A_487 = vector.load %arg2[%swap3A_485, %swap3A_486] : memref<16384x128xf32, #tpu.memory_space<vmem>>, vector<128x128xf32>
    tpu.vector_store %arg2[%swap3A_485, %swap3A_486], %transpose3A_484 {strides = array<i32>} : memref<16384x128xf32, #tpu.memory_space<vmem>>, vector<128x128xf32>,
    %slice3A_488 = vector.extract_strided_slice %get3A_1 {offsets = [0, 25088], sizes = [32, 512], strides = [1, 1]} : vector<32x65536xf32> to vector<32x512xf32>
    %slice3A_489 = vector.extract_strided_slice %slice3A_488 {offsets = [0, 0], sizes = [32, 128], strides = [1, 1]} : vector<32x512xf32> to vector<32x128xf32>
    %slice3A_490 = vector.extract_strided_slice %slice3A_488 {offsets = [0, 128], sizes = [32, 128], strides = [1, 1]} : vector<32x512xf32> to vector<32x128xf32>
    %slice3A_491 = vector.extract_strided_slice %slice3A_488 {offsets = [0, 256], sizes = [32, 128], strides = [1, 1]} : vector<32x512xf32> to vector<32x128xf32>
    %slice3A_492 = vector.extract_strided_slice %slice3A_488 {offsets = [0, 384], sizes = [32, 128], strides = [1, 1]} : vector<32x512xf32> to vector<32x128xf32>
    %concatenate3A_493 = tpu.concatenate %slice3A_489, %slice3A_490, %slice3A_491, %slice3A_492 in 0 : vector<32x128xf32>, vector<32x128xf32>, vector<32x128xf32>, vector<32x128xf32> -> vector<128x128xf32>
    %transpose3A_494 = tpu.transpose %concatenate3A_493, [1, 0] : vector<128x128xf32> -> vector<128x128xf32>
    %swap3A_495 = arith.constant 6272 : index
    %swap3A_496 = arith.constant 0 : index
    %swap3A_497 = vector.load %arg2[%swap3A_495, %swap3A_496] : memref<16384x128xf32, #tpu.memory_space<vmem>>, vector<128x128xf32>
    tpu.vector_store %arg2[%swap3A_495, %swap3A_496], %transpose3A_494 {strides = array<i32>} : memref<16384x128xf32, #tpu.memory_space<vmem>>, vector<128x128xf32>,
    %slice3A_498 = vector.extract_strided_slice %get3A_1 {offsets = [0, 25600], sizes = [32, 512], strides = [1, 1]} : vector<32x65536xf32> to vector<32x512xf32>
    %slice3A_499 = vector.extract_strided_slice %slice3A_498 {offsets = [0, 0], sizes = [32, 128], strides = [1, 1]} : vector<32x512xf32> to vector<32x128xf32>
    %slice3A_500 = vector.extract_strided_slice %slice3A_498 {offsets = [0, 128], sizes = [32, 128], strides = [1, 1]} : vector<32x512xf32> to vector<32x128xf32>
    %slice3A_501 = vector.extract_strided_slice %slice3A_498 {offsets = [0, 256], sizes = [32, 128], strides = [1, 1]} : vector<32x512xf32> to vector<32x128xf32>
    %slice3A_502 = vector.extract_strided_slice %slice3A_498 {offsets = [0, 384], sizes = [32, 128], strides = [1, 1]} : vector<32x512xf32> to vector<32x128xf32>
    %concatenate3A_503 = tpu.concatenate %slice3A_499, %slice3A_500, %slice3A_501, %slice3A_502 in 0 : vector<32x128xf32>, vector<32x128xf32>, vector<32x128xf32>, vector<32x128xf32> -> vector<128x128xf32>
    %transpose3A_504 = tpu.transpose %concatenate3A_503, [1, 0] : vector<128x128xf32> -> vector<128x128xf32>
    %swap3A_505 = arith.constant 6400 : index
    %swap3A_506 = arith.constant 0 : index
    %swap3A_507 = vector.load %arg2[%swap3A_505, %swap3A_506] : memref<16384x128xf32, #tpu.memory_space<vmem>>, vector<128x128xf32>
    tpu.vector_store %arg2[%swap3A_505, %swap3A_506], %transpose3A_504 {strides = array<i32>} : memref<16384x128xf32, #tpu.memory_space<vmem>>, vector<128x128xf32>,
    %slice3A_508 = vector.extract_strided_slice %get3A_1 {offsets = [0, 26112], sizes = [32, 512], strides = [1, 1]} : vector<32x65536xf32> to vector<32x512xf32>
    %slice3A_509 = vector.extract_strided_slice %slice3A_508 {offsets = [0, 0], sizes = [32, 128], strides = [1, 1]} : vector<32x512xf32> to vector<32x128xf32>
    %slice3A_510 = vector.extract_strided_slice %slice3A_508 {offsets = [0, 128], sizes = [32, 128], strides = [1, 1]} : vector<32x512xf32> to vector<32x128xf32>
    %slice3A_511 = vector.extract_strided_slice %slice3A_508 {offsets = [0, 256], sizes = [32, 128], strides = [1, 1]} : vector<32x512xf32> to vector<32x128xf32>
    %slice3A_512 = vector.extract_strided_slice %slice3A_508 {offsets = [0, 384], sizes = [32, 128], strides = [1, 1]} : vector<32x512xf32> to vector<32x128xf32>
    %concatenate3A_513 = tpu.concatenate %slice3A_509, %slice3A_510, %slice3A_511, %slice3A_512 in 0 : vector<32x128xf32>, vector<32x128xf32>, vector<32x128xf32>, vector<32x128xf32> -> vector<128x128xf32>
    %transpose3A_514 = tpu.transpose %concatenate3A_513, [1, 0] : vector<128x128xf32> -> vector<128x128xf32>
    %swap3A_515 = arith.constant 6528 : index
    %swap3A_516 = arith.constant 0 : index
    %swap3A_517 = vector.load %arg2[%swap3A_515, %swap3A_516] : memref<16384x128xf32, #tpu.memory_space<vmem>>, vector<128x128xf32>
    tpu.vector_store %arg2[%swap3A_515, %swap3A_516], %transpose3A_514 {strides = array<i32>} : memref<16384x128xf32, #tpu.memory_space<vmem>>, vector<128x128xf32>,
    %slice3A_518 = vector.extract_strided_slice %get3A_1 {offsets = [0, 26624], sizes = [32, 512], strides = [1, 1]} : vector<32x65536xf32> to vector<32x512xf32>
    %slice3A_519 = vector.extract_strided_slice %slice3A_518 {offsets = [0, 0], sizes = [32, 128], strides = [1, 1]} : vector<32x512xf32> to vector<32x128xf32>
    %slice3A_520 = vector.extract_strided_slice %slice3A_518 {offsets = [0, 128], sizes = [32, 128], strides = [1, 1]} : vector<32x512xf32> to vector<32x128xf32>
    %slice3A_521 = vector.extract_strided_slice %slice3A_518 {offsets = [0, 256], sizes = [32, 128], strides = [1, 1]} : vector<32x512xf32> to vector<32x128xf32>
    %slice3A_522 = vector.extract_strided_slice %slice3A_518 {offsets = [0, 384], sizes = [32, 128], strides = [1, 1]} : vector<32x512xf32> to vector<32x128xf32>
    %concatenate3A_523 = tpu.concatenate %slice3A_519, %slice3A_520, %slice3A_521, %slice3A_522 in 0 : vector<32x128xf32>, vector<32x128xf32>, vector<32x128xf32>, vector<32x128xf32> -> vector<128x128xf32>
    %transpose3A_524 = tpu.transpose %concatenate3A_523, [1, 0] : vector<128x128xf32> -> vector<128x128xf32>
    %swap3A_525 = arith.constant 6656 : index
    %swap3A_526 = arith.constant 0 : index
    %swap3A_527 = vector.load %arg2[%swap3A_525, %swap3A_526] : memref<16384x128xf32, #tpu.memory_space<vmem>>, vector<128x128xf32>
    tpu.vector_store %arg2[%swap3A_525, %swap3A_526], %transpose3A_524 {strides = array<i32>} : memref<16384x128xf32, #tpu.memory_space<vmem>>, vector<128x128xf32>,
    %slice3A_528 = vector.extract_strided_slice %get3A_1 {offsets = [0, 27136], sizes = [32, 512], strides = [1, 1]} : vector<32x65536xf32> to vector<32x512xf32>
    %slice3A_529 = vector.extract_strided_slice %slice3A_528 {offsets = [0, 0], sizes = [32, 128], strides = [1, 1]} : vector<32x512xf32> to vector<32x128xf32>
    %slice3A_530 = vector.extract_strided_slice %slice3A_528 {offsets = [0, 128], sizes = [32, 128], strides = [1, 1]} : vector<32x512xf32> to vector<32x128xf32>
    %slice3A_531 = vector.extract_strided_slice %slice3A_528 {offsets = [0, 256], sizes = [32, 128], strides = [1, 1]} : vector<32x512xf32> to vector<32x128xf32>
    %slice3A_532 = vector.extract_strided_slice %slice3A_528 {offsets = [0, 384], sizes = [32, 128], strides = [1, 1]} : vector<32x512xf32> to vector<32x128xf32>
    %concatenate3A_533 = tpu.concatenate %slice3A_529, %slice3A_530, %slice3A_531, %slice3A_532 in 0 : vector<32x128xf32>, vector<32x128xf32>, vector<32x128xf32>, vector<32x128xf32> -> vector<128x128xf32>
    %transpose3A_534 = tpu.transpose %concatenate3A_533, [1, 0] : vector<128x128xf32> -> vector<128x128xf32>
    %swap3A_535 = arith.constant 6784 : index
    %swap3A_536 = arith.constant 0 : index
    %swap3A_537 = vector.load %arg2[%swap3A_535, %swap3A_536] : memref<16384x128xf32, #tpu.memory_space<vmem>>, vector<128x128xf32>
    tpu.vector_store %arg2[%swap3A_535, %swap3A_536], %transpose3A_534 {strides = array<i32>} : memref<16384x128xf32, #tpu.memory_space<vmem>>, vector<128x128xf32>,
    %slice3A_538 = vector.extract_strided_slice %get3A_1 {offsets = [0, 27648], sizes = [32, 512], strides = [1, 1]} : vector<32x65536xf32> to vector<32x512xf32>
    %slice3A_539 = vector.extract_strided_slice %slice3A_538 {offsets = [0, 0], sizes = [32, 128], strides = [1, 1]} : vector<32x512xf32> to vector<32x128xf32>
    %slice3A_540 = vector.extract_strided_slice %slice3A_538 {offsets = [0, 128], sizes = [32, 128], strides = [1, 1]} : vector<32x512xf32> to vector<32x128xf32>
    %slice3A_541 = vector.extract_strided_slice %slice3A_538 {offsets = [0, 256], sizes = [32, 128], strides = [1, 1]} : vector<32x512xf32> to vector<32x128xf32>
    %slice3A_542 = vector.extract_strided_slice %slice3A_538 {offsets = [0, 384], sizes = [32, 128], strides = [1, 1]} : vector<32x512xf32> to vector<32x128xf32>
    %concatenate3A_543 = tpu.concatenate %slice3A_539, %slice3A_540, %slice3A_541, %slice3A_542 in 0 : vector<32x128xf32>, vector<32x128xf32>, vector<32x128xf32>, vector<32x128xf32> -> vector<128x128xf32>
    %transpose3A_544 = tpu.transpose %concatenate3A_543, [1, 0] : vector<128x128xf32> -> vector<128x128xf32>
    %swap3A_545 = arith.constant 6912 : index
    %swap3A_546 = arith.constant 0 : index
    %swap3A_547 = vector.load %arg2[%swap3A_545, %swap3A_546] : memref<16384x128xf32, #tpu.memory_space<vmem>>, vector<128x128xf32>
    tpu.vector_store %arg2[%swap3A_545, %swap3A_546], %transpose3A_544 {strides = array<i32>} : memref<16384x128xf32, #tpu.memory_space<vmem>>, vector<128x128xf32>,
    %slice3A_548 = vector.extract_strided_slice %get3A_1 {offsets = [0, 28160], sizes = [32, 512], strides = [1, 1]} : vector<32x65536xf32> to vector<32x512xf32>
    %slice3A_549 = vector.extract_strided_slice %slice3A_548 {offsets = [0, 0], sizes = [32, 128], strides = [1, 1]} : vector<32x512xf32> to vector<32x128xf32>
    %slice3A_550 = vector.extract_strided_slice %slice3A_548 {offsets = [0, 128], sizes = [32, 128], strides = [1, 1]} : vector<32x512xf32> to vector<32x128xf32>
    %slice3A_551 = vector.extract_strided_slice %slice3A_548 {offsets = [0, 256], sizes = [32, 128], strides = [1, 1]} : vector<32x512xf32> to vector<32x128xf32>
    %slice3A_552 = vector.extract_strided_slice %slice3A_548 {offsets = [0, 384], sizes = [32, 128], strides = [1, 1]} : vector<32x512xf32> to vector<32x128xf32>
    %concatenate3A_553 = tpu.concatenate %slice3A_549, %slice3A_550, %slice3A_551, %slice3A_552 in 0 : vector<32x128xf32>, vector<32x128xf32>, vector<32x128xf32>, vector<32x128xf32> -> vector<128x128xf32>
    %transpose3A_554 = tpu.transpose %concatenate3A_553, [1, 0] : vector<128x128xf32> -> vector<128x128xf32>
    %swap3A_555 = arith.constant 7040 : index
    %swap3A_556 = arith.constant 0 : index
    %swap3A_557 = vector.load %arg2[%swap3A_555, %swap3A_556] : memref<16384x128xf32, #tpu.memory_space<vmem>>, vector<128x128xf32>
    tpu.vector_store %arg2[%swap3A_555, %swap3A_556], %transpose3A_554 {strides = array<i32>} : memref<16384x128xf32, #tpu.memory_space<vmem>>, vector<128x128xf32>,
    %slice3A_558 = vector.extract_strided_slice %get3A_1 {offsets = [0, 28672], sizes = [32, 512], strides = [1, 1]} : vector<32x65536xf32> to vector<32x512xf32>
    %slice3A_559 = vector.extract_strided_slice %slice3A_558 {offsets = [0, 0], sizes = [32, 128], strides = [1, 1]} : vector<32x512xf32> to vector<32x128xf32>
    %slice3A_560 = vector.extract_strided_slice %slice3A_558 {offsets = [0, 128], sizes = [32, 128], strides = [1, 1]} : vector<32x512xf32> to vector<32x128xf32>
    %slice3A_561 = vector.extract_strided_slice %slice3A_558 {offsets = [0, 256], sizes = [32, 128], strides = [1, 1]} : vector<32x512xf32> to vector<32x128xf32>
    %slice3A_562 = vector.extract_strided_slice %slice3A_558 {offsets = [0, 384], sizes = [32, 128], strides = [1, 1]} : vector<32x512xf32> to vector<32x128xf32>
    %concatenate3A_563 = tpu.concatenate %slice3A_559, %slice3A_560, %slice3A_561, %slice3A_562 in 0 : vector<32x128xf32>, vector<32x128xf32>, vector<32x128xf32>, vector<32x128xf32> -> vector<128x128xf32>
    %transpose3A_564 = tpu.transpose %concatenate3A_563, [1, 0] : vector<128x128xf32> -> vector<128x128xf32>
    %swap3A_565 = arith.constant 7168 : index
    %swap3A_566 = arith.constant 0 : index
    %swap3A_567 = vector.load %arg2[%swap3A_565, %swap3A_566] : memref<16384x128xf32, #tpu.memory_space<vmem>>, vector<128x128xf32>
    tpu.vector_store %arg2[%swap3A_565, %swap3A_566], %transpose3A_564 {strides = array<i32>} : memref<16384x128xf32, #tpu.memory_space<vmem>>, vector<128x128xf32>,
    %slice3A_568 = vector.extract_strided_slice %get3A_1 {offsets = [0, 29184], sizes = [32, 512], strides = [1, 1]} : vector<32x65536xf32> to vector<32x512xf32>
    %slice3A_569 = vector.extract_strided_slice %slice3A_568 {offsets = [0, 0], sizes = [32, 128], strides = [1, 1]} : vector<32x512xf32> to vector<32x128xf32>
    %slice3A_570 = vector.extract_strided_slice %slice3A_568 {offsets = [0, 128], sizes = [32, 128], strides = [1, 1]} : vector<32x512xf32> to vector<32x128xf32>
    %slice3A_571 = vector.extract_strided_slice %slice3A_568 {offsets = [0, 256], sizes = [32, 128], strides = [1, 1]} : vector<32x512xf32> to vector<32x128xf32>
    %slice3A_572 = vector.extract_strided_slice %slice3A_568 {offsets = [0, 384], sizes = [32, 128], strides = [1, 1]} : vector<32x512xf32> to vector<32x128xf32>
    %concatenate3A_573 = tpu.concatenate %slice3A_569, %slice3A_570, %slice3A_571, %slice3A_572 in 0 : vector<32x128xf32>, vector<32x128xf32>, vector<32x128xf32>, vector<32x128xf32> -> vector<128x128xf32>
    %transpose3A_574 = tpu.transpose %concatenate3A_573, [1, 0] : vector<128x128xf32> -> vector<128x128xf32>
    %swap3A_575 = arith.constant 7296 : index
    %swap3A_576 = arith.constant 0 : index
    %swap3A_577 = vector.load %arg2[%swap3A_575, %swap3A_576] : memref<16384x128xf32, #tpu.memory_space<vmem>>, vector<128x128xf32>
    tpu.vector_store %arg2[%swap3A_575, %swap3A_576], %transpose3A_574 {strides = array<i32>} : memref<16384x128xf32, #tpu.memory_space<vmem>>, vector<128x128xf32>,
    %slice3A_578 = vector.extract_strided_slice %get3A_1 {offsets = [0, 29696], sizes = [32, 512], strides = [1, 1]} : vector<32x65536xf32> to vector<32x512xf32>
    %slice3A_579 = vector.extract_strided_slice %slice3A_578 {offsets = [0, 0], sizes = [32, 128], strides = [1, 1]} : vector<32x512xf32> to vector<32x128xf32>
    %slice3A_580 = vector.extract_strided_slice %slice3A_578 {offsets = [0, 128], sizes = [32, 128], strides = [1, 1]} : vector<32x512xf32> to vector<32x128xf32>
    %slice3A_581 = vector.extract_strided_slice %slice3A_578 {offsets = [0, 256], sizes = [32, 128], strides = [1, 1]} : vector<32x512xf32> to vector<32x128xf32>
    %slice3A_582 = vector.extract_strided_slice %slice3A_578 {offsets = [0, 384], sizes = [32, 128], strides = [1, 1]} : vector<32x512xf32> to vector<32x128xf32>
    %concatenate3A_583 = tpu.concatenate %slice3A_579, %slice3A_580, %slice3A_581, %slice3A_582 in 0 : vector<32x128xf32>, vector<32x128xf32>, vector<32x128xf32>, vector<32x128xf32> -> vector<128x128xf32>
    %transpose3A_584 = tpu.transpose %concatenate3A_583, [1, 0] : vector<128x128xf32> -> vector<128x128xf32>
    %swap3A_585 = arith.constant 7424 : index
    %swap3A_586 = arith.constant 0 : index
    %swap3A_587 = vector.load %arg2[%swap3A_585, %swap3A_586] : memref<16384x128xf32, #tpu.memory_space<vmem>>, vector<128x128xf32>
    tpu.vector_store %arg2[%swap3A_585, %swap3A_586], %transpose3A_584 {strides = array<i32>} : memref<16384x128xf32, #tpu.memory_space<vmem>>, vector<128x128xf32>,
    %slice3A_588 = vector.extract_strided_slice %get3A_1 {offsets = [0, 30208], sizes = [32, 512], strides = [1, 1]} : vector<32x65536xf32> to vector<32x512xf32>
    %slice3A_589 = vector.extract_strided_slice %slice3A_588 {offsets = [0, 0], sizes = [32, 128], strides = [1, 1]} : vector<32x512xf32> to vector<32x128xf32>
    %slice3A_590 = vector.extract_strided_slice %slice3A_588 {offsets = [0, 128], sizes = [32, 128], strides = [1, 1]} : vector<32x512xf32> to vector<32x128xf32>
    %slice3A_591 = vector.extract_strided_slice %slice3A_588 {offsets = [0, 256], sizes = [32, 128], strides = [1, 1]} : vector<32x512xf32> to vector<32x128xf32>
    %slice3A_592 = vector.extract_strided_slice %slice3A_588 {offsets = [0, 384], sizes = [32, 128], strides = [1, 1]} : vector<32x512xf32> to vector<32x128xf32>
    %concatenate3A_593 = tpu.concatenate %slice3A_589, %slice3A_590, %slice3A_591, %slice3A_592 in 0 : vector<32x128xf32>, vector<32x128xf32>, vector<32x128xf32>, vector<32x128xf32> -> vector<128x128xf32>
    %transpose3A_594 = tpu.transpose %concatenate3A_593, [1, 0] : vector<128x128xf32> -> vector<128x128xf32>
    %swap3A_595 = arith.constant 7552 : index
    %swap3A_596 = arith.constant 0 : index
    %swap3A_597 = vector.load %arg2[%swap3A_595, %swap3A_596] : memref<16384x128xf32, #tpu.memory_space<vmem>>, vector<128x128xf32>
    tpu.vector_store %arg2[%swap3A_595, %swap3A_596], %transpose3A_594 {strides = array<i32>} : memref<16384x128xf32, #tpu.memory_space<vmem>>, vector<128x128xf32>,
    %slice3A_598 = vector.extract_strided_slice %get3A_1 {offsets = [0, 30720], sizes = [32, 512], strides = [1, 1]} : vector<32x65536xf32> to vector<32x512xf32>
    %slice3A_599 = vector.extract_strided_slice %slice3A_598 {offsets = [0, 0], sizes = [32, 128], strides = [1, 1]} : vector<32x512xf32> to vector<32x128xf32>
    %slice3A_600 = vector.extract_strided_slice %slice3A_598 {offsets = [0, 128], sizes = [32, 128], strides = [1, 1]} : vector<32x512xf32> to vector<32x128xf32>
    %slice3A_601 = vector.extract_strided_slice %slice3A_598 {offsets = [0, 256], sizes = [32, 128], strides = [1, 1]} : vector<32x512xf32> to vector<32x128xf32>
    %slice3A_602 = vector.extract_strided_slice %slice3A_598 {offsets = [0, 384], sizes = [32, 128], strides = [1, 1]} : vector<32x512xf32> to vector<32x128xf32>
    %concatenate3A_603 = tpu.concatenate %slice3A_599, %slice3A_600, %slice3A_601, %slice3A_602 in 0 : vector<32x128xf32>, vector<32x128xf32>, vector<32x128xf32>, vector<32x128xf32> -> vector<128x128xf32>
    %transpose3A_604 = tpu.transpose %concatenate3A_603, [1, 0] : vector<128x128xf32> -> vector<128x128xf32>
    %swap3A_605 = arith.constant 7680 : index
    %swap3A_606 = arith.constant 0 : index
    %swap3A_607 = vector.load %arg2[%swap3A_605, %swap3A_606] : memref<16384x128xf32, #tpu.memory_space<vmem>>, vector<128x128xf32>
    tpu.vector_store %arg2[%swap3A_605, %swap3A_606], %transpose3A_604 {strides = array<i32>} : memref<16384x128xf32, #tpu.memory_space<vmem>>, vector<128x128xf32>,
    %slice3A_608 = vector.extract_strided_slice %get3A_1 {offsets = [0, 31232], sizes = [32, 512], strides = [1, 1]} : vector<32x65536xf32> to vector<32x512xf32>
    %slice3A_609 = vector.extract_strided_slice %slice3A_608 {offsets = [0, 0], sizes = [32, 128], strides = [1, 1]} : vector<32x512xf32> to vector<32x128xf32>
    %slice3A_610 = vector.extract_strided_slice %slice3A_608 {offsets = [0, 128], sizes = [32, 128], strides = [1, 1]} : vector<32x512xf32> to vector<32x128xf32>
    %slice3A_611 = vector.extract_strided_slice %slice3A_608 {offsets = [0, 256], sizes = [32, 128], strides = [1, 1]} : vector<32x512xf32> to vector<32x128xf32>
    %slice3A_612 = vector.extract_strided_slice %slice3A_608 {offsets = [0, 384], sizes = [32, 128], strides = [1, 1]} : vector<32x512xf32> to vector<32x128xf32>
    %concatenate3A_613 = tpu.concatenate %slice3A_609, %slice3A_610, %slice3A_611, %slice3A_612 in 0 : vector<32x128xf32>, vector<32x128xf32>, vector<32x128xf32>, vector<32x128xf32> -> vector<128x128xf32>
    %transpose3A_614 = tpu.transpose %concatenate3A_613, [1, 0] : vector<128x128xf32> -> vector<128x128xf32>
    %swap3A_615 = arith.constant 7808 : index
    %swap3A_616 = arith.constant 0 : index
    %swap3A_617 = vector.load %arg2[%swap3A_615, %swap3A_616] : memref<16384x128xf32, #tpu.memory_space<vmem>>, vector<128x128xf32>
    tpu.vector_store %arg2[%swap3A_615, %swap3A_616], %transpose3A_614 {strides = array<i32>} : memref<16384x128xf32, #tpu.memory_space<vmem>>, vector<128x128xf32>,
    %slice3A_618 = vector.extract_strided_slice %get3A_1 {offsets = [0, 31744], sizes = [32, 512], strides = [1, 1]} : vector<32x65536xf32> to vector<32x512xf32>
    %slice3A_619 = vector.extract_strided_slice %slice3A_618 {offsets = [0, 0], sizes = [32, 128], strides = [1, 1]} : vector<32x512xf32> to vector<32x128xf32>
    %slice3A_620 = vector.extract_strided_slice %slice3A_618 {offsets = [0, 128], sizes = [32, 128], strides = [1, 1]} : vector<32x512xf32> to vector<32x128xf32>
    %slice3A_621 = vector.extract_strided_slice %slice3A_618 {offsets = [0, 256], sizes = [32, 128], strides = [1, 1]} : vector<32x512xf32> to vector<32x128xf32>
    %slice3A_622 = vector.extract_strided_slice %slice3A_618 {offsets = [0, 384], sizes = [32, 128], strides = [1, 1]} : vector<32x512xf32> to vector<32x128xf32>
    %concatenate3A_623 = tpu.concatenate %slice3A_619, %slice3A_620, %slice3A_621, %slice3A_622 in 0 : vector<32x128xf32>, vector<32x128xf32>, vector<32x128xf32>, vector<32x128xf32> -> vector<128x128xf32>
    %transpose3A_624 = tpu.transpose %concatenate3A_623, [1, 0] : vector<128x128xf32> -> vector<128x128xf32>
    %swap3A_625 = arith.constant 7936 : index
    %swap3A_626 = arith.constant 0 : index
    %swap3A_627 = vector.load %arg2[%swap3A_625, %swap3A_626] : memref<16384x128xf32, #tpu.memory_space<vmem>>, vector<128x128xf32>
    tpu.vector_store %arg2[%swap3A_625, %swap3A_626], %transpose3A_624 {strides = array<i32>} : memref<16384x128xf32, #tpu.memory_space<vmem>>, vector<128x128xf32>,
    %slice3A_628 = vector.extract_strided_slice %get3A_1 {offsets = [0, 32256], sizes = [32, 512], strides = [1, 1]} : vector<32x65536xf32> to vector<32x512xf32>
    %slice3A_629 = vector.extract_strided_slice %slice3A_628 {offsets = [0, 0], sizes = [32, 128], strides = [1, 1]} : vector<32x512xf32> to vector<32x128xf32>
    %slice3A_630 = vector.extract_strided_slice %slice3A_628 {offsets = [0, 128], sizes = [32, 128], strides = [1, 1]} : vector<32x512xf32> to vector<32x128xf32>
    %slice3A_631 = vector.extract_strided_slice %slice3A_628 {offsets = [0, 256], sizes = [32, 128], strides = [1, 1]} : vector<32x512xf32> to vector<32x128xf32>
    %slice3A_632 = vector.extract_strided_slice %slice3A_628 {offsets = [0, 384], sizes = [32, 128], strides = [1, 1]} : vector<32x512xf32> to vector<32x128xf32>
    %concatenate3A_633 = tpu.concatenate %slice3A_629, %slice3A_630, %slice3A_631, %slice3A_632 in 0 : vector<32x128xf32>, vector<32x128xf32>, vector<32x128xf32>, vector<32x128xf32> -> vector<128x128xf32>
    %transpose3A_634 = tpu.transpose %concatenate3A_633, [1, 0] : vector<128x128xf32> -> vector<128x128xf32>
    %swap3A_635 = arith.constant 8064 : index
    %swap3A_636 = arith.constant 0 : index
    %swap3A_637 = vector.load %arg2[%swap3A_635, %swap3A_636] : memref<16384x128xf32, #tpu.memory_space<vmem>>, vector<128x128xf32>
    tpu.vector_store %arg2[%swap3A_635, %swap3A_636], %transpose3A_634 {strides = array<i32>} : memref<16384x128xf32, #tpu.memory_space<vmem>>, vector<128x128xf32>,
    %slice3A_638 = vector.extract_strided_slice %get3A_1 {offsets = [0, 32768], sizes = [32, 512], strides = [1, 1]} : vector<32x65536xf32> to vector<32x512xf32>
    %slice3A_639 = vector.extract_strided_slice %slice3A_638 {offsets = [0, 0], sizes = [32, 128], strides = [1, 1]} : vector<32x512xf32> to vector<32x128xf32>
    %slice3A_640 = vector.extract_strided_slice %slice3A_638 {offsets = [0, 128], sizes = [32, 128], strides = [1, 1]} : vector<32x512xf32> to vector<32x128xf32>
    %slice3A_641 = vector.extract_strided_slice %slice3A_638 {offsets = [0, 256], sizes = [32, 128], strides = [1, 1]} : vector<32x512xf32> to vector<32x128xf32>
    %slice3A_642 = vector.extract_strided_slice %slice3A_638 {offsets = [0, 384], sizes = [32, 128], strides = [1, 1]} : vector<32x512xf32> to vector<32x128xf32>
    %concatenate3A_643 = tpu.concatenate %slice3A_639, %slice3A_640, %slice3A_641, %slice3A_642 in 0 : vector<32x128xf32>, vector<32x128xf32>, vector<32x128xf32>, vector<32x128xf32> -> vector<128x128xf32>
    %transpose3A_644 = tpu.transpose %concatenate3A_643, [1, 0] : vector<128x128xf32> -> vector<128x128xf32>
    %swap3A_645 = arith.constant 8192 : index
    %swap3A_646 = arith.constant 0 : index
    %swap3A_647 = vector.load %arg2[%swap3A_645, %swap3A_646] : memref<16384x128xf32, #tpu.memory_space<vmem>>, vector<128x128xf32>
    tpu.vector_store %arg2[%swap3A_645, %swap3A_646], %transpose3A_644 {strides = array<i32>} : memref<16384x128xf32, #tpu.memory_space<vmem>>, vector<128x128xf32>,
    %slice3A_648 = vector.extract_strided_slice %get3A_1 {offsets = [0, 33280], sizes = [32, 512], strides = [1, 1]} : vector<32x65536xf32> to vector<32x512xf32>
    %slice3A_649 = vector.extract_strided_slice %slice3A_648 {offsets = [0, 0], sizes = [32, 128], strides = [1, 1]} : vector<32x512xf32> to vector<32x128xf32>
    %slice3A_650 = vector.extract_strided_slice %slice3A_648 {offsets = [0, 128], sizes = [32, 128], strides = [1, 1]} : vector<32x512xf32> to vector<32x128xf32>
    %slice3A_651 = vector.extract_strided_slice %slice3A_648 {offsets = [0, 256], sizes = [32, 128], strides = [1, 1]} : vector<32x512xf32> to vector<32x128xf32>
    %slice3A_652 = vector.extract_strided_slice %slice3A_648 {offsets = [0, 384], sizes = [32, 128], strides = [1, 1]} : vector<32x512xf32> to vector<32x128xf32>
    %concatenate3A_653 = tpu.concatenate %slice3A_649, %slice3A_650, %slice3A_651, %slice3A_652 in 0 : vector<32x128xf32>, vector<32x128xf32>, vector<32x128xf32>, vector<32x128xf32> -> vector<128x128xf32>
    %transpose3A_654 = tpu.transpose %concatenate3A_653, [1, 0] : vector<128x128xf32> -> vector<128x128xf32>
    %swap3A_655 = arith.constant 8320 : index
    %swap3A_656 = arith.constant 0 : index
    %swap3A_657 = vector.load %arg2[%swap3A_655, %swap3A_656] : memref<16384x128xf32, #tpu.memory_space<vmem>>, vector<128x128xf32>
    tpu.vector_store %arg2[%swap3A_655, %swap3A_656], %transpose3A_654 {strides = array<i32>} : memref<16384x128xf32, #tpu.memory_space<vmem>>, vector<128x128xf32>,
    %slice3A_658 = vector.extract_strided_slice %get3A_1 {offsets = [0, 33792], sizes = [32, 512], strides = [1, 1]} : vector<32x65536xf32> to vector<32x512xf32>
    %slice3A_659 = vector.extract_strided_slice %slice3A_658 {offsets = [0, 0], sizes = [32, 128], strides = [1, 1]} : vector<32x512xf32> to vector<32x128xf32>
    %slice3A_660 = vector.extract_strided_slice %slice3A_658 {offsets = [0, 128], sizes = [32, 128], strides = [1, 1]} : vector<32x512xf32> to vector<32x128xf32>
    %slice3A_661 = vector.extract_strided_slice %slice3A_658 {offsets = [0, 256], sizes = [32, 128], strides = [1, 1]} : vector<32x512xf32> to vector<32x128xf32>
    %slice3A_662 = vector.extract_strided_slice %slice3A_658 {offsets = [0, 384], sizes = [32, 128], strides = [1, 1]} : vector<32x512xf32> to vector<32x128xf32>
    %concatenate3A_663 = tpu.concatenate %slice3A_659, %slice3A_660, %slice3A_661, %slice3A_662 in 0 : vector<32x128xf32>, vector<32x128xf32>, vector<32x128xf32>, vector<32x128xf32> -> vector<128x128xf32>
    %transpose3A_664 = tpu.transpose %concatenate3A_663, [1, 0] : vector<128x128xf32> -> vector<128x128xf32>
    %swap3A_665 = arith.constant 8448 : index
    %swap3A_666 = arith.constant 0 : index
    %swap3A_667 = vector.load %arg2[%swap3A_665, %swap3A_666] : memref<16384x128xf32, #tpu.memory_space<vmem>>, vector<128x128xf32>
    tpu.vector_store %arg2[%swap3A_665, %swap3A_666], %transpose3A_664 {strides = array<i32>} : memref<16384x128xf32, #tpu.memory_space<vmem>>, vector<128x128xf32>,
    %slice3A_668 = vector.extract_strided_slice %get3A_1 {offsets = [0, 34304], sizes = [32, 512], strides = [1, 1]} : vector<32x65536xf32> to vector<32x512xf32>
    %slice3A_669 = vector.extract_strided_slice %slice3A_668 {offsets = [0, 0], sizes = [32, 128], strides = [1, 1]} : vector<32x512xf32> to vector<32x128xf32>
    %slice3A_670 = vector.extract_strided_slice %slice3A_668 {offsets = [0, 128], sizes = [32, 128], strides = [1, 1]} : vector<32x512xf32> to vector<32x128xf32>
    %slice3A_671 = vector.extract_strided_slice %slice3A_668 {offsets = [0, 256], sizes = [32, 128], strides = [1, 1]} : vector<32x512xf32> to vector<32x128xf32>
    %slice3A_672 = vector.extract_strided_slice %slice3A_668 {offsets = [0, 384], sizes = [32, 128], strides = [1, 1]} : vector<32x512xf32> to vector<32x128xf32>
    %concatenate3A_673 = tpu.concatenate %slice3A_669, %slice3A_670, %slice3A_671, %slice3A_672 in 0 : vector<32x128xf32>, vector<32x128xf32>, vector<32x128xf32>, vector<32x128xf32> -> vector<128x128xf32>
    %transpose3A_674 = tpu.transpose %concatenate3A_673, [1, 0] : vector<128x128xf32> -> vector<128x128xf32>
    %swap3A_675 = arith.constant 8576 : index
    %swap3A_676 = arith.constant 0 : index
    %swap3A_677 = vector.load %arg2[%swap3A_675, %swap3A_676] : memref<16384x128xf32, #tpu.memory_space<vmem>>, vector<128x128xf32>
    tpu.vector_store %arg2[%swap3A_675, %swap3A_676], %transpose3A_674 {strides = array<i32>} : memref<16384x128xf32, #tpu.memory_space<vmem>>, vector<128x128xf32>,
    %slice3A_678 = vector.extract_strided_slice %get3A_1 {offsets = [0, 34816], sizes = [32, 512], strides = [1, 1]} : vector<32x65536xf32> to vector<32x512xf32>
    %slice3A_679 = vector.extract_strided_slice %slice3A_678 {offsets = [0, 0], sizes = [32, 128], strides = [1, 1]} : vector<32x512xf32> to vector<32x128xf32>
    %slice3A_680 = vector.extract_strided_slice %slice3A_678 {offsets = [0, 128], sizes = [32, 128], strides = [1, 1]} : vector<32x512xf32> to vector<32x128xf32>
    %slice3A_681 = vector.extract_strided_slice %slice3A_678 {offsets = [0, 256], sizes = [32, 128], strides = [1, 1]} : vector<32x512xf32> to vector<32x128xf32>
    %slice3A_682 = vector.extract_strided_slice %slice3A_678 {offsets = [0, 384], sizes = [32, 128], strides = [1, 1]} : vector<32x512xf32> to vector<32x128xf32>
    %concatenate3A_683 = tpu.concatenate %slice3A_679, %slice3A_680, %slice3A_681, %slice3A_682 in 0 : vector<32x128xf32>, vector<32x128xf32>, vector<32x128xf32>, vector<32x128xf32> -> vector<128x128xf32>
    %transpose3A_684 = tpu.transpose %concatenate3A_683, [1, 0] : vector<128x128xf32> -> vector<128x128xf32>
    %swap3A_685 = arith.constant 8704 : index
    %swap3A_686 = arith.constant 0 : index
    %swap3A_687 = vector.load %arg2[%swap3A_685, %swap3A_686] : memref<16384x128xf32, #tpu.memory_space<vmem>>, vector<128x128xf32>
    tpu.vector_store %arg2[%swap3A_685, %swap3A_686], %transpose3A_684 {strides = array<i32>} : memref<16384x128xf32, #tpu.memory_space<vmem>>, vector<128x128xf32>,
    %slice3A_688 = vector.extract_strided_slice %get3A_1 {offsets = [0, 35328], sizes = [32, 512], strides = [1, 1]} : vector<32x65536xf32> to vector<32x512xf32>
    %slice3A_689 = vector.extract_strided_slice %slice3A_688 {offsets = [0, 0], sizes = [32, 128], strides = [1, 1]} : vector<32x512xf32> to vector<32x128xf32>
    %slice3A_690 = vector.extract_strided_slice %slice3A_688 {offsets = [0, 128], sizes = [32, 128], strides = [1, 1]} : vector<32x512xf32> to vector<32x128xf32>
    %slice3A_691 = vector.extract_strided_slice %slice3A_688 {offsets = [0, 256], sizes = [32, 128], strides = [1, 1]} : vector<32x512xf32> to vector<32x128xf32>
    %slice3A_692 = vector.extract_strided_slice %slice3A_688 {offsets = [0, 384], sizes = [32, 128], strides = [1, 1]} : vector<32x512xf32> to vector<32x128xf32>
    %concatenate3A_693 = tpu.concatenate %slice3A_689, %slice3A_690, %slice3A_691, %slice3A_692 in 0 : vector<32x128xf32>, vector<32x128xf32>, vector<32x128xf32>, vector<32x128xf32> -> vector<128x128xf32>
    %transpose3A_694 = tpu.transpose %concatenate3A_693, [1, 0] : vector<128x128xf32> -> vector<128x128xf32>
    %swap3A_695 = arith.constant 8832 : index
    %swap3A_696 = arith.constant 0 : index
    %swap3A_697 = vector.load %arg2[%swap3A_695, %swap3A_696] : memref<16384x128xf32, #tpu.memory_space<vmem>>, vector<128x128xf32>
    tpu.vector_store %arg2[%swap3A_695, %swap3A_696], %transpose3A_694 {strides = array<i32>} : memref<16384x128xf32, #tpu.memory_space<vmem>>, vector<128x128xf32>,
    %slice3A_698 = vector.extract_strided_slice %get3A_1 {offsets = [0, 35840], sizes = [32, 512], strides = [1, 1]} : vector<32x65536xf32> to vector<32x512xf32>
    %slice3A_699 = vector.extract_strided_slice %slice3A_698 {offsets = [0, 0], sizes = [32, 128], strides = [1, 1]} : vector<32x512xf32> to vector<32x128xf32>
    %slice3A_700 = vector.extract_strided_slice %slice3A_698 {offsets = [0, 128], sizes = [32, 128], strides = [1, 1]} : vector<32x512xf32> to vector<32x128xf32>
    %slice3A_701 = vector.extract_strided_slice %slice3A_698 {offsets = [0, 256], sizes = [32, 128], strides = [1, 1]} : vector<32x512xf32> to vector<32x128xf32>
    %slice3A_702 = vector.extract_strided_slice %slice3A_698 {offsets = [0, 384], sizes = [32, 128], strides = [1, 1]} : vector<32x512xf32> to vector<32x128xf32>
    %concatenate3A_703 = tpu.concatenate %slice3A_699, %slice3A_700, %slice3A_701, %slice3A_702 in 0 : vector<32x128xf32>, vector<32x128xf32>, vector<32x128xf32>, vector<32x128xf32> -> vector<128x128xf32>
    %transpose3A_704 = tpu.transpose %concatenate3A_703, [1, 0] : vector<128x128xf32> -> vector<128x128xf32>
    %swap3A_705 = arith.constant 8960 : index
    %swap3A_706 = arith.constant 0 : index
    %swap3A_707 = vector.load %arg2[%swap3A_705, %swap3A_706] : memref<16384x128xf32, #tpu.memory_space<vmem>>, vector<128x128xf32>
    tpu.vector_store %arg2[%swap3A_705, %swap3A_706], %transpose3A_704 {strides = array<i32>} : memref<16384x128xf32, #tpu.memory_space<vmem>>, vector<128x128xf32>,
    %slice3A_708 = vector.extract_strided_slice %get3A_1 {offsets = [0, 36352], sizes = [32, 512], strides = [1, 1]} : vector<32x65536xf32> to vector<32x512xf32>
    %slice3A_709 = vector.extract_strided_slice %slice3A_708 {offsets = [0, 0], sizes = [32, 128], strides = [1, 1]} : vector<32x512xf32> to vector<32x128xf32>
    %slice3A_710 = vector.extract_strided_slice %slice3A_708 {offsets = [0, 128], sizes = [32, 128], strides = [1, 1]} : vector<32x512xf32> to vector<32x128xf32>
    %slice3A_711 = vector.extract_strided_slice %slice3A_708 {offsets = [0, 256], sizes = [32, 128], strides = [1, 1]} : vector<32x512xf32> to vector<32x128xf32>
    %slice3A_712 = vector.extract_strided_slice %slice3A_708 {offsets = [0, 384], sizes = [32, 128], strides = [1, 1]} : vector<32x512xf32> to vector<32x128xf32>
    %concatenate3A_713 = tpu.concatenate %slice3A_709, %slice3A_710, %slice3A_711, %slice3A_712 in 0 : vector<32x128xf32>, vector<32x128xf32>, vector<32x128xf32>, vector<32x128xf32> -> vector<128x128xf32>
    %transpose3A_714 = tpu.transpose %concatenate3A_713, [1, 0] : vector<128x128xf32> -> vector<128x128xf32>
    %swap3A_715 = arith.constant 9088 : index
    %swap3A_716 = arith.constant 0 : index
    %swap3A_717 = vector.load %arg2[%swap3A_715, %swap3A_716] : memref<16384x128xf32, #tpu.memory_space<vmem>>, vector<128x128xf32>
    tpu.vector_store %arg2[%swap3A_715, %swap3A_716], %transpose3A_714 {strides = array<i32>} : memref<16384x128xf32, #tpu.memory_space<vmem>>, vector<128x128xf32>,
    %slice3A_718 = vector.extract_strided_slice %get3A_1 {offsets = [0, 36864], sizes = [32, 512], strides = [1, 1]} : vector<32x65536xf32> to vector<32x512xf32>
    %slice3A_719 = vector.extract_strided_slice %slice3A_718 {offsets = [0, 0], sizes = [32, 128], strides = [1, 1]} : vector<32x512xf32> to vector<32x128xf32>
    %slice3A_720 = vector.extract_strided_slice %slice3A_718 {offsets = [0, 128], sizes = [32, 128], strides = [1, 1]} : vector<32x512xf32> to vector<32x128xf32>
    %slice3A_721 = vector.extract_strided_slice %slice3A_718 {offsets = [0, 256], sizes = [32, 128], strides = [1, 1]} : vector<32x512xf32> to vector<32x128xf32>
    %slice3A_722 = vector.extract_strided_slice %slice3A_718 {offsets = [0, 384], sizes = [32, 128], strides = [1, 1]} : vector<32x512xf32> to vector<32x128xf32>
    %concatenate3A_723 = tpu.concatenate %slice3A_719, %slice3A_720, %slice3A_721, %slice3A_722 in 0 : vector<32x128xf32>, vector<32x128xf32>, vector<32x128xf32>, vector<32x128xf32> -> vector<128x128xf32>
    %transpose3A_724 = tpu.transpose %concatenate3A_723, [1, 0] : vector<128x128xf32> -> vector<128x128xf32>
    %swap3A_725 = arith.constant 9216 : index
    %swap3A_726 = arith.constant 0 : index
    %swap3A_727 = vector.load %arg2[%swap3A_725, %swap3A_726] : memref<16384x128xf32, #tpu.memory_space<vmem>>, vector<128x128xf32>
    tpu.vector_store %arg2[%swap3A_725, %swap3A_726], %transpose3A_724 {strides = array<i32>} : memref<16384x128xf32, #tpu.memory_space<vmem>>, vector<128x128xf32>,
    %slice3A_728 = vector.extract_strided_slice %get3A_1 {offsets = [0, 37376], sizes = [32, 512], strides = [1, 1]} : vector<32x65536xf32> to vector<32x512xf32>
    %slice3A_729 = vector.extract_strided_slice %slice3A_728 {offsets = [0, 0], sizes = [32, 128], strides = [1, 1]} : vector<32x512xf32> to vector<32x128xf32>
    %slice3A_730 = vector.extract_strided_slice %slice3A_728 {offsets = [0, 128], sizes = [32, 128], strides = [1, 1]} : vector<32x512xf32> to vector<32x128xf32>
    %slice3A_731 = vector.extract_strided_slice %slice3A_728 {offsets = [0, 256], sizes = [32, 128], strides = [1, 1]} : vector<32x512xf32> to vector<32x128xf32>
    %slice3A_732 = vector.extract_strided_slice %slice3A_728 {offsets = [0, 384], sizes = [32, 128], strides = [1, 1]} : vector<32x512xf32> to vector<32x128xf32>
    %concatenate3A_733 = tpu.concatenate %slice3A_729, %slice3A_730, %slice3A_731, %slice3A_732 in 0 : vector<32x128xf32>, vector<32x128xf32>, vector<32x128xf32>, vector<32x128xf32> -> vector<128x128xf32>
    %transpose3A_734 = tpu.transpose %concatenate3A_733, [1, 0] : vector<128x128xf32> -> vector<128x128xf32>
    %swap3A_735 = arith.constant 9344 : index
    %swap3A_736 = arith.constant 0 : index
    %swap3A_737 = vector.load %arg2[%swap3A_735, %swap3A_736] : memref<16384x128xf32, #tpu.memory_space<vmem>>, vector<128x128xf32>
    tpu.vector_store %arg2[%swap3A_735, %swap3A_736], %transpose3A_734 {strides = array<i32>} : memref<16384x128xf32, #tpu.memory_space<vmem>>, vector<128x128xf32>,
    %slice3A_738 = vector.extract_strided_slice %get3A_1 {offsets = [0, 37888], sizes = [32, 512], strides = [1, 1]} : vector<32x65536xf32> to vector<32x512xf32>
    %slice3A_739 = vector.extract_strided_slice %slice3A_738 {offsets = [0, 0], sizes = [32, 128], strides = [1, 1]} : vector<32x512xf32> to vector<32x128xf32>
    %slice3A_740 = vector.extract_strided_slice %slice3A_738 {offsets = [0, 128], sizes = [32, 128], strides = [1, 1]} : vector<32x512xf32> to vector<32x128xf32>
    %slice3A_741 = vector.extract_strided_slice %slice3A_738 {offsets = [0, 256], sizes = [32, 128], strides = [1, 1]} : vector<32x512xf32> to vector<32x128xf32>
    %slice3A_742 = vector.extract_strided_slice %slice3A_738 {offsets = [0, 384], sizes = [32, 128], strides = [1, 1]} : vector<32x512xf32> to vector<32x128xf32>
    %concatenate3A_743 = tpu.concatenate %slice3A_739, %slice3A_740, %slice3A_741, %slice3A_742 in 0 : vector<32x128xf32>, vector<32x128xf32>, vector<32x128xf32>, vector<32x128xf32> -> vector<128x128xf32>
    %transpose3A_744 = tpu.transpose %concatenate3A_743, [1, 0] : vector<128x128xf32> -> vector<128x128xf32>
    %swap3A_745 = arith.constant 9472 : index
    %swap3A_746 = arith.constant 0 : index
    %swap3A_747 = vector.load %arg2[%swap3A_745, %swap3A_746] : memref<16384x128xf32, #tpu.memory_space<vmem>>, vector<128x128xf32>
    tpu.vector_store %arg2[%swap3A_745, %swap3A_746], %transpose3A_744 {strides = array<i32>} : memref<16384x128xf32, #tpu.memory_space<vmem>>, vector<128x128xf32>,
    %slice3A_748 = vector.extract_strided_slice %get3A_1 {offsets = [0, 38400], sizes = [32, 512], strides = [1, 1]} : vector<32x65536xf32> to vector<32x512xf32>
    %slice3A_749 = vector.extract_strided_slice %slice3A_748 {offsets = [0, 0], sizes = [32, 128], strides = [1, 1]} : vector<32x512xf32> to vector<32x128xf32>
    %slice3A_750 = vector.extract_strided_slice %slice3A_748 {offsets = [0, 128], sizes = [32, 128], strides = [1, 1]} : vector<32x512xf32> to vector<32x128xf32>
    %slice3A_751 = vector.extract_strided_slice %slice3A_748 {offsets = [0, 256], sizes = [32, 128], strides = [1, 1]} : vector<32x512xf32> to vector<32x128xf32>
    %slice3A_752 = vector.extract_strided_slice %slice3A_748 {offsets = [0, 384], sizes = [32, 128], strides = [1, 1]} : vector<32x512xf32> to vector<32x128xf32>
    %concatenate3A_753 = tpu.concatenate %slice3A_749, %slice3A_750, %slice3A_751, %slice3A_752 in 0 : vector<32x128xf32>, vector<32x128xf32>, vector<32x128xf32>, vector<32x128xf32> -> vector<128x128xf32>
    %transpose3A_754 = tpu.transpose %concatenate3A_753, [1, 0] : vector<128x128xf32> -> vector<128x128xf32>
    %swap3A_755 = arith.constant 9600 : index
    %swap3A_756 = arith.constant 0 : index
    %swap3A_757 = vector.load %arg2[%swap3A_755, %swap3A_756] : memref<16384x128xf32, #tpu.memory_space<vmem>>, vector<128x128xf32>
    tpu.vector_store %arg2[%swap3A_755, %swap3A_756], %transpose3A_754 {strides = array<i32>} : memref<16384x128xf32, #tpu.memory_space<vmem>>, vector<128x128xf32>,
    %slice3A_758 = vector.extract_strided_slice %get3A_1 {offsets = [0, 38912], sizes = [32, 512], strides = [1, 1]} : vector<32x65536xf32> to vector<32x512xf32>
    %slice3A_759 = vector.extract_strided_slice %slice3A_758 {offsets = [0, 0], sizes = [32, 128], strides = [1, 1]} : vector<32x512xf32> to vector<32x128xf32>
    %slice3A_760 = vector.extract_strided_slice %slice3A_758 {offsets = [0, 128], sizes = [32, 128], strides = [1, 1]} : vector<32x512xf32> to vector<32x128xf32>
    %slice3A_761 = vector.extract_strided_slice %slice3A_758 {offsets = [0, 256], sizes = [32, 128], strides = [1, 1]} : vector<32x512xf32> to vector<32x128xf32>
    %slice3A_762 = vector.extract_strided_slice %slice3A_758 {offsets = [0, 384], sizes = [32, 128], strides = [1, 1]} : vector<32x512xf32> to vector<32x128xf32>
    %concatenate3A_763 = tpu.concatenate %slice3A_759, %slice3A_760, %slice3A_761, %slice3A_762 in 0 : vector<32x128xf32>, vector<32x128xf32>, vector<32x128xf32>, vector<32x128xf32> -> vector<128x128xf32>
    %transpose3A_764 = tpu.transpose %concatenate3A_763, [1, 0] : vector<128x128xf32> -> vector<128x128xf32>
    %swap3A_765 = arith.constant 9728 : index
    %swap3A_766 = arith.constant 0 : index
    %swap3A_767 = vector.load %arg2[%swap3A_765, %swap3A_766] : memref<16384x128xf32, #tpu.memory_space<vmem>>, vector<128x128xf32>
    tpu.vector_store %arg2[%swap3A_765, %swap3A_766], %transpose3A_764 {strides = array<i32>} : memref<16384x128xf32, #tpu.memory_space<vmem>>, vector<128x128xf32>,
    %slice3A_768 = vector.extract_strided_slice %get3A_1 {offsets = [0, 39424], sizes = [32, 512], strides = [1, 1]} : vector<32x65536xf32> to vector<32x512xf32>
    %slice3A_769 = vector.extract_strided_slice %slice3A_768 {offsets = [0, 0], sizes = [32, 128], strides = [1, 1]} : vector<32x512xf32> to vector<32x128xf32>
    %slice3A_770 = vector.extract_strided_slice %slice3A_768 {offsets = [0, 128], sizes = [32, 128], strides = [1, 1]} : vector<32x512xf32> to vector<32x128xf32>
    %slice3A_771 = vector.extract_strided_slice %slice3A_768 {offsets = [0, 256], sizes = [32, 128], strides = [1, 1]} : vector<32x512xf32> to vector<32x128xf32>
    %slice3A_772 = vector.extract_strided_slice %slice3A_768 {offsets = [0, 384], sizes = [32, 128], strides = [1, 1]} : vector<32x512xf32> to vector<32x128xf32>
    %concatenate3A_773 = tpu.concatenate %slice3A_769, %slice3A_770, %slice3A_771, %slice3A_772 in 0 : vector<32x128xf32>, vector<32x128xf32>, vector<32x128xf32>, vector<32x128xf32> -> vector<128x128xf32>
    %transpose3A_774 = tpu.transpose %concatenate3A_773, [1, 0] : vector<128x128xf32> -> vector<128x128xf32>
    %swap3A_775 = arith.constant 9856 : index
    %swap3A_776 = arith.constant 0 : index
    %swap3A_777 = vector.load %arg2[%swap3A_775, %swap3A_776] : memref<16384x128xf32, #tpu.memory_space<vmem>>, vector<128x128xf32>
    tpu.vector_store %arg2[%swap3A_775, %swap3A_776], %transpose3A_774 {strides = array<i32>} : memref<16384x128xf32, #tpu.memory_space<vmem>>, vector<128x128xf32>,
    %slice3A_778 = vector.extract_strided_slice %get3A_1 {offsets = [0, 39936], sizes = [32, 512], strides = [1, 1]} : vector<32x65536xf32> to vector<32x512xf32>
    %slice3A_779 = vector.extract_strided_slice %slice3A_778 {offsets = [0, 0], sizes = [32, 128], strides = [1, 1]} : vector<32x512xf32> to vector<32x128xf32>
    %slice3A_780 = vector.extract_strided_slice %slice3A_778 {offsets = [0, 128], sizes = [32, 128], strides = [1, 1]} : vector<32x512xf32> to vector<32x128xf32>
    %slice3A_781 = vector.extract_strided_slice %slice3A_778 {offsets = [0, 256], sizes = [32, 128], strides = [1, 1]} : vector<32x512xf32> to vector<32x128xf32>
    %slice3A_782 = vector.extract_strided_slice %slice3A_778 {offsets = [0, 384], sizes = [32, 128], strides = [1, 1]} : vector<32x512xf32> to vector<32x128xf32>
    %concatenate3A_783 = tpu.concatenate %slice3A_779, %slice3A_780, %slice3A_781, %slice3A_782 in 0 : vector<32x128xf32>, vector<32x128xf32>, vector<32x128xf32>, vector<32x128xf32> -> vector<128x128xf32>
    %transpose3A_784 = tpu.transpose %concatenate3A_783, [1, 0] : vector<128x128xf32> -> vector<128x128xf32>
    %swap3A_785 = arith.constant 9984 : index
    %swap3A_786 = arith.constant 0 : index
    %swap3A_787 = vector.load %arg2[%swap3A_785, %swap3A_786] : memref<16384x128xf32, #tpu.memory_space<vmem>>, vector<128x128xf32>
    tpu.vector_store %arg2[%swap3A_785, %swap3A_786], %transpose3A_784 {strides = array<i32>} : memref<16384x128xf32, #tpu.memory_space<vmem>>, vector<128x128xf32>,
    %slice3A_788 = vector.extract_strided_slice %get3A_1 {offsets = [0, 40448], sizes = [32, 512], strides = [1, 1]} : vector<32x65536xf32> to vector<32x512xf32>
    %slice3A_789 = vector.extract_strided_slice %slice3A_788 {offsets = [0, 0], sizes = [32, 128], strides = [1, 1]} : vector<32x512xf32> to vector<32x128xf32>
    %slice3A_790 = vector.extract_strided_slice %slice3A_788 {offsets = [0, 128], sizes = [32, 128], strides = [1, 1]} : vector<32x512xf32> to vector<32x128xf32>
    %slice3A_791 = vector.extract_strided_slice %slice3A_788 {offsets = [0, 256], sizes = [32, 128], strides = [1, 1]} : vector<32x512xf32> to vector<32x128xf32>
    %slice3A_792 = vector.extract_strided_slice %slice3A_788 {offsets = [0, 384], sizes = [32, 128], strides = [1, 1]} : vector<32x512xf32> to vector<32x128xf32>
    %concatenate3A_793 = tpu.concatenate %slice3A_789, %slice3A_790, %slice3A_791, %slice3A_792 in 0 : vector<32x128xf32>, vector<32x128xf32>, vector<32x128xf32>, vector<32x128xf32> -> vector<128x128xf32>
    %transpose3A_794 = tpu.transpose %concatenate3A_793, [1, 0] : vector<128x128xf32> -> vector<128x128xf32>
    %swap3A_795 = arith.constant 10112 : index
    %swap3A_796 = arith.constant 0 : index
    %swap3A_797 = vector.load %arg2[%swap3A_795, %swap3A_796] : memref<16384x128xf32, #tpu.memory_space<vmem>>, vector<128x128xf32>
    tpu.vector_store %arg2[%swap3A_795, %swap3A_796], %transpose3A_794 {strides = array<i32>} : memref<16384x128xf32, #tpu.memory_space<vmem>>, vector<128x128xf32>,
    %slice3A_798 = vector.extract_strided_slice %get3A_1 {offsets = [0, 40960], sizes = [32, 512], strides = [1, 1]} : vector<32x65536xf32> to vector<32x512xf32>
    %slice3A_799 = vector.extract_strided_slice %slice3A_798 {offsets = [0, 0], sizes = [32, 128], strides = [1, 1]} : vector<32x512xf32> to vector<32x128xf32>
    %slice3A_800 = vector.extract_strided_slice %slice3A_798 {offsets = [0, 128], sizes = [32, 128], strides = [1, 1]} : vector<32x512xf32> to vector<32x128xf32>
    %slice3A_801 = vector.extract_strided_slice %slice3A_798 {offsets = [0, 256], sizes = [32, 128], strides = [1, 1]} : vector<32x512xf32> to vector<32x128xf32>
    %slice3A_802 = vector.extract_strided_slice %slice3A_798 {offsets = [0, 384], sizes = [32, 128], strides = [1, 1]} : vector<32x512xf32> to vector<32x128xf32>
    %concatenate3A_803 = tpu.concatenate %slice3A_799, %slice3A_800, %slice3A_801, %slice3A_802 in 0 : vector<32x128xf32>, vector<32x128xf32>, vector<32x128xf32>, vector<32x128xf32> -> vector<128x128xf32>
    %transpose3A_804 = tpu.transpose %concatenate3A_803, [1, 0] : vector<128x128xf32> -> vector<128x128xf32>
    %swap3A_805 = arith.constant 10240 : index
    %swap3A_806 = arith.constant 0 : index
    %swap3A_807 = vector.load %arg2[%swap3A_805, %swap3A_806] : memref<16384x128xf32, #tpu.memory_space<vmem>>, vector<128x128xf32>
    tpu.vector_store %arg2[%swap3A_805, %swap3A_806], %transpose3A_804 {strides = array<i32>} : memref<16384x128xf32, #tpu.memory_space<vmem>>, vector<128x128xf32>,
    %slice3A_808 = vector.extract_strided_slice %get3A_1 {offsets = [0, 41472], sizes = [32, 512], strides = [1, 1]} : vector<32x65536xf32> to vector<32x512xf32>
    %slice3A_809 = vector.extract_strided_slice %slice3A_808 {offsets = [0, 0], sizes = [32, 128], strides = [1, 1]} : vector<32x512xf32> to vector<32x128xf32>
    %slice3A_810 = vector.extract_strided_slice %slice3A_808 {offsets = [0, 128], sizes = [32, 128], strides = [1, 1]} : vector<32x512xf32> to vector<32x128xf32>
    %slice3A_811 = vector.extract_strided_slice %slice3A_808 {offsets = [0, 256], sizes = [32, 128], strides = [1, 1]} : vector<32x512xf32> to vector<32x128xf32>
    %slice3A_812 = vector.extract_strided_slice %slice3A_808 {offsets = [0, 384], sizes = [32, 128], strides = [1, 1]} : vector<32x512xf32> to vector<32x128xf32>
    %concatenate3A_813 = tpu.concatenate %slice3A_809, %slice3A_810, %slice3A_811, %slice3A_812 in 0 : vector<32x128xf32>, vector<32x128xf32>, vector<32x128xf32>, vector<32x128xf32> -> vector<128x128xf32>
    %transpose3A_814 = tpu.transpose %concatenate3A_813, [1, 0] : vector<128x128xf32> -> vector<128x128xf32>
    %swap3A_815 = arith.constant 10368 : index
    %swap3A_816 = arith.constant 0 : index
    %swap3A_817 = vector.load %arg2[%swap3A_815, %swap3A_816] : memref<16384x128xf32, #tpu.memory_space<vmem>>, vector<128x128xf32>
    tpu.vector_store %arg2[%swap3A_815, %swap3A_816], %transpose3A_814 {strides = array<i32>} : memref<16384x128xf32, #tpu.memory_space<vmem>>, vector<128x128xf32>,
    %slice3A_818 = vector.extract_strided_slice %get3A_1 {offsets = [0, 41984], sizes = [32, 512], strides = [1, 1]} : vector<32x65536xf32> to vector<32x512xf32>
    %slice3A_819 = vector.extract_strided_slice %slice3A_818 {offsets = [0, 0], sizes = [32, 128], strides = [1, 1]} : vector<32x512xf32> to vector<32x128xf32>
    %slice3A_820 = vector.extract_strided_slice %slice3A_818 {offsets = [0, 128], sizes = [32, 128], strides = [1, 1]} : vector<32x512xf32> to vector<32x128xf32>
    %slice3A_821 = vector.extract_strided_slice %slice3A_818 {offsets = [0, 256], sizes = [32, 128], strides = [1, 1]} : vector<32x512xf32> to vector<32x128xf32>
    %slice3A_822 = vector.extract_strided_slice %slice3A_818 {offsets = [0, 384], sizes = [32, 128], strides = [1, 1]} : vector<32x512xf32> to vector<32x128xf32>
    %concatenate3A_823 = tpu.concatenate %slice3A_819, %slice3A_820, %slice3A_821, %slice3A_822 in 0 : vector<32x128xf32>, vector<32x128xf32>, vector<32x128xf32>, vector<32x128xf32> -> vector<128x128xf32>
    %transpose3A_824 = tpu.transpose %concatenate3A_823, [1, 0] : vector<128x128xf32> -> vector<128x128xf32>
    %swap3A_825 = arith.constant 10496 : index
    %swap3A_826 = arith.constant 0 : index
    %swap3A_827 = vector.load %arg2[%swap3A_825, %swap3A_826] : memref<16384x128xf32, #tpu.memory_space<vmem>>, vector<128x128xf32>
    tpu.vector_store %arg2[%swap3A_825, %swap3A_826], %transpose3A_824 {strides = array<i32>} : memref<16384x128xf32, #tpu.memory_space<vmem>>, vector<128x128xf32>,
    %slice3A_828 = vector.extract_strided_slice %get3A_1 {offsets = [0, 42496], sizes = [32, 512], strides = [1, 1]} : vector<32x65536xf32> to vector<32x512xf32>
    %slice3A_829 = vector.extract_strided_slice %slice3A_828 {offsets = [0, 0], sizes = [32, 128], strides = [1, 1]} : vector<32x512xf32> to vector<32x128xf32>
    %slice3A_830 = vector.extract_strided_slice %slice3A_828 {offsets = [0, 128], sizes = [32, 128], strides = [1, 1]} : vector<32x512xf32> to vector<32x128xf32>
    %slice3A_831 = vector.extract_strided_slice %slice3A_828 {offsets = [0, 256], sizes = [32, 128], strides = [1, 1]} : vector<32x512xf32> to vector<32x128xf32>
    %slice3A_832 = vector.extract_strided_slice %slice3A_828 {offsets = [0, 384], sizes = [32, 128], strides = [1, 1]} : vector<32x512xf32> to vector<32x128xf32>
    %concatenate3A_833 = tpu.concatenate %slice3A_829, %slice3A_830, %slice3A_831, %slice3A_832 in 0 : vector<32x128xf32>, vector<32x128xf32>, vector<32x128xf32>, vector<32x128xf32> -> vector<128x128xf32>
    %transpose3A_834 = tpu.transpose %concatenate3A_833, [1, 0] : vector<128x128xf32> -> vector<128x128xf32>
    %swap3A_835 = arith.constant 10624 : index
    %swap3A_836 = arith.constant 0 : index
    %swap3A_837 = vector.load %arg2[%swap3A_835, %swap3A_836] : memref<16384x128xf32, #tpu.memory_space<vmem>>, vector<128x128xf32>
    tpu.vector_store %arg2[%swap3A_835, %swap3A_836], %transpose3A_834 {strides = array<i32>} : memref<16384x128xf32, #tpu.memory_space<vmem>>, vector<128x128xf32>,
    %slice3A_838 = vector.extract_strided_slice %get3A_1 {offsets = [0, 43008], sizes = [32, 512], strides = [1, 1]} : vector<32x65536xf32> to vector<32x512xf32>
    %slice3A_839 = vector.extract_strided_slice %slice3A_838 {offsets = [0, 0], sizes = [32, 128], strides = [1, 1]} : vector<32x512xf32> to vector<32x128xf32>
    %slice3A_840 = vector.extract_strided_slice %slice3A_838 {offsets = [0, 128], sizes = [32, 128], strides = [1, 1]} : vector<32x512xf32> to vector<32x128xf32>
    %slice3A_841 = vector.extract_strided_slice %slice3A_838 {offsets = [0, 256], sizes = [32, 128], strides = [1, 1]} : vector<32x512xf32> to vector<32x128xf32>
    %slice3A_842 = vector.extract_strided_slice %slice3A_838 {offsets = [0, 384], sizes = [32, 128], strides = [1, 1]} : vector<32x512xf32> to vector<32x128xf32>
    %concatenate3A_843 = tpu.concatenate %slice3A_839, %slice3A_840, %slice3A_841, %slice3A_842 in 0 : vector<32x128xf32>, vector<32x128xf32>, vector<32x128xf32>, vector<32x128xf32> -> vector<128x128xf32>
    %transpose3A_844 = tpu.transpose %concatenate3A_843, [1, 0] : vector<128x128xf32> -> vector<128x128xf32>
    %swap3A_845 = arith.constant 10752 : index
    %swap3A_846 = arith.constant 0 : index
    %swap3A_847 = vector.load %arg2[%swap3A_845, %swap3A_846] : memref<16384x128xf32, #tpu.memory_space<vmem>>, vector<128x128xf32>
    tpu.vector_store %arg2[%swap3A_845, %swap3A_846], %transpose3A_844 {strides = array<i32>} : memref<16384x128xf32, #tpu.memory_space<vmem>>, vector<128x128xf32>,
    %slice3A_848 = vector.extract_strided_slice %get3A_1 {offsets = [0, 43520], sizes = [32, 512], strides = [1, 1]} : vector<32x65536xf32> to vector<32x512xf32>
    %slice3A_849 = vector.extract_strided_slice %slice3A_848 {offsets = [0, 0], sizes = [32, 128], strides = [1, 1]} : vector<32x512xf32> to vector<32x128xf32>
    %slice3A_850 = vector.extract_strided_slice %slice3A_848 {offsets = [0, 128], sizes = [32, 128], strides = [1, 1]} : vector<32x512xf32> to vector<32x128xf32>
    %slice3A_851 = vector.extract_strided_slice %slice3A_848 {offsets = [0, 256], sizes = [32, 128], strides = [1, 1]} : vector<32x512xf32> to vector<32x128xf32>
    %slice3A_852 = vector.extract_strided_slice %slice3A_848 {offsets = [0, 384], sizes = [32, 128], strides = [1, 1]} : vector<32x512xf32> to vector<32x128xf32>
    %concatenate3A_853 = tpu.concatenate %slice3A_849, %slice3A_850, %slice3A_851, %slice3A_852 in 0 : vector<32x128xf32>, vector<32x128xf32>, vector<32x128xf32>, vector<32x128xf32> -> vector<128x128xf32>
    %transpose3A_854 = tpu.transpose %concatenate3A_853, [1, 0] : vector<128x128xf32> -> vector<128x128xf32>
    %swap3A_855 = arith.constant 10880 : index
    %swap3A_856 = arith.constant 0 : index
    %swap3A_857 = vector.load %arg2[%swap3A_855, %swap3A_856] : memref<16384x128xf32, #tpu.memory_space<vmem>>, vector<128x128xf32>
    tpu.vector_store %arg2[%swap3A_855, %swap3A_856], %transpose3A_854 {strides = array<i32>} : memref<16384x128xf32, #tpu.memory_space<vmem>>, vector<128x128xf32>,
    %slice3A_858 = vector.extract_strided_slice %get3A_1 {offsets = [0, 44032], sizes = [32, 512], strides = [1, 1]} : vector<32x65536xf32> to vector<32x512xf32>
    %slice3A_859 = vector.extract_strided_slice %slice3A_858 {offsets = [0, 0], sizes = [32, 128], strides = [1, 1]} : vector<32x512xf32> to vector<32x128xf32>
    %slice3A_860 = vector.extract_strided_slice %slice3A_858 {offsets = [0, 128], sizes = [32, 128], strides = [1, 1]} : vector<32x512xf32> to vector<32x128xf32>
    %slice3A_861 = vector.extract_strided_slice %slice3A_858 {offsets = [0, 256], sizes = [32, 128], strides = [1, 1]} : vector<32x512xf32> to vector<32x128xf32>
    %slice3A_862 = vector.extract_strided_slice %slice3A_858 {offsets = [0, 384], sizes = [32, 128], strides = [1, 1]} : vector<32x512xf32> to vector<32x128xf32>
    %concatenate3A_863 = tpu.concatenate %slice3A_859, %slice3A_860, %slice3A_861, %slice3A_862 in 0 : vector<32x128xf32>, vector<32x128xf32>, vector<32x128xf32>, vector<32x128xf32> -> vector<128x128xf32>
    %transpose3A_864 = tpu.transpose %concatenate3A_863, [1, 0] : vector<128x128xf32> -> vector<128x128xf32>
    %swap3A_865 = arith.constant 11008 : index
    %swap3A_866 = arith.constant 0 : index
    %swap3A_867 = vector.load %arg2[%swap3A_865, %swap3A_866] : memref<16384x128xf32, #tpu.memory_space<vmem>>, vector<128x128xf32>
    tpu.vector_store %arg2[%swap3A_865, %swap3A_866], %transpose3A_864 {strides = array<i32>} : memref<16384x128xf32, #tpu.memory_space<vmem>>, vector<128x128xf32>,
    %slice3A_868 = vector.extract_strided_slice %get3A_1 {offsets = [0, 44544], sizes = [32, 512], strides = [1, 1]} : vector<32x65536xf32> to vector<32x512xf32>
    %slice3A_869 = vector.extract_strided_slice %slice3A_868 {offsets = [0, 0], sizes = [32, 128], strides = [1, 1]} : vector<32x512xf32> to vector<32x128xf32>
    %slice3A_870 = vector.extract_strided_slice %slice3A_868 {offsets = [0, 128], sizes = [32, 128], strides = [1, 1]} : vector<32x512xf32> to vector<32x128xf32>
    %slice3A_871 = vector.extract_strided_slice %slice3A_868 {offsets = [0, 256], sizes = [32, 128], strides = [1, 1]} : vector<32x512xf32> to vector<32x128xf32>
    %slice3A_872 = vector.extract_strided_slice %slice3A_868 {offsets = [0, 384], sizes = [32, 128], strides = [1, 1]} : vector<32x512xf32> to vector<32x128xf32>
    %concatenate3A_873 = tpu.concatenate %slice3A_869, %slice3A_870, %slice3A_871, %slice3A_872 in 0 : vector<32x128xf32>, vector<32x128xf32>, vector<32x128xf32>, vector<32x128xf32> -> vector<128x128xf32>
    %transpose3A_874 = tpu.transpose %concatenate3A_873, [1, 0] : vector<128x128xf32> -> vector<128x128xf32>
    %swap3A_875 = arith.constant 11136 : index
    %swap3A_876 = arith.constant 0 : index
    %swap3A_877 = vector.load %arg2[%swap3A_875, %swap3A_876] : memref<16384x128xf32, #tpu.memory_space<vmem>>, vector<128x128xf32>
    tpu.vector_store %arg2[%swap3A_875, %swap3A_876], %transpose3A_874 {strides = array<i32>} : memref<16384x128xf32, #tpu.memory_space<vmem>>, vector<128x128xf32>,
    %slice3A_878 = vector.extract_strided_slice %get3A_1 {offsets = [0, 45056], sizes = [32, 512], strides = [1, 1]} : vector<32x65536xf32> to vector<32x512xf32>
    %slice3A_879 = vector.extract_strided_slice %slice3A_878 {offsets = [0, 0], sizes = [32, 128], strides = [1, 1]} : vector<32x512xf32> to vector<32x128xf32>
    %slice3A_880 = vector.extract_strided_slice %slice3A_878 {offsets = [0, 128], sizes = [32, 128], strides = [1, 1]} : vector<32x512xf32> to vector<32x128xf32>
    %slice3A_881 = vector.extract_strided_slice %slice3A_878 {offsets = [0, 256], sizes = [32, 128], strides = [1, 1]} : vector<32x512xf32> to vector<32x128xf32>
    %slice3A_882 = vector.extract_strided_slice %slice3A_878 {offsets = [0, 384], sizes = [32, 128], strides = [1, 1]} : vector<32x512xf32> to vector<32x128xf32>
    %concatenate3A_883 = tpu.concatenate %slice3A_879, %slice3A_880, %slice3A_881, %slice3A_882 in 0 : vector<32x128xf32>, vector<32x128xf32>, vector<32x128xf32>, vector<32x128xf32> -> vector<128x128xf32>
    %transpose3A_884 = tpu.transpose %concatenate3A_883, [1, 0] : vector<128x128xf32> -> vector<128x128xf32>
    %swap3A_885 = arith.constant 11264 : index
    %swap3A_886 = arith.constant 0 : index
    %swap3A_887 = vector.load %arg2[%swap3A_885, %swap3A_886] : memref<16384x128xf32, #tpu.memory_space<vmem>>, vector<128x128xf32>
    tpu.vector_store %arg2[%swap3A_885, %swap3A_886], %transpose3A_884 {strides = array<i32>} : memref<16384x128xf32, #tpu.memory_space<vmem>>, vector<128x128xf32>,
    %slice3A_888 = vector.extract_strided_slice %get3A_1 {offsets = [0, 45568], sizes = [32, 512], strides = [1, 1]} : vector<32x65536xf32> to vector<32x512xf32>
    %slice3A_889 = vector.extract_strided_slice %slice3A_888 {offsets = [0, 0], sizes = [32, 128], strides = [1, 1]} : vector<32x512xf32> to vector<32x128xf32>
    %slice3A_890 = vector.extract_strided_slice %slice3A_888 {offsets = [0, 128], sizes = [32, 128], strides = [1, 1]} : vector<32x512xf32> to vector<32x128xf32>
    %slice3A_891 = vector.extract_strided_slice %slice3A_888 {offsets = [0, 256], sizes = [32, 128], strides = [1, 1]} : vector<32x512xf32> to vector<32x128xf32>
    %slice3A_892 = vector.extract_strided_slice %slice3A_888 {offsets = [0, 384], sizes = [32, 128], strides = [1, 1]} : vector<32x512xf32> to vector<32x128xf32>
    %concatenate3A_893 = tpu.concatenate %slice3A_889, %slice3A_890, %slice3A_891, %slice3A_892 in 0 : vector<32x128xf32>, vector<32x128xf32>, vector<32x128xf32>, vector<32x128xf32> -> vector<128x128xf32>
    %transpose3A_894 = tpu.transpose %concatenate3A_893, [1, 0] : vector<128x128xf32> -> vector<128x128xf32>
    %swap3A_895 = arith.constant 11392 : index
    %swap3A_896 = arith.constant 0 : index
    %swap3A_897 = vector.load %arg2[%swap3A_895, %swap3A_896] : memref<16384x128xf32, #tpu.memory_space<vmem>>, vector<128x128xf32>
    tpu.vector_store %arg2[%swap3A_895, %swap3A_896], %transpose3A_894 {strides = array<i32>} : memref<16384x128xf32, #tpu.memory_space<vmem>>, vector<128x128xf32>,
    %slice3A_898 = vector.extract_strided_slice %get3A_1 {offsets = [0, 46080], sizes = [32, 512], strides = [1, 1]} : vector<32x65536xf32> to vector<32x512xf32>
    %slice3A_899 = vector.extract_strided_slice %slice3A_898 {offsets = [0, 0], sizes = [32, 128], strides = [1, 1]} : vector<32x512xf32> to vector<32x128xf32>
    %slice3A_900 = vector.extract_strided_slice %slice3A_898 {offsets = [0, 128], sizes = [32, 128], strides = [1, 1]} : vector<32x512xf32> to vector<32x128xf32>
    %slice3A_901 = vector.extract_strided_slice %slice3A_898 {offsets = [0, 256], sizes = [32, 128], strides = [1, 1]} : vector<32x512xf32> to vector<32x128xf32>
    %slice3A_902 = vector.extract_strided_slice %slice3A_898 {offsets = [0, 384], sizes = [32, 128], strides = [1, 1]} : vector<32x512xf32> to vector<32x128xf32>
    %concatenate3A_903 = tpu.concatenate %slice3A_899, %slice3A_900, %slice3A_901, %slice3A_902 in 0 : vector<32x128xf32>, vector<32x128xf32>, vector<32x128xf32>, vector<32x128xf32> -> vector<128x128xf32>
    %transpose3A_904 = tpu.transpose %concatenate3A_903, [1, 0] : vector<128x128xf32> -> vector<128x128xf32>
    %swap3A_905 = arith.constant 11520 : index
    %swap3A_906 = arith.constant 0 : index
    %swap3A_907 = vector.load %arg2[%swap3A_905, %swap3A_906] : memref<16384x128xf32, #tpu.memory_space<vmem>>, vector<128x128xf32>
    tpu.vector_store %arg2[%swap3A_905, %swap3A_906], %transpose3A_904 {strides = array<i32>} : memref<16384x128xf32, #tpu.memory_space<vmem>>, vector<128x128xf32>,
    %slice3A_908 = vector.extract_strided_slice %get3A_1 {offsets = [0, 46592], sizes = [32, 512], strides = [1, 1]} : vector<32x65536xf32> to vector<32x512xf32>
    %slice3A_909 = vector.extract_strided_slice %slice3A_908 {offsets = [0, 0], sizes = [32, 128], strides = [1, 1]} : vector<32x512xf32> to vector<32x128xf32>
    %slice3A_910 = vector.extract_strided_slice %slice3A_908 {offsets = [0, 128], sizes = [32, 128], strides = [1, 1]} : vector<32x512xf32> to vector<32x128xf32>
    %slice3A_911 = vector.extract_strided_slice %slice3A_908 {offsets = [0, 256], sizes = [32, 128], strides = [1, 1]} : vector<32x512xf32> to vector<32x128xf32>
    %slice3A_912 = vector.extract_strided_slice %slice3A_908 {offsets = [0, 384], sizes = [32, 128], strides = [1, 1]} : vector<32x512xf32> to vector<32x128xf32>
    %concatenate3A_913 = tpu.concatenate %slice3A_909, %slice3A_910, %slice3A_911, %slice3A_912 in 0 : vector<32x128xf32>, vector<32x128xf32>, vector<32x128xf32>, vector<32x128xf32> -> vector<128x128xf32>
    %transpose3A_914 = tpu.transpose %concatenate3A_913, [1, 0] : vector<128x128xf32> -> vector<128x128xf32>
    %swap3A_915 = arith.constant 11648 : index
    %swap3A_916 = arith.constant 0 : index
    %swap3A_917 = vector.load %arg2[%swap3A_915, %swap3A_916] : memref<16384x128xf32, #tpu.memory_space<vmem>>, vector<128x128xf32>
    tpu.vector_store %arg2[%swap3A_915, %swap3A_916], %transpose3A_914 {strides = array<i32>} : memref<16384x128xf32, #tpu.memory_space<vmem>>, vector<128x128xf32>,
    %slice3A_918 = vector.extract_strided_slice %get3A_1 {offsets = [0, 47104], sizes = [32, 512], strides = [1, 1]} : vector<32x65536xf32> to vector<32x512xf32>
    %slice3A_919 = vector.extract_strided_slice %slice3A_918 {offsets = [0, 0], sizes = [32, 128], strides = [1, 1]} : vector<32x512xf32> to vector<32x128xf32>
    %slice3A_920 = vector.extract_strided_slice %slice3A_918 {offsets = [0, 128], sizes = [32, 128], strides = [1, 1]} : vector<32x512xf32> to vector<32x128xf32>
    %slice3A_921 = vector.extract_strided_slice %slice3A_918 {offsets = [0, 256], sizes = [32, 128], strides = [1, 1]} : vector<32x512xf32> to vector<32x128xf32>
    %slice3A_922 = vector.extract_strided_slice %slice3A_918 {offsets = [0, 384], sizes = [32, 128], strides = [1, 1]} : vector<32x512xf32> to vector<32x128xf32>
    %concatenate3A_923 = tpu.concatenate %slice3A_919, %slice3A_920, %slice3A_921, %slice3A_922 in 0 : vector<32x128xf32>, vector<32x128xf32>, vector<32x128xf32>, vector<32x128xf32> -> vector<128x128xf32>
    %transpose3A_924 = tpu.transpose %concatenate3A_923, [1, 0] : vector<128x128xf32> -> vector<128x128xf32>
    %swap3A_925 = arith.constant 11776 : index
    %swap3A_926 = arith.constant 0 : index
    %swap3A_927 = vector.load %arg2[%swap3A_925, %swap3A_926] : memref<16384x128xf32, #tpu.memory_space<vmem>>, vector<128x128xf32>
    tpu.vector_store %arg2[%swap3A_925, %swap3A_926], %transpose3A_924 {strides = array<i32>} : memref<16384x128xf32, #tpu.memory_space<vmem>>, vector<128x128xf32>,
    %slice3A_928 = vector.extract_strided_slice %get3A_1 {offsets = [0, 47616], sizes = [32, 512], strides = [1, 1]} : vector<32x65536xf32> to vector<32x512xf32>
    %slice3A_929 = vector.extract_strided_slice %slice3A_928 {offsets = [0, 0], sizes = [32, 128], strides = [1, 1]} : vector<32x512xf32> to vector<32x128xf32>
    %slice3A_930 = vector.extract_strided_slice %slice3A_928 {offsets = [0, 128], sizes = [32, 128], strides = [1, 1]} : vector<32x512xf32> to vector<32x128xf32>
    %slice3A_931 = vector.extract_strided_slice %slice3A_928 {offsets = [0, 256], sizes = [32, 128], strides = [1, 1]} : vector<32x512xf32> to vector<32x128xf32>
    %slice3A_932 = vector.extract_strided_slice %slice3A_928 {offsets = [0, 384], sizes = [32, 128], strides = [1, 1]} : vector<32x512xf32> to vector<32x128xf32>
    %concatenate3A_933 = tpu.concatenate %slice3A_929, %slice3A_930, %slice3A_931, %slice3A_932 in 0 : vector<32x128xf32>, vector<32x128xf32>, vector<32x128xf32>, vector<32x128xf32> -> vector<128x128xf32>
    %transpose3A_934 = tpu.transpose %concatenate3A_933, [1, 0] : vector<128x128xf32> -> vector<128x128xf32>
    %swap3A_935 = arith.constant 11904 : index
    %swap3A_936 = arith.constant 0 : index
    %swap3A_937 = vector.load %arg2[%swap3A_935, %swap3A_936] : memref<16384x128xf32, #tpu.memory_space<vmem>>, vector<128x128xf32>
    tpu.vector_store %arg2[%swap3A_935, %swap3A_936], %transpose3A_934 {strides = array<i32>} : memref<16384x128xf32, #tpu.memory_space<vmem>>, vector<128x128xf32>,
    %slice3A_938 = vector.extract_strided_slice %get3A_1 {offsets = [0, 48128], sizes = [32, 512], strides = [1, 1]} : vector<32x65536xf32> to vector<32x512xf32>
    %slice3A_939 = vector.extract_strided_slice %slice3A_938 {offsets = [0, 0], sizes = [32, 128], strides = [1, 1]} : vector<32x512xf32> to vector<32x128xf32>
    %slice3A_940 = vector.extract_strided_slice %slice3A_938 {offsets = [0, 128], sizes = [32, 128], strides = [1, 1]} : vector<32x512xf32> to vector<32x128xf32>
    %slice3A_941 = vector.extract_strided_slice %slice3A_938 {offsets = [0, 256], sizes = [32, 128], strides = [1, 1]} : vector<32x512xf32> to vector<32x128xf32>
    %slice3A_942 = vector.extract_strided_slice %slice3A_938 {offsets = [0, 384], sizes = [32, 128], strides = [1, 1]} : vector<32x512xf32> to vector<32x128xf32>
    %concatenate3A_943 = tpu.concatenate %slice3A_939, %slice3A_940, %slice3A_941, %slice3A_942 in 0 : vector<32x128xf32>, vector<32x128xf32>, vector<32x128xf32>, vector<32x128xf32> -> vector<128x128xf32>
    %transpose3A_944 = tpu.transpose %concatenate3A_943, [1, 0] : vector<128x128xf32> -> vector<128x128xf32>
    %swap3A_945 = arith.constant 12032 : index
    %swap3A_946 = arith.constant 0 : index
    %swap3A_947 = vector.load %arg2[%swap3A_945, %swap3A_946] : memref<16384x128xf32, #tpu.memory_space<vmem>>, vector<128x128xf32>
    tpu.vector_store %arg2[%swap3A_945, %swap3A_946], %transpose3A_944 {strides = array<i32>} : memref<16384x128xf32, #tpu.memory_space<vmem>>, vector<128x128xf32>,
    %slice3A_948 = vector.extract_strided_slice %get3A_1 {offsets = [0, 48640], sizes = [32, 512], strides = [1, 1]} : vector<32x65536xf32> to vector<32x512xf32>
    %slice3A_949 = vector.extract_strided_slice %slice3A_948 {offsets = [0, 0], sizes = [32, 128], strides = [1, 1]} : vector<32x512xf32> to vector<32x128xf32>
    %slice3A_950 = vector.extract_strided_slice %slice3A_948 {offsets = [0, 128], sizes = [32, 128], strides = [1, 1]} : vector<32x512xf32> to vector<32x128xf32>
    %slice3A_951 = vector.extract_strided_slice %slice3A_948 {offsets = [0, 256], sizes = [32, 128], strides = [1, 1]} : vector<32x512xf32> to vector<32x128xf32>
    %slice3A_952 = vector.extract_strided_slice %slice3A_948 {offsets = [0, 384], sizes = [32, 128], strides = [1, 1]} : vector<32x512xf32> to vector<32x128xf32>
    %concatenate3A_953 = tpu.concatenate %slice3A_949, %slice3A_950, %slice3A_951, %slice3A_952 in 0 : vector<32x128xf32>, vector<32x128xf32>, vector<32x128xf32>, vector<32x128xf32> -> vector<128x128xf32>
    %transpose3A_954 = tpu.transpose %concatenate3A_953, [1, 0] : vector<128x128xf32> -> vector<128x128xf32>
    %swap3A_955 = arith.constant 12160 : index
    %swap3A_956 = arith.constant 0 : index
    %swap3A_957 = vector.load %arg2[%swap3A_955, %swap3A_956] : memref<16384x128xf32, #tpu.memory_space<vmem>>, vector<128x128xf32>
    tpu.vector_store %arg2[%swap3A_955, %swap3A_956], %transpose3A_954 {strides = array<i32>} : memref<16384x128xf32, #tpu.memory_space<vmem>>, vector<128x128xf32>,
    %slice3A_958 = vector.extract_strided_slice %get3A_1 {offsets = [0, 49152], sizes = [32, 512], strides = [1, 1]} : vector<32x65536xf32> to vector<32x512xf32>
    %slice3A_959 = vector.extract_strided_slice %slice3A_958 {offsets = [0, 0], sizes = [32, 128], strides = [1, 1]} : vector<32x512xf32> to vector<32x128xf32>
    %slice3A_960 = vector.extract_strided_slice %slice3A_958 {offsets = [0, 128], sizes = [32, 128], strides = [1, 1]} : vector<32x512xf32> to vector<32x128xf32>
    %slice3A_961 = vector.extract_strided_slice %slice3A_958 {offsets = [0, 256], sizes = [32, 128], strides = [1, 1]} : vector<32x512xf32> to vector<32x128xf32>
    %slice3A_962 = vector.extract_strided_slice %slice3A_958 {offsets = [0, 384], sizes = [32, 128], strides = [1, 1]} : vector<32x512xf32> to vector<32x128xf32>
    %concatenate3A_963 = tpu.concatenate %slice3A_959, %slice3A_960, %slice3A_961, %slice3A_962 in 0 : vector<32x128xf32>, vector<32x128xf32>, vector<32x128xf32>, vector<32x128xf32> -> vector<128x128xf32>
    %transpose3A_964 = tpu.transpose %concatenate3A_963, [1, 0] : vector<128x128xf32> -> vector<128x128xf32>
    %swap3A_965 = arith.constant 12288 : index
    %swap3A_966 = arith.constant 0 : index
    %swap3A_967 = vector.load %arg2[%swap3A_965, %swap3A_966] : memref<16384x128xf32, #tpu.memory_space<vmem>>, vector<128x128xf32>
    tpu.vector_store %arg2[%swap3A_965, %swap3A_966], %transpose3A_964 {strides = array<i32>} : memref<16384x128xf32, #tpu.memory_space<vmem>>, vector<128x128xf32>,
    %slice3A_968 = vector.extract_strided_slice %get3A_1 {offsets = [0, 49664], sizes = [32, 512], strides = [1, 1]} : vector<32x65536xf32> to vector<32x512xf32>
    %slice3A_969 = vector.extract_strided_slice %slice3A_968 {offsets = [0, 0], sizes = [32, 128], strides = [1, 1]} : vector<32x512xf32> to vector<32x128xf32>
    %slice3A_970 = vector.extract_strided_slice %slice3A_968 {offsets = [0, 128], sizes = [32, 128], strides = [1, 1]} : vector<32x512xf32> to vector<32x128xf32>
    %slice3A_971 = vector.extract_strided_slice %slice3A_968 {offsets = [0, 256], sizes = [32, 128], strides = [1, 1]} : vector<32x512xf32> to vector<32x128xf32>
    %slice3A_972 = vector.extract_strided_slice %slice3A_968 {offsets = [0, 384], sizes = [32, 128], strides = [1, 1]} : vector<32x512xf32> to vector<32x128xf32>
    %concatenate3A_973 = tpu.concatenate %slice3A_969, %slice3A_970, %slice3A_971, %slice3A_972 in 0 : vector<32x128xf32>, vector<32x128xf32>, vector<32x128xf32>, vector<32x128xf32> -> vector<128x128xf32>
    %transpose3A_974 = tpu.transpose %concatenate3A_973, [1, 0] : vector<128x128xf32> -> vector<128x128xf32>
    %swap3A_975 = arith.constant 12416 : index
    %swap3A_976 = arith.constant 0 : index
    %swap3A_977 = vector.load %arg2[%swap3A_975, %swap3A_976] : memref<16384x128xf32, #tpu.memory_space<vmem>>, vector<128x128xf32>
    tpu.vector_store %arg2[%swap3A_975, %swap3A_976], %transpose3A_974 {strides = array<i32>} : memref<16384x128xf32, #tpu.memory_space<vmem>>, vector<128x128xf32>,
    %slice3A_978 = vector.extract_strided_slice %get3A_1 {offsets = [0, 50176], sizes = [32, 512], strides = [1, 1]} : vector<32x65536xf32> to vector<32x512xf32>
    %slice3A_979 = vector.extract_strided_slice %slice3A_978 {offsets = [0, 0], sizes = [32, 128], strides = [1, 1]} : vector<32x512xf32> to vector<32x128xf32>
    %slice3A_980 = vector.extract_strided_slice %slice3A_978 {offsets = [0, 128], sizes = [32, 128], strides = [1, 1]} : vector<32x512xf32> to vector<32x128xf32>
    %slice3A_981 = vector.extract_strided_slice %slice3A_978 {offsets = [0, 256], sizes = [32, 128], strides = [1, 1]} : vector<32x512xf32> to vector<32x128xf32>
    %slice3A_982 = vector.extract_strided_slice %slice3A_978 {offsets = [0, 384], sizes = [32, 128], strides = [1, 1]} : vector<32x512xf32> to vector<32x128xf32>
    %concatenate3A_983 = tpu.concatenate %slice3A_979, %slice3A_980, %slice3A_981, %slice3A_982 in 0 : vector<32x128xf32>, vector<32x128xf32>, vector<32x128xf32>, vector<32x128xf32> -> vector<128x128xf32>
    %transpose3A_984 = tpu.transpose %concatenate3A_983, [1, 0] : vector<128x128xf32> -> vector<128x128xf32>
    %swap3A_985 = arith.constant 12544 : index
    %swap3A_986 = arith.constant 0 : index
    %swap3A_987 = vector.load %arg2[%swap3A_985, %swap3A_986] : memref<16384x128xf32, #tpu.memory_space<vmem>>, vector<128x128xf32>
    tpu.vector_store %arg2[%swap3A_985, %swap3A_986], %transpose3A_984 {strides = array<i32>} : memref<16384x128xf32, #tpu.memory_space<vmem>>, vector<128x128xf32>,
    %slice3A_988 = vector.extract_strided_slice %get3A_1 {offsets = [0, 50688], sizes = [32, 512], strides = [1, 1]} : vector<32x65536xf32> to vector<32x512xf32>
    %slice3A_989 = vector.extract_strided_slice %slice3A_988 {offsets = [0, 0], sizes = [32, 128], strides = [1, 1]} : vector<32x512xf32> to vector<32x128xf32>
    %slice3A_990 = vector.extract_strided_slice %slice3A_988 {offsets = [0, 128], sizes = [32, 128], strides = [1, 1]} : vector<32x512xf32> to vector<32x128xf32>
    %slice3A_991 = vector.extract_strided_slice %slice3A_988 {offsets = [0, 256], sizes = [32, 128], strides = [1, 1]} : vector<32x512xf32> to vector<32x128xf32>
    %slice3A_992 = vector.extract_strided_slice %slice3A_988 {offsets = [0, 384], sizes = [32, 128], strides = [1, 1]} : vector<32x512xf32> to vector<32x128xf32>
    %concatenate3A_993 = tpu.concatenate %slice3A_989, %slice3A_990, %slice3A_991, %slice3A_992 in 0 : vector<32x128xf32>, vector<32x128xf32>, vector<32x128xf32>, vector<32x128xf32> -> vector<128x128xf32>
    %transpose3A_994 = tpu.transpose %concatenate3A_993, [1, 0] : vector<128x128xf32> -> vector<128x128xf32>
    %swap3A_995 = arith.constant 12672 : index
    %swap3A_996 = arith.constant 0 : index
    %swap3A_997 = vector.load %arg2[%swap3A_995, %swap3A_996] : memref<16384x128xf32, #tpu.memory_space<vmem>>, vector<128x128xf32>
    tpu.vector_store %arg2[%swap3A_995, %swap3A_996], %transpose3A_994 {strides = array<i32>} : memref<16384x128xf32, #tpu.memory_space<vmem>>, vector<128x128xf32>,
    %slice3A_998 = vector.extract_strided_slice %get3A_1 {offsets = [0, 51200], sizes = [32, 512], strides = [1, 1]} : vector<32x65536xf32> to vector<32x512xf32>
    %slice3A_999 = vector.extract_strided_slice %slice3A_998 {offsets = [0, 0], sizes = [32, 128], strides = [1, 1]} : vector<32x512xf32> to vector<32x128xf32>
    %slice3A_1000 = vector.extract_strided_slice %slice3A_998 {offsets = [0, 128], sizes = [32, 128], strides = [1, 1]} : vector<32x512xf32> to vector<32x128xf32>
    %slice3A_1001 = vector.extract_strided_slice %slice3A_998 {offsets = [0, 256], sizes = [32, 128], strides = [1, 1]} : vector<32x512xf32> to vector<32x128xf32>
    %slice3A_1002 = vector.extract_strided_slice %slice3A_998 {offsets = [0, 384], sizes = [32, 128], strides = [1, 1]} : vector<32x512xf32> to vector<32x128xf32>
    %concatenate3A_1003 = tpu.concatenate %slice3A_999, %slice3A_1000, %slice3A_1001, %slice3A_1002 in 0 : vector<32x128xf32>, vector<32x128xf32>, vector<32x128xf32>, vector<32x128xf32> -> vector<128x128xf32>
    %transpose3A_1004 = tpu.transpose %concatenate3A_1003, [1, 0] : vector<128x128xf32> -> vector<128x128xf32>
    %swap3A_1005 = arith.constant 12800 : index
    %swap3A_1006 = arith.constant 0 : index
    %swap3A_1007 = vector.load %arg2[%swap3A_1005, %swap3A_1006] : memref<16384x128xf32, #tpu.memory_space<vmem>>, vector<128x128xf32>
    tpu.vector_store %arg2[%swap3A_1005, %swap3A_1006], %transpose3A_1004 {strides = array<i32>} : memref<16384x128xf32, #tpu.memory_space<vmem>>, vector<128x128xf32>,
    %slice3A_1008 = vector.extract_strided_slice %get3A_1 {offsets = [0, 51712], sizes = [32, 512], strides = [1, 1]} : vector<32x65536xf32> to vector<32x512xf32>
    %slice3A_1009 = vector.extract_strided_slice %slice3A_1008 {offsets = [0, 0], sizes = [32, 128], strides = [1, 1]} : vector<32x512xf32> to vector<32x128xf32>
    %slice3A_1010 = vector.extract_strided_slice %slice3A_1008 {offsets = [0, 128], sizes = [32, 128], strides = [1, 1]} : vector<32x512xf32> to vector<32x128xf32>
    %slice3A_1011 = vector.extract_strided_slice %slice3A_1008 {offsets = [0, 256], sizes = [32, 128], strides = [1, 1]} : vector<32x512xf32> to vector<32x128xf32>
    %slice3A_1012 = vector.extract_strided_slice %slice3A_1008 {offsets = [0, 384], sizes = [32, 128], strides = [1, 1]} : vector<32x512xf32> to vector<32x128xf32>
    %concatenate3A_1013 = tpu.concatenate %slice3A_1009, %slice3A_1010, %slice3A_1011, %slice3A_1012 in 0 : vector<32x128xf32>, vector<32x128xf32>, vector<32x128xf32>, vector<32x128xf32> -> vector<128x128xf32>
    %transpose3A_1014 = tpu.transpose %concatenate3A_1013, [1, 0] : vector<128x128xf32> -> vector<128x128xf32>
    %swap3A_1015 = arith.constant 12928 : index
    %swap3A_1016 = arith.constant 0 : index
    %swap3A_1017 = vector.load %arg2[%swap3A_1015, %swap3A_1016] : memref<16384x128xf32, #tpu.memory_space<vmem>>, vector<128x128xf32>
    tpu.vector_store %arg2[%swap3A_1015, %swap3A_1016], %transpose3A_1014 {strides = array<i32>} : memref<16384x128xf32, #tpu.memory_space<vmem>>, vector<128x128xf32>,
    %slice3A_1018 = vector.extract_strided_slice %get3A_1 {offsets = [0, 52224], sizes = [32, 512], strides = [1, 1]} : vector<32x65536xf32> to vector<32x512xf32>
    %slice3A_1019 = vector.extract_strided_slice %slice3A_1018 {offsets = [0, 0], sizes = [32, 128], strides = [1, 1]} : vector<32x512xf32> to vector<32x128xf32>
    %slice3A_1020 = vector.extract_strided_slice %slice3A_1018 {offsets = [0, 128], sizes = [32, 128], strides = [1, 1]} : vector<32x512xf32> to vector<32x128xf32>
    %slice3A_1021 = vector.extract_strided_slice %slice3A_1018 {offsets = [0, 256], sizes = [32, 128], strides = [1, 1]} : vector<32x512xf32> to vector<32x128xf32>
    %slice3A_1022 = vector.extract_strided_slice %slice3A_1018 {offsets = [0, 384], sizes = [32, 128], strides = [1, 1]} : vector<32x512xf32> to vector<32x128xf32>
    %concatenate3A_1023 = tpu.concatenate %slice3A_1019, %slice3A_1020, %slice3A_1021, %slice3A_1022 in 0 : vector<32x128xf32>, vector<32x128xf32>, vector<32x128xf32>, vector<32x128xf32> -> vector<128x128xf32>
    %transpose3A_1024 = tpu.transpose %concatenate3A_1023, [1, 0] : vector<128x128xf32> -> vector<128x128xf32>
    %swap3A_1025 = arith.constant 13056 : index
    %swap3A_1026 = arith.constant 0 : index
    %swap3A_1027 = vector.load %arg2[%swap3A_1025, %swap3A_1026] : memref<16384x128xf32, #tpu.memory_space<vmem>>, vector<128x128xf32>
    tpu.vector_store %arg2[%swap3A_1025, %swap3A_1026], %transpose3A_1024 {strides = array<i32>} : memref<16384x128xf32, #tpu.memory_space<vmem>>, vector<128x128xf32>,
    %slice3A_1028 = vector.extract_strided_slice %get3A_1 {offsets = [0, 52736], sizes = [32, 512], strides = [1, 1]} : vector<32x65536xf32> to vector<32x512xf32>
    %slice3A_1029 = vector.extract_strided_slice %slice3A_1028 {offsets = [0, 0], sizes = [32, 128], strides = [1, 1]} : vector<32x512xf32> to vector<32x128xf32>
    %slice3A_1030 = vector.extract_strided_slice %slice3A_1028 {offsets = [0, 128], sizes = [32, 128], strides = [1, 1]} : vector<32x512xf32> to vector<32x128xf32>
    %slice3A_1031 = vector.extract_strided_slice %slice3A_1028 {offsets = [0, 256], sizes = [32, 128], strides = [1, 1]} : vector<32x512xf32> to vector<32x128xf32>
    %slice3A_1032 = vector.extract_strided_slice %slice3A_1028 {offsets = [0, 384], sizes = [32, 128], strides = [1, 1]} : vector<32x512xf32> to vector<32x128xf32>
    %concatenate3A_1033 = tpu.concatenate %slice3A_1029, %slice3A_1030, %slice3A_1031, %slice3A_1032 in 0 : vector<32x128xf32>, vector<32x128xf32>, vector<32x128xf32>, vector<32x128xf32> -> vector<128x128xf32>
    %transpose3A_1034 = tpu.transpose %concatenate3A_1033, [1, 0] : vector<128x128xf32> -> vector<128x128xf32>
    %swap3A_1035 = arith.constant 13184 : index
    %swap3A_1036 = arith.constant 0 : index
    %swap3A_1037 = vector.load %arg2[%swap3A_1035, %swap3A_1036] : memref<16384x128xf32, #tpu.memory_space<vmem>>, vector<128x128xf32>
    tpu.vector_store %arg2[%swap3A_1035, %swap3A_1036], %transpose3A_1034 {strides = array<i32>} : memref<16384x128xf32, #tpu.memory_space<vmem>>, vector<128x128xf32>,
    %slice3A_1038 = vector.extract_strided_slice %get3A_1 {offsets = [0, 53248], sizes = [32, 512], strides = [1, 1]} : vector<32x65536xf32> to vector<32x512xf32>
    %slice3A_1039 = vector.extract_strided_slice %slice3A_1038 {offsets = [0, 0], sizes = [32, 128], strides = [1, 1]} : vector<32x512xf32> to vector<32x128xf32>
    %slice3A_1040 = vector.extract_strided_slice %slice3A_1038 {offsets = [0, 128], sizes = [32, 128], strides = [1, 1]} : vector<32x512xf32> to vector<32x128xf32>
    %slice3A_1041 = vector.extract_strided_slice %slice3A_1038 {offsets = [0, 256], sizes = [32, 128], strides = [1, 1]} : vector<32x512xf32> to vector<32x128xf32>
    %slice3A_1042 = vector.extract_strided_slice %slice3A_1038 {offsets = [0, 384], sizes = [32, 128], strides = [1, 1]} : vector<32x512xf32> to vector<32x128xf32>
    %concatenate3A_1043 = tpu.concatenate %slice3A_1039, %slice3A_1040, %slice3A_1041, %slice3A_1042 in 0 : vector<32x128xf32>, vector<32x128xf32>, vector<32x128xf32>, vector<32x128xf32> -> vector<128x128xf32>
    %transpose3A_1044 = tpu.transpose %concatenate3A_1043, [1, 0] : vector<128x128xf32> -> vector<128x128xf32>
    %swap3A_1045 = arith.constant 13312 : index
    %swap3A_1046 = arith.constant 0 : index
    %swap3A_1047 = vector.load %arg2[%swap3A_1045, %swap3A_1046] : memref<16384x128xf32, #tpu.memory_space<vmem>>, vector<128x128xf32>
    tpu.vector_store %arg2[%swap3A_1045, %swap3A_1046], %transpose3A_1044 {strides = array<i32>} : memref<16384x128xf32, #tpu.memory_space<vmem>>, vector<128x128xf32>,
    %slice3A_1048 = vector.extract_strided_slice %get3A_1 {offsets = [0, 53760], sizes = [32, 512], strides = [1, 1]} : vector<32x65536xf32> to vector<32x512xf32>
    %slice3A_1049 = vector.extract_strided_slice %slice3A_1048 {offsets = [0, 0], sizes = [32, 128], strides = [1, 1]} : vector<32x512xf32> to vector<32x128xf32>
    %slice3A_1050 = vector.extract_strided_slice %slice3A_1048 {offsets = [0, 128], sizes = [32, 128], strides = [1, 1]} : vector<32x512xf32> to vector<32x128xf32>
    %slice3A_1051 = vector.extract_strided_slice %slice3A_1048 {offsets = [0, 256], sizes = [32, 128], strides = [1, 1]} : vector<32x512xf32> to vector<32x128xf32>
    %slice3A_1052 = vector.extract_strided_slice %slice3A_1048 {offsets = [0, 384], sizes = [32, 128], strides = [1, 1]} : vector<32x512xf32> to vector<32x128xf32>
    %concatenate3A_1053 = tpu.concatenate %slice3A_1049, %slice3A_1050, %slice3A_1051, %slice3A_1052 in 0 : vector<32x128xf32>, vector<32x128xf32>, vector<32x128xf32>, vector<32x128xf32> -> vector<128x128xf32>
    %transpose3A_1054 = tpu.transpose %concatenate3A_1053, [1, 0] : vector<128x128xf32> -> vector<128x128xf32>
    %swap3A_1055 = arith.constant 13440 : index
    %swap3A_1056 = arith.constant 0 : index
    %swap3A_1057 = vector.load %arg2[%swap3A_1055, %swap3A_1056] : memref<16384x128xf32, #tpu.memory_space<vmem>>, vector<128x128xf32>
    tpu.vector_store %arg2[%swap3A_1055, %swap3A_1056], %transpose3A_1054 {strides = array<i32>} : memref<16384x128xf32, #tpu.memory_space<vmem>>, vector<128x128xf32>,
    %slice3A_1058 = vector.extract_strided_slice %get3A_1 {offsets = [0, 54272], sizes = [32, 512], strides = [1, 1]} : vector<32x65536xf32> to vector<32x512xf32>
    %slice3A_1059 = vector.extract_strided_slice %slice3A_1058 {offsets = [0, 0], sizes = [32, 128], strides = [1, 1]} : vector<32x512xf32> to vector<32x128xf32>
    %slice3A_1060 = vector.extract_strided_slice %slice3A_1058 {offsets = [0, 128], sizes = [32, 128], strides = [1, 1]} : vector<32x512xf32> to vector<32x128xf32>
    %slice3A_1061 = vector.extract_strided_slice %slice3A_1058 {offsets = [0, 256], sizes = [32, 128], strides = [1, 1]} : vector<32x512xf32> to vector<32x128xf32>
    %slice3A_1062 = vector.extract_strided_slice %slice3A_1058 {offsets = [0, 384], sizes = [32, 128], strides = [1, 1]} : vector<32x512xf32> to vector<32x128xf32>
    %concatenate3A_1063 = tpu.concatenate %slice3A_1059, %slice3A_1060, %slice3A_1061, %slice3A_1062 in 0 : vector<32x128xf32>, vector<32x128xf32>, vector<32x128xf32>, vector<32x128xf32> -> vector<128x128xf32>
    %transpose3A_1064 = tpu.transpose %concatenate3A_1063, [1, 0] : vector<128x128xf32> -> vector<128x128xf32>
    %swap3A_1065 = arith.constant 13568 : index
    %swap3A_1066 = arith.constant 0 : index
    %swap3A_1067 = vector.load %arg2[%swap3A_1065, %swap3A_1066] : memref<16384x128xf32, #tpu.memory_space<vmem>>, vector<128x128xf32>
    tpu.vector_store %arg2[%swap3A_1065, %swap3A_1066], %transpose3A_1064 {strides = array<i32>} : memref<16384x128xf32, #tpu.memory_space<vmem>>, vector<128x128xf32>,
    %slice3A_1068 = vector.extract_strided_slice %get3A_1 {offsets = [0, 54784], sizes = [32, 512], strides = [1, 1]} : vector<32x65536xf32> to vector<32x512xf32>
    %slice3A_1069 = vector.extract_strided_slice %slice3A_1068 {offsets = [0, 0], sizes = [32, 128], strides = [1, 1]} : vector<32x512xf32> to vector<32x128xf32>
    %slice3A_1070 = vector.extract_strided_slice %slice3A_1068 {offsets = [0, 128], sizes = [32, 128], strides = [1, 1]} : vector<32x512xf32> to vector<32x128xf32>
    %slice3A_1071 = vector.extract_strided_slice %slice3A_1068 {offsets = [0, 256], sizes = [32, 128], strides = [1, 1]} : vector<32x512xf32> to vector<32x128xf32>
    %slice3A_1072 = vector.extract_strided_slice %slice3A_1068 {offsets = [0, 384], sizes = [32, 128], strides = [1, 1]} : vector<32x512xf32> to vector<32x128xf32>
    %concatenate3A_1073 = tpu.concatenate %slice3A_1069, %slice3A_1070, %slice3A_1071, %slice3A_1072 in 0 : vector<32x128xf32>, vector<32x128xf32>, vector<32x128xf32>, vector<32x128xf32> -> vector<128x128xf32>
    %transpose3A_1074 = tpu.transpose %concatenate3A_1073, [1, 0] : vector<128x128xf32> -> vector<128x128xf32>
    %swap3A_1075 = arith.constant 13696 : index
    %swap3A_1076 = arith.constant 0 : index
    %swap3A_1077 = vector.load %arg2[%swap3A_1075, %swap3A_1076] : memref<16384x128xf32, #tpu.memory_space<vmem>>, vector<128x128xf32>
    tpu.vector_store %arg2[%swap3A_1075, %swap3A_1076], %transpose3A_1074 {strides = array<i32>} : memref<16384x128xf32, #tpu.memory_space<vmem>>, vector<128x128xf32>,
    %slice3A_1078 = vector.extract_strided_slice %get3A_1 {offsets = [0, 55296], sizes = [32, 512], strides = [1, 1]} : vector<32x65536xf32> to vector<32x512xf32>
    %slice3A_1079 = vector.extract_strided_slice %slice3A_1078 {offsets = [0, 0], sizes = [32, 128], strides = [1, 1]} : vector<32x512xf32> to vector<32x128xf32>
    %slice3A_1080 = vector.extract_strided_slice %slice3A_1078 {offsets = [0, 128], sizes = [32, 128], strides = [1, 1]} : vector<32x512xf32> to vector<32x128xf32>
    %slice3A_1081 = vector.extract_strided_slice %slice3A_1078 {offsets = [0, 256], sizes = [32, 128], strides = [1, 1]} : vector<32x512xf32> to vector<32x128xf32>
    %slice3A_1082 = vector.extract_strided_slice %slice3A_1078 {offsets = [0, 384], sizes = [32, 128], strides = [1, 1]} : vector<32x512xf32> to vector<32x128xf32>
    %concatenate3A_1083 = tpu.concatenate %slice3A_1079, %slice3A_1080, %slice3A_1081, %slice3A_1082 in 0 : vector<32x128xf32>, vector<32x128xf32>, vector<32x128xf32>, vector<32x128xf32> -> vector<128x128xf32>
    %transpose3A_1084 = tpu.transpose %concatenate3A_1083, [1, 0] : vector<128x128xf32> -> vector<128x128xf32>
    %swap3A_1085 = arith.constant 13824 : index
    %swap3A_1086 = arith.constant 0 : index
    %swap3A_1087 = vector.load %arg2[%swap3A_1085, %swap3A_1086] : memref<16384x128xf32, #tpu.memory_space<vmem>>, vector<128x128xf32>
    tpu.vector_store %arg2[%swap3A_1085, %swap3A_1086], %transpose3A_1084 {strides = array<i32>} : memref<16384x128xf32, #tpu.memory_space<vmem>>, vector<128x128xf32>,
    %slice3A_1088 = vector.extract_strided_slice %get3A_1 {offsets = [0, 55808], sizes = [32, 512], strides = [1, 1]} : vector<32x65536xf32> to vector<32x512xf32>
    %slice3A_1089 = vector.extract_strided_slice %slice3A_1088 {offsets = [0, 0], sizes = [32, 128], strides = [1, 1]} : vector<32x512xf32> to vector<32x128xf32>
    %slice3A_1090 = vector.extract_strided_slice %slice3A_1088 {offsets = [0, 128], sizes = [32, 128], strides = [1, 1]} : vector<32x512xf32> to vector<32x128xf32>
    %slice3A_1091 = vector.extract_strided_slice %slice3A_1088 {offsets = [0, 256], sizes = [32, 128], strides = [1, 1]} : vector<32x512xf32> to vector<32x128xf32>
    %slice3A_1092 = vector.extract_strided_slice %slice3A_1088 {offsets = [0, 384], sizes = [32, 128], strides = [1, 1]} : vector<32x512xf32> to vector<32x128xf32>
    %concatenate3A_1093 = tpu.concatenate %slice3A_1089, %slice3A_1090, %slice3A_1091, %slice3A_1092 in 0 : vector<32x128xf32>, vector<32x128xf32>, vector<32x128xf32>, vector<32x128xf32> -> vector<128x128xf32>
    %transpose3A_1094 = tpu.transpose %concatenate3A_1093, [1, 0] : vector<128x128xf32> -> vector<128x128xf32>
    %swap3A_1095 = arith.constant 13952 : index
    %swap3A_1096 = arith.constant 0 : index
    %swap3A_1097 = vector.load %arg2[%swap3A_1095, %swap3A_1096] : memref<16384x128xf32, #tpu.memory_space<vmem>>, vector<128x128xf32>
    tpu.vector_store %arg2[%swap3A_1095, %swap3A_1096], %transpose3A_1094 {strides = array<i32>} : memref<16384x128xf32, #tpu.memory_space<vmem>>, vector<128x128xf32>,
    %slice3A_1098 = vector.extract_strided_slice %get3A_1 {offsets = [0, 56320], sizes = [32, 512], strides = [1, 1]} : vector<32x65536xf32> to vector<32x512xf32>
    %slice3A_1099 = vector.extract_strided_slice %slice3A_1098 {offsets = [0, 0], sizes = [32, 128], strides = [1, 1]} : vector<32x512xf32> to vector<32x128xf32>
    %slice3A_1100 = vector.extract_strided_slice %slice3A_1098 {offsets = [0, 128], sizes = [32, 128], strides = [1, 1]} : vector<32x512xf32> to vector<32x128xf32>
    %slice3A_1101 = vector.extract_strided_slice %slice3A_1098 {offsets = [0, 256], sizes = [32, 128], strides = [1, 1]} : vector<32x512xf32> to vector<32x128xf32>
    %slice3A_1102 = vector.extract_strided_slice %slice3A_1098 {offsets = [0, 384], sizes = [32, 128], strides = [1, 1]} : vector<32x512xf32> to vector<32x128xf32>
    %concatenate3A_1103 = tpu.concatenate %slice3A_1099, %slice3A_1100, %slice3A_1101, %slice3A_1102 in 0 : vector<32x128xf32>, vector<32x128xf32>, vector<32x128xf32>, vector<32x128xf32> -> vector<128x128xf32>
    %transpose3A_1104 = tpu.transpose %concatenate3A_1103, [1, 0] : vector<128x128xf32> -> vector<128x128xf32>
    %swap3A_1105 = arith.constant 14080 : index
    %swap3A_1106 = arith.constant 0 : index
    %swap3A_1107 = vector.load %arg2[%swap3A_1105, %swap3A_1106] : memref<16384x128xf32, #tpu.memory_space<vmem>>, vector<128x128xf32>
    tpu.vector_store %arg2[%swap3A_1105, %swap3A_1106], %transpose3A_1104 {strides = array<i32>} : memref<16384x128xf32, #tpu.memory_space<vmem>>, vector<128x128xf32>,
    %slice3A_1108 = vector.extract_strided_slice %get3A_1 {offsets = [0, 56832], sizes = [32, 512], strides = [1, 1]} : vector<32x65536xf32> to vector<32x512xf32>
    %slice3A_1109 = vector.extract_strided_slice %slice3A_1108 {offsets = [0, 0], sizes = [32, 128], strides = [1, 1]} : vector<32x512xf32> to vector<32x128xf32>
    %slice3A_1110 = vector.extract_strided_slice %slice3A_1108 {offsets = [0, 128], sizes = [32, 128], strides = [1, 1]} : vector<32x512xf32> to vector<32x128xf32>
    %slice3A_1111 = vector.extract_strided_slice %slice3A_1108 {offsets = [0, 256], sizes = [32, 128], strides = [1, 1]} : vector<32x512xf32> to vector<32x128xf32>
    %slice3A_1112 = vector.extract_strided_slice %slice3A_1108 {offsets = [0, 384], sizes = [32, 128], strides = [1, 1]} : vector<32x512xf32> to vector<32x128xf32>
    %concatenate3A_1113 = tpu.concatenate %slice3A_1109, %slice3A_1110, %slice3A_1111, %slice3A_1112 in 0 : vector<32x128xf32>, vector<32x128xf32>, vector<32x128xf32>, vector<32x128xf32> -> vector<128x128xf32>
    %transpose3A_1114 = tpu.transpose %concatenate3A_1113, [1, 0] : vector<128x128xf32> -> vector<128x128xf32>
    %swap3A_1115 = arith.constant 14208 : index
    %swap3A_1116 = arith.constant 0 : index
    %swap3A_1117 = vector.load %arg2[%swap3A_1115, %swap3A_1116] : memref<16384x128xf32, #tpu.memory_space<vmem>>, vector<128x128xf32>
    tpu.vector_store %arg2[%swap3A_1115, %swap3A_1116], %transpose3A_1114 {strides = array<i32>} : memref<16384x128xf32, #tpu.memory_space<vmem>>, vector<128x128xf32>,
    %slice3A_1118 = vector.extract_strided_slice %get3A_1 {offsets = [0, 57344], sizes = [32, 512], strides = [1, 1]} : vector<32x65536xf32> to vector<32x512xf32>
    %slice3A_1119 = vector.extract_strided_slice %slice3A_1118 {offsets = [0, 0], sizes = [32, 128], strides = [1, 1]} : vector<32x512xf32> to vector<32x128xf32>
    %slice3A_1120 = vector.extract_strided_slice %slice3A_1118 {offsets = [0, 128], sizes = [32, 128], strides = [1, 1]} : vector<32x512xf32> to vector<32x128xf32>
    %slice3A_1121 = vector.extract_strided_slice %slice3A_1118 {offsets = [0, 256], sizes = [32, 128], strides = [1, 1]} : vector<32x512xf32> to vector<32x128xf32>
    %slice3A_1122 = vector.extract_strided_slice %slice3A_1118 {offsets = [0, 384], sizes = [32, 128], strides = [1, 1]} : vector<32x512xf32> to vector<32x128xf32>
    %concatenate3A_1123 = tpu.concatenate %slice3A_1119, %slice3A_1120, %slice3A_1121, %slice3A_1122 in 0 : vector<32x128xf32>, vector<32x128xf32>, vector<32x128xf32>, vector<32x128xf32> -> vector<128x128xf32>
    %transpose3A_1124 = tpu.transpose %concatenate3A_1123, [1, 0] : vector<128x128xf32> -> vector<128x128xf32>
    %swap3A_1125 = arith.constant 14336 : index
    %swap3A_1126 = arith.constant 0 : index
    %swap3A_1127 = vector.load %arg2[%swap3A_1125, %swap3A_1126] : memref<16384x128xf32, #tpu.memory_space<vmem>>, vector<128x128xf32>
    tpu.vector_store %arg2[%swap3A_1125, %swap3A_1126], %transpose3A_1124 {strides = array<i32>} : memref<16384x128xf32, #tpu.memory_space<vmem>>, vector<128x128xf32>,
    %slice3A_1128 = vector.extract_strided_slice %get3A_1 {offsets = [0, 57856], sizes = [32, 512], strides = [1, 1]} : vector<32x65536xf32> to vector<32x512xf32>
    %slice3A_1129 = vector.extract_strided_slice %slice3A_1128 {offsets = [0, 0], sizes = [32, 128], strides = [1, 1]} : vector<32x512xf32> to vector<32x128xf32>
    %slice3A_1130 = vector.extract_strided_slice %slice3A_1128 {offsets = [0, 128], sizes = [32, 128], strides = [1, 1]} : vector<32x512xf32> to vector<32x128xf32>
    %slice3A_1131 = vector.extract_strided_slice %slice3A_1128 {offsets = [0, 256], sizes = [32, 128], strides = [1, 1]} : vector<32x512xf32> to vector<32x128xf32>
    %slice3A_1132 = vector.extract_strided_slice %slice3A_1128 {offsets = [0, 384], sizes = [32, 128], strides = [1, 1]} : vector<32x512xf32> to vector<32x128xf32>
    %concatenate3A_1133 = tpu.concatenate %slice3A_1129, %slice3A_1130, %slice3A_1131, %slice3A_1132 in 0 : vector<32x128xf32>, vector<32x128xf32>, vector<32x128xf32>, vector<32x128xf32> -> vector<128x128xf32>
    %transpose3A_1134 = tpu.transpose %concatenate3A_1133, [1, 0] : vector<128x128xf32> -> vector<128x128xf32>
    %swap3A_1135 = arith.constant 14464 : index
    %swap3A_1136 = arith.constant 0 : index
    %swap3A_1137 = vector.load %arg2[%swap3A_1135, %swap3A_1136] : memref<16384x128xf32, #tpu.memory_space<vmem>>, vector<128x128xf32>
    tpu.vector_store %arg2[%swap3A_1135, %swap3A_1136], %transpose3A_1134 {strides = array<i32>} : memref<16384x128xf32, #tpu.memory_space<vmem>>, vector<128x128xf32>,
    %slice3A_1138 = vector.extract_strided_slice %get3A_1 {offsets = [0, 58368], sizes = [32, 512], strides = [1, 1]} : vector<32x65536xf32> to vector<32x512xf32>
    %slice3A_1139 = vector.extract_strided_slice %slice3A_1138 {offsets = [0, 0], sizes = [32, 128], strides = [1, 1]} : vector<32x512xf32> to vector<32x128xf32>
    %slice3A_1140 = vector.extract_strided_slice %slice3A_1138 {offsets = [0, 128], sizes = [32, 128], strides = [1, 1]} : vector<32x512xf32> to vector<32x128xf32>
    %slice3A_1141 = vector.extract_strided_slice %slice3A_1138 {offsets = [0, 256], sizes = [32, 128], strides = [1, 1]} : vector<32x512xf32> to vector<32x128xf32>
    %slice3A_1142 = vector.extract_strided_slice %slice3A_1138 {offsets = [0, 384], sizes = [32, 128], strides = [1, 1]} : vector<32x512xf32> to vector<32x128xf32>
    %concatenate3A_1143 = tpu.concatenate %slice3A_1139, %slice3A_1140, %slice3A_1141, %slice3A_1142 in 0 : vector<32x128xf32>, vector<32x128xf32>, vector<32x128xf32>, vector<32x128xf32> -> vector<128x128xf32>
    %transpose3A_1144 = tpu.transpose %concatenate3A_1143, [1, 0] : vector<128x128xf32> -> vector<128x128xf32>
    %swap3A_1145 = arith.constant 14592 : index
    %swap3A_1146 = arith.constant 0 : index
    %swap3A_1147 = vector.load %arg2[%swap3A_1145, %swap3A_1146] : memref<16384x128xf32, #tpu.memory_space<vmem>>, vector<128x128xf32>
    tpu.vector_store %arg2[%swap3A_1145, %swap3A_1146], %transpose3A_1144 {strides = array<i32>} : memref<16384x128xf32, #tpu.memory_space<vmem>>, vector<128x128xf32>,
    %slice3A_1148 = vector.extract_strided_slice %get3A_1 {offsets = [0, 58880], sizes = [32, 512], strides = [1, 1]} : vector<32x65536xf32> to vector<32x512xf32>
    %slice3A_1149 = vector.extract_strided_slice %slice3A_1148 {offsets = [0, 0], sizes = [32, 128], strides = [1, 1]} : vector<32x512xf32> to vector<32x128xf32>
    %slice3A_1150 = vector.extract_strided_slice %slice3A_1148 {offsets = [0, 128], sizes = [32, 128], strides = [1, 1]} : vector<32x512xf32> to vector<32x128xf32>
    %slice3A_1151 = vector.extract_strided_slice %slice3A_1148 {offsets = [0, 256], sizes = [32, 128], strides = [1, 1]} : vector<32x512xf32> to vector<32x128xf32>
    %slice3A_1152 = vector.extract_strided_slice %slice3A_1148 {offsets = [0, 384], sizes = [32, 128], strides = [1, 1]} : vector<32x512xf32> to vector<32x128xf32>
    %concatenate3A_1153 = tpu.concatenate %slice3A_1149, %slice3A_1150, %slice3A_1151, %slice3A_1152 in 0 : vector<32x128xf32>, vector<32x128xf32>, vector<32x128xf32>, vector<32x128xf32> -> vector<128x128xf32>
    %transpose3A_1154 = tpu.transpose %concatenate3A_1153, [1, 0] : vector<128x128xf32> -> vector<128x128xf32>
    %swap3A_1155 = arith.constant 14720 : index
    %swap3A_1156 = arith.constant 0 : index
    %swap3A_1157 = vector.load %arg2[%swap3A_1155, %swap3A_1156] : memref<16384x128xf32, #tpu.memory_space<vmem>>, vector<128x128xf32>
    tpu.vector_store %arg2[%swap3A_1155, %swap3A_1156], %transpose3A_1154 {strides = array<i32>} : memref<16384x128xf32, #tpu.memory_space<vmem>>, vector<128x128xf32>,
    %slice3A_1158 = vector.extract_strided_slice %get3A_1 {offsets = [0, 59392], sizes = [32, 512], strides = [1, 1]} : vector<32x65536xf32> to vector<32x512xf32>
    %slice3A_1159 = vector.extract_strided_slice %slice3A_1158 {offsets = [0, 0], sizes = [32, 128], strides = [1, 1]} : vector<32x512xf32> to vector<32x128xf32>
    %slice3A_1160 = vector.extract_strided_slice %slice3A_1158 {offsets = [0, 128], sizes = [32, 128], strides = [1, 1]} : vector<32x512xf32> to vector<32x128xf32>
    %slice3A_1161 = vector.extract_strided_slice %slice3A_1158 {offsets = [0, 256], sizes = [32, 128], strides = [1, 1]} : vector<32x512xf32> to vector<32x128xf32>
    %slice3A_1162 = vector.extract_strided_slice %slice3A_1158 {offsets = [0, 384], sizes = [32, 128], strides = [1, 1]} : vector<32x512xf32> to vector<32x128xf32>
    %concatenate3A_1163 = tpu.concatenate %slice3A_1159, %slice3A_1160, %slice3A_1161, %slice3A_1162 in 0 : vector<32x128xf32>, vector<32x128xf32>, vector<32x128xf32>, vector<32x128xf32> -> vector<128x128xf32>
    %transpose3A_1164 = tpu.transpose %concatenate3A_1163, [1, 0] : vector<128x128xf32> -> vector<128x128xf32>
    %swap3A_1165 = arith.constant 14848 : index
    %swap3A_1166 = arith.constant 0 : index
    %swap3A_1167 = vector.load %arg2[%swap3A_1165, %swap3A_1166] : memref<16384x128xf32, #tpu.memory_space<vmem>>, vector<128x128xf32>
    tpu.vector_store %arg2[%swap3A_1165, %swap3A_1166], %transpose3A_1164 {strides = array<i32>} : memref<16384x128xf32, #tpu.memory_space<vmem>>, vector<128x128xf32>,
    %slice3A_1168 = vector.extract_strided_slice %get3A_1 {offsets = [0, 59904], sizes = [32, 512], strides = [1, 1]} : vector<32x65536xf32> to vector<32x512xf32>
    %slice3A_1169 = vector.extract_strided_slice %slice3A_1168 {offsets = [0, 0], sizes = [32, 128], strides = [1, 1]} : vector<32x512xf32> to vector<32x128xf32>
    %slice3A_1170 = vector.extract_strided_slice %slice3A_1168 {offsets = [0, 128], sizes = [32, 128], strides = [1, 1]} : vector<32x512xf32> to vector<32x128xf32>
    %slice3A_1171 = vector.extract_strided_slice %slice3A_1168 {offsets = [0, 256], sizes = [32, 128], strides = [1, 1]} : vector<32x512xf32> to vector<32x128xf32>
    %slice3A_1172 = vector.extract_strided_slice %slice3A_1168 {offsets = [0, 384], sizes = [32, 128], strides = [1, 1]} : vector<32x512xf32> to vector<32x128xf32>
    %concatenate3A_1173 = tpu.concatenate %slice3A_1169, %slice3A_1170, %slice3A_1171, %slice3A_1172 in 0 : vector<32x128xf32>, vector<32x128xf32>, vector<32x128xf32>, vector<32x128xf32> -> vector<128x128xf32>
    %transpose3A_1174 = tpu.transpose %concatenate3A_1173, [1, 0] : vector<128x128xf32> -> vector<128x128xf32>
    %swap3A_1175 = arith.constant 14976 : index
    %swap3A_1176 = arith.constant 0 : index
    %swap3A_1177 = vector.load %arg2[%swap3A_1175, %swap3A_1176] : memref<16384x128xf32, #tpu.memory_space<vmem>>, vector<128x128xf32>
    tpu.vector_store %arg2[%swap3A_1175, %swap3A_1176], %transpose3A_1174 {strides = array<i32>} : memref<16384x128xf32, #tpu.memory_space<vmem>>, vector<128x128xf32>,
    %slice3A_1178 = vector.extract_strided_slice %get3A_1 {offsets = [0, 60416], sizes = [32, 512], strides = [1, 1]} : vector<32x65536xf32> to vector<32x512xf32>
    %slice3A_1179 = vector.extract_strided_slice %slice3A_1178 {offsets = [0, 0], sizes = [32, 128], strides = [1, 1]} : vector<32x512xf32> to vector<32x128xf32>
    %slice3A_1180 = vector.extract_strided_slice %slice3A_1178 {offsets = [0, 128], sizes = [32, 128], strides = [1, 1]} : vector<32x512xf32> to vector<32x128xf32>
    %slice3A_1181 = vector.extract_strided_slice %slice3A_1178 {offsets = [0, 256], sizes = [32, 128], strides = [1, 1]} : vector<32x512xf32> to vector<32x128xf32>
    %slice3A_1182 = vector.extract_strided_slice %slice3A_1178 {offsets = [0, 384], sizes = [32, 128], strides = [1, 1]} : vector<32x512xf32> to vector<32x128xf32>
    %concatenate3A_1183 = tpu.concatenate %slice3A_1179, %slice3A_1180, %slice3A_1181, %slice3A_1182 in 0 : vector<32x128xf32>, vector<32x128xf32>, vector<32x128xf32>, vector<32x128xf32> -> vector<128x128xf32>
    %transpose3A_1184 = tpu.transpose %concatenate3A_1183, [1, 0] : vector<128x128xf32> -> vector<128x128xf32>
    %swap3A_1185 = arith.constant 15104 : index
    %swap3A_1186 = arith.constant 0 : index
    %swap3A_1187 = vector.load %arg2[%swap3A_1185, %swap3A_1186] : memref<16384x128xf32, #tpu.memory_space<vmem>>, vector<128x128xf32>
    tpu.vector_store %arg2[%swap3A_1185, %swap3A_1186], %transpose3A_1184 {strides = array<i32>} : memref<16384x128xf32, #tpu.memory_space<vmem>>, vector<128x128xf32>,
    %slice3A_1188 = vector.extract_strided_slice %get3A_1 {offsets = [0, 60928], sizes = [32, 512], strides = [1, 1]} : vector<32x65536xf32> to vector<32x512xf32>
    %slice3A_1189 = vector.extract_strided_slice %slice3A_1188 {offsets = [0, 0], sizes = [32, 128], strides = [1, 1]} : vector<32x512xf32> to vector<32x128xf32>
    %slice3A_1190 = vector.extract_strided_slice %slice3A_1188 {offsets = [0, 128], sizes = [32, 128], strides = [1, 1]} : vector<32x512xf32> to vector<32x128xf32>
    %slice3A_1191 = vector.extract_strided_slice %slice3A_1188 {offsets = [0, 256], sizes = [32, 128], strides = [1, 1]} : vector<32x512xf32> to vector<32x128xf32>
    %slice3A_1192 = vector.extract_strided_slice %slice3A_1188 {offsets = [0, 384], sizes = [32, 128], strides = [1, 1]} : vector<32x512xf32> to vector<32x128xf32>
    %concatenate3A_1193 = tpu.concatenate %slice3A_1189, %slice3A_1190, %slice3A_1191, %slice3A_1192 in 0 : vector<32x128xf32>, vector<32x128xf32>, vector<32x128xf32>, vector<32x128xf32> -> vector<128x128xf32>
    %transpose3A_1194 = tpu.transpose %concatenate3A_1193, [1, 0] : vector<128x128xf32> -> vector<128x128xf32>
    %swap3A_1195 = arith.constant 15232 : index
    %swap3A_1196 = arith.constant 0 : index
    %swap3A_1197 = vector.load %arg2[%swap3A_1195, %swap3A_1196] : memref<16384x128xf32, #tpu.memory_space<vmem>>, vector<128x128xf32>
    tpu.vector_store %arg2[%swap3A_1195, %swap3A_1196], %transpose3A_1194 {strides = array<i32>} : memref<16384x128xf32, #tpu.memory_space<vmem>>, vector<128x128xf32>,
    %slice3A_1198 = vector.extract_strided_slice %get3A_1 {offsets = [0, 61440], sizes = [32, 512], strides = [1, 1]} : vector<32x65536xf32> to vector<32x512xf32>
    %slice3A_1199 = vector.extract_strided_slice %slice3A_1198 {offsets = [0, 0], sizes = [32, 128], strides = [1, 1]} : vector<32x512xf32> to vector<32x128xf32>
    %slice3A_1200 = vector.extract_strided_slice %slice3A_1198 {offsets = [0, 128], sizes = [32, 128], strides = [1, 1]} : vector<32x512xf32> to vector<32x128xf32>
    %slice3A_1201 = vector.extract_strided_slice %slice3A_1198 {offsets = [0, 256], sizes = [32, 128], strides = [1, 1]} : vector<32x512xf32> to vector<32x128xf32>
    %slice3A_1202 = vector.extract_strided_slice %slice3A_1198 {offsets = [0, 384], sizes = [32, 128], strides = [1, 1]} : vector<32x512xf32> to vector<32x128xf32>
    %concatenate3A_1203 = tpu.concatenate %slice3A_1199, %slice3A_1200, %slice3A_1201, %slice3A_1202 in 0 : vector<32x128xf32>, vector<32x128xf32>, vector<32x128xf32>, vector<32x128xf32> -> vector<128x128xf32>
    %transpose3A_1204 = tpu.transpose %concatenate3A_1203, [1, 0] : vector<128x128xf32> -> vector<128x128xf32>
    %swap3A_1205 = arith.constant 15360 : index
    %swap3A_1206 = arith.constant 0 : index
    %swap3A_1207 = vector.load %arg2[%swap3A_1205, %swap3A_1206] : memref<16384x128xf32, #tpu.memory_space<vmem>>, vector<128x128xf32>
    tpu.vector_store %arg2[%swap3A_1205, %swap3A_1206], %transpose3A_1204 {strides = array<i32>} : memref<16384x128xf32, #tpu.memory_space<vmem>>, vector<128x128xf32>,
    %slice3A_1208 = vector.extract_strided_slice %get3A_1 {offsets = [0, 61952], sizes = [32, 512], strides = [1, 1]} : vector<32x65536xf32> to vector<32x512xf32>
    %slice3A_1209 = vector.extract_strided_slice %slice3A_1208 {offsets = [0, 0], sizes = [32, 128], strides = [1, 1]} : vector<32x512xf32> to vector<32x128xf32>
    %slice3A_1210 = vector.extract_strided_slice %slice3A_1208 {offsets = [0, 128], sizes = [32, 128], strides = [1, 1]} : vector<32x512xf32> to vector<32x128xf32>
    %slice3A_1211 = vector.extract_strided_slice %slice3A_1208 {offsets = [0, 256], sizes = [32, 128], strides = [1, 1]} : vector<32x512xf32> to vector<32x128xf32>
    %slice3A_1212 = vector.extract_strided_slice %slice3A_1208 {offsets = [0, 384], sizes = [32, 128], strides = [1, 1]} : vector<32x512xf32> to vector<32x128xf32>
    %concatenate3A_1213 = tpu.concatenate %slice3A_1209, %slice3A_1210, %slice3A_1211, %slice3A_1212 in 0 : vector<32x128xf32>, vector<32x128xf32>, vector<32x128xf32>, vector<32x128xf32> -> vector<128x128xf32>
    %transpose3A_1214 = tpu.transpose %concatenate3A_1213, [1, 0] : vector<128x128xf32> -> vector<128x128xf32>
    %swap3A_1215 = arith.constant 15488 : index
    %swap3A_1216 = arith.constant 0 : index
    %swap3A_1217 = vector.load %arg2[%swap3A_1215, %swap3A_1216] : memref<16384x128xf32, #tpu.memory_space<vmem>>, vector<128x128xf32>
    tpu.vector_store %arg2[%swap3A_1215, %swap3A_1216], %transpose3A_1214 {strides = array<i32>} : memref<16384x128xf32, #tpu.memory_space<vmem>>, vector<128x128xf32>,
    %slice3A_1218 = vector.extract_strided_slice %get3A_1 {offsets = [0, 62464], sizes = [32, 512], strides = [1, 1]} : vector<32x65536xf32> to vector<32x512xf32>
    %slice3A_1219 = vector.extract_strided_slice %slice3A_1218 {offsets = [0, 0], sizes = [32, 128], strides = [1, 1]} : vector<32x512xf32> to vector<32x128xf32>
    %slice3A_1220 = vector.extract_strided_slice %slice3A_1218 {offsets = [0, 128], sizes = [32, 128], strides = [1, 1]} : vector<32x512xf32> to vector<32x128xf32>
    %slice3A_1221 = vector.extract_strided_slice %slice3A_1218 {offsets = [0, 256], sizes = [32, 128], strides = [1, 1]} : vector<32x512xf32> to vector<32x128xf32>
    %slice3A_1222 = vector.extract_strided_slice %slice3A_1218 {offsets = [0, 384], sizes = [32, 128], strides = [1, 1]} : vector<32x512xf32> to vector<32x128xf32>
    %concatenate3A_1223 = tpu.concatenate %slice3A_1219, %slice3A_1220, %slice3A_1221, %slice3A_1222 in 0 : vector<32x128xf32>, vector<32x128xf32>, vector<32x128xf32>, vector<32x128xf32> -> vector<128x128xf32>
    %transpose3A_1224 = tpu.transpose %concatenate3A_1223, [1, 0] : vector<128x128xf32> -> vector<128x128xf32>
    %swap3A_1225 = arith.constant 15616 : index
    %swap3A_1226 = arith.constant 0 : index
    %swap3A_1227 = vector.load %arg2[%swap3A_1225, %swap3A_1226] : memref<16384x128xf32, #tpu.memory_space<vmem>>, vector<128x128xf32>
    tpu.vector_store %arg2[%swap3A_1225, %swap3A_1226], %transpose3A_1224 {strides = array<i32>} : memref<16384x128xf32, #tpu.memory_space<vmem>>, vector<128x128xf32>,
    %slice3A_1228 = vector.extract_strided_slice %get3A_1 {offsets = [0, 62976], sizes = [32, 512], strides = [1, 1]} : vector<32x65536xf32> to vector<32x512xf32>
    %slice3A_1229 = vector.extract_strided_slice %slice3A_1228 {offsets = [0, 0], sizes = [32, 128], strides = [1, 1]} : vector<32x512xf32> to vector<32x128xf32>
    %slice3A_1230 = vector.extract_strided_slice %slice3A_1228 {offsets = [0, 128], sizes = [32, 128], strides = [1, 1]} : vector<32x512xf32> to vector<32x128xf32>
    %slice3A_1231 = vector.extract_strided_slice %slice3A_1228 {offsets = [0, 256], sizes = [32, 128], strides = [1, 1]} : vector<32x512xf32> to vector<32x128xf32>
    %slice3A_1232 = vector.extract_strided_slice %slice3A_1228 {offsets = [0, 384], sizes = [32, 128], strides = [1, 1]} : vector<32x512xf32> to vector<32x128xf32>
    %concatenate3A_1233 = tpu.concatenate %slice3A_1229, %slice3A_1230, %slice3A_1231, %slice3A_1232 in 0 : vector<32x128xf32>, vector<32x128xf32>, vector<32x128xf32>, vector<32x128xf32> -> vector<128x128xf32>
    %transpose3A_1234 = tpu.transpose %concatenate3A_1233, [1, 0] : vector<128x128xf32> -> vector<128x128xf32>
    %swap3A_1235 = arith.constant 15744 : index
    %swap3A_1236 = arith.constant 0 : index
    %swap3A_1237 = vector.load %arg2[%swap3A_1235, %swap3A_1236] : memref<16384x128xf32, #tpu.memory_space<vmem>>, vector<128x128xf32>
    tpu.vector_store %arg2[%swap3A_1235, %swap3A_1236], %transpose3A_1234 {strides = array<i32>} : memref<16384x128xf32, #tpu.memory_space<vmem>>, vector<128x128xf32>,
    %slice3A_1238 = vector.extract_strided_slice %get3A_1 {offsets = [0, 63488], sizes = [32, 512], strides = [1, 1]} : vector<32x65536xf32> to vector<32x512xf32>
    %slice3A_1239 = vector.extract_strided_slice %slice3A_1238 {offsets = [0, 0], sizes = [32, 128], strides = [1, 1]} : vector<32x512xf32> to vector<32x128xf32>
    %slice3A_1240 = vector.extract_strided_slice %slice3A_1238 {offsets = [0, 128], sizes = [32, 128], strides = [1, 1]} : vector<32x512xf32> to vector<32x128xf32>
    %slice3A_1241 = vector.extract_strided_slice %slice3A_1238 {offsets = [0, 256], sizes = [32, 128], strides = [1, 1]} : vector<32x512xf32> to vector<32x128xf32>
    %slice3A_1242 = vector.extract_strided_slice %slice3A_1238 {offsets = [0, 384], sizes = [32, 128], strides = [1, 1]} : vector<32x512xf32> to vector<32x128xf32>
    %concatenate3A_1243 = tpu.concatenate %slice3A_1239, %slice3A_1240, %slice3A_1241, %slice3A_1242 in 0 : vector<32x128xf32>, vector<32x128xf32>, vector<32x128xf32>, vector<32x128xf32> -> vector<128x128xf32>
    %transpose3A_1244 = tpu.transpose %concatenate3A_1243, [1, 0] : vector<128x128xf32> -> vector<128x128xf32>
    %swap3A_1245 = arith.constant 15872 : index
    %swap3A_1246 = arith.constant 0 : index
    %swap3A_1247 = vector.load %arg2[%swap3A_1245, %swap3A_1246] : memref<16384x128xf32, #tpu.memory_space<vmem>>, vector<128x128xf32>
    tpu.vector_store %arg2[%swap3A_1245, %swap3A_1246], %transpose3A_1244 {strides = array<i32>} : memref<16384x128xf32, #tpu.memory_space<vmem>>, vector<128x128xf32>,
    %slice3A_1248 = vector.extract_strided_slice %get3A_1 {offsets = [0, 64000], sizes = [32, 512], strides = [1, 1]} : vector<32x65536xf32> to vector<32x512xf32>
    %slice3A_1249 = vector.extract_strided_slice %slice3A_1248 {offsets = [0, 0], sizes = [32, 128], strides = [1, 1]} : vector<32x512xf32> to vector<32x128xf32>
    %slice3A_1250 = vector.extract_strided_slice %slice3A_1248 {offsets = [0, 128], sizes = [32, 128], strides = [1, 1]} : vector<32x512xf32> to vector<32x128xf32>
    %slice3A_1251 = vector.extract_strided_slice %slice3A_1248 {offsets = [0, 256], sizes = [32, 128], strides = [1, 1]} : vector<32x512xf32> to vector<32x128xf32>
    %slice3A_1252 = vector.extract_strided_slice %slice3A_1248 {offsets = [0, 384], sizes = [32, 128], strides = [1, 1]} : vector<32x512xf32> to vector<32x128xf32>
    %concatenate3A_1253 = tpu.concatenate %slice3A_1249, %slice3A_1250, %slice3A_1251, %slice3A_1252 in 0 : vector<32x128xf32>, vector<32x128xf32>, vector<32x128xf32>, vector<32x128xf32> -> vector<128x128xf32>
    %transpose3A_1254 = tpu.transpose %concatenate3A_1253, [1, 0] : vector<128x128xf32> -> vector<128x128xf32>
    %swap3A_1255 = arith.constant 16000 : index
    %swap3A_1256 = arith.constant 0 : index
    %swap3A_1257 = vector.load %arg2[%swap3A_1255, %swap3A_1256] : memref<16384x128xf32, #tpu.memory_space<vmem>>, vector<128x128xf32>
    tpu.vector_store %arg2[%swap3A_1255, %swap3A_1256], %transpose3A_1254 {strides = array<i32>} : memref<16384x128xf32, #tpu.memory_space<vmem>>, vector<128x128xf32>,
    %slice3A_1258 = vector.extract_strided_slice %get3A_1 {offsets = [0, 64512], sizes = [32, 512], strides = [1, 1]} : vector<32x65536xf32> to vector<32x512xf32>
    %slice3A_1259 = vector.extract_strided_slice %slice3A_1258 {offsets = [0, 0], sizes = [32, 128], strides = [1, 1]} : vector<32x512xf32> to vector<32x128xf32>
    %slice3A_1260 = vector.extract_strided_slice %slice3A_1258 {offsets = [0, 128], sizes = [32, 128], strides = [1, 1]} : vector<32x512xf32> to vector<32x128xf32>
    %slice3A_1261 = vector.extract_strided_slice %slice3A_1258 {offsets = [0, 256], sizes = [32, 128], strides = [1, 1]} : vector<32x512xf32> to vector<32x128xf32>
    %slice3A_1262 = vector.extract_strided_slice %slice3A_1258 {offsets = [0, 384], sizes = [32, 128], strides = [1, 1]} : vector<32x512xf32> to vector<32x128xf32>
    %concatenate3A_1263 = tpu.concatenate %slice3A_1259, %slice3A_1260, %slice3A_1261, %slice3A_1262 in 0 : vector<32x128xf32>, vector<32x128xf32>, vector<32x128xf32>, vector<32x128xf32> -> vector<128x128xf32>
    %transpose3A_1264 = tpu.transpose %concatenate3A_1263, [1, 0] : vector<128x128xf32> -> vector<128x128xf32>
    %swap3A_1265 = arith.constant 16128 : index
    %swap3A_1266 = arith.constant 0 : index
    %swap3A_1267 = vector.load %arg2[%swap3A_1265, %swap3A_1266] : memref<16384x128xf32, #tpu.memory_space<vmem>>, vector<128x128xf32>
    tpu.vector_store %arg2[%swap3A_1265, %swap3A_1266], %transpose3A_1264 {strides = array<i32>} : memref<16384x128xf32, #tpu.memory_space<vmem>>, vector<128x128xf32>,
    %slice3A_1268 = vector.extract_strided_slice %get3A_1 {offsets = [0, 65024], sizes = [32, 512], strides = [1, 1]} : vector<32x65536xf32> to vector<32x512xf32>
    %slice3A_1269 = vector.extract_strided_slice %slice3A_1268 {offsets = [0, 0], sizes = [32, 128], strides = [1, 1]} : vector<32x512xf32> to vector<32x128xf32>
    %slice3A_1270 = vector.extract_strided_slice %slice3A_1268 {offsets = [0, 128], sizes = [32, 128], strides = [1, 1]} : vector<32x512xf32> to vector<32x128xf32>
    %slice3A_1271 = vector.extract_strided_slice %slice3A_1268 {offsets = [0, 256], sizes = [32, 128], strides = [1, 1]} : vector<32x512xf32> to vector<32x128xf32>
    %slice3A_1272 = vector.extract_strided_slice %slice3A_1268 {offsets = [0, 384], sizes = [32, 128], strides = [1, 1]} : vector<32x512xf32> to vector<32x128xf32>
    %concatenate3A_1273 = tpu.concatenate %slice3A_1269, %slice3A_1270, %slice3A_1271, %slice3A_1272 in 0 : vector<32x128xf32>, vector<32x128xf32>, vector<32x128xf32>, vector<32x128xf32> -> vector<128x128xf32>
    %transpose3A_1274 = tpu.transpose %concatenate3A_1273, [1, 0] : vector<128x128xf32> -> vector<128x128xf32>
    %swap3A_1275 = arith.constant 16256 : index
    %swap3A_1276 = arith.constant 0 : index
    %swap3A_1277 = vector.load %arg2[%swap3A_1275, %swap3A_1276] : memref<16384x128xf32, #tpu.memory_space<vmem>>, vector<128x128xf32>
    tpu.vector_store %arg2[%swap3A_1275, %swap3A_1276], %transpose3A_1274 {strides = array<i32>} : memref<16384x128xf32, #tpu.memory_space<vmem>>, vector<128x128xf32>,
    return
  }
  func.func @transform_0(%arg0: i32) -> (i32, i32) {
    %c0_i32 = arith.constant 0 : i32
    %c0_i32_0 = arith.constant 0 : i32
    return %c0_i32, %arg0 : i32, i32
  }
  func.func @transform_1(%arg0: i32) -> (i32, i32) {
    %c0_i32 = arith.constant 0 : i32
    %c0_i32_0 = arith.constant 0 : i32
    return %arg0, %c0_i32 : i32, i32
  }
}

</mosaic_0001>

<sc_bundles>
// kernel: kernel.4.cloned.1.call-start
scs
__scs_entry_jumppad:
0x0: {  	(pc) =	sbr.rel $0x88, $3  }
0x1: {  	(tag) =	ssettag $0x0;
	lr =	simm.s32 $0x1  }
0x2: {  	[smem:$0x3F9F] =	sst lr;
	_ =	strace $0xD0000000  }
0x3: {  	_ = 	snop  }
0x4: {  	_ = 	snop  }
0x5: {  	_ = 	snop  }
0x6: {  	_ = 	snop  }
0x7: {  	_ = 	snop  }
__scs_overlays_trampoline_lowered:
0x8: {  	[smem:$0x3FAE] =	sst s0  }
0x9: {  	[smem:$0x3FAF] =	sst s1  }
0xa: {  	[smem:$0x3FB0] =	sst s2  }
0xb: {  	[smem:$0x3FB1] =	sst s3  }
0xc: {  	[smem:$0x3FB2] =	sst s4  }
0xd: {  	[smem:$0x3FB3] =	sst s5  }
0xe: {  	[smem:$0x3FB4] =	sst s6  }
0xf: {  	[smem:$0x3FB5] =	sst s7  }
0x10: {  	[smem:$0x3FB6] =	sst s8  }
0x11: {  	[smem:$0x3FB7] =	sst s9;
	s0 =	simm.s32 @!p0 $0x0  }
0x12: {  	s1 =	sld [smem:$0x3F9D];
	s0 =	simm.s32 @p0 $0x1  }
0x13: {  	[smem:$0x3FB8] =	sst s0;
	s0 =	simm.s32 @!p1 $0x0  }
0x14: {  	s2 =	sld [smem:$0x3F9C];
	s0 =	simm.s32 @p1 $0x1  }
0x15: {  	[smem:$0x3FB9] =	sst s0;
	s0 =	simm.s32 @!p2 $0x0  }
0x16: {  	s3 =	sld [smem:$0x3FDB];
	s0 =	simm.s32 @p2 $0x1  }
0x17: {  	s4 =	simm.s32 $0x1BF5;
	[smem:$0x3FBB] =	sst s0  }
0x18: {  	s0 =	sld [smem:$0x3F9E];
	_ =	swait.ge [sflag:s4], $0x0  }
0x19: {  	s7 =	sld [smem:$0x3F9F]  }
0x1a: {  	s8 =	sadd.s32 $0xFFFFE003, lr  }
0x1b: {  	s9 =	sadd.s32 $0xFFFFFEF7, lr;
	s5 =	simm.s32 $0xFFFFFFFF;
	p2 =	slt.u32 s8, $0xFFFFF086  }
0x1c: {  	p1 =	slt.u32 s9, $0xF7A;
	s5 =	simm.s32 @!p2 $0x0  }
0x1d: {  	s5 =	simm.s32 @p1 $0x1;
	p0 =	seq.s32 s7, s2  }
0x1e: {  	s7 =	smul.u32 @!p0 $0xF7A, s2;
	p2 =	seq.s32 @!p0 s5, $0x0  }
0x1f: {  	s9 =	smul.u32 $0xF7A, s1;
	s8 =	simm.s32 @!p0 $0x1BF5;
	p2 =	por !p2, p0  }
0x20: {  	[sflag:s8] =	ssyncset.s32 @!p0 $0xFFFFF086;
	s6 =	sadd.s32 @!p0 s3, s7;
	s7 =	simm.s32 @!p0 $0x108  }
0x21: {  	s3 =	sadd.s32 s3, s9;
	s6 =	sadd.s32 @!p0 $0x88, s6;
	s7 =	simm.s32 @p2 $0x1082  }
0x22: {  	[simem:s7], [sflag:s8] =	dma.local @!p0 [hbm:s6], $0xF7A  }
0x23: {  	s9 =	sor.u32 $0xD0000000, s2;
	s6 =	simm.s32 $0x108;
	_ =	swait.ge @!p0 [sflag:s8], $0x0  }
0x24: {  	s3 =	sadd.s32 $0x88, s3;
	s6 =	simm.s32 @!p1 $0x1082;
	[sflag:s4] =	ssyncset.s32 $0xFFFFF086  }
0x25: {  	[simem:s6], [sflag:s4] =	dma.local [hbm:s3], $0xF7A  }
0x26: {  	[smem:$0x3F9F] =	sst s1;
	(tag) =	ssettag s2;
	_ =	strace s9  }
0x27: {  	s1 =	sld [smem:$0x3FAF]  }
0x28: {  	s2 =	sld [smem:$0x3FB0]  }
0x29: {  	s4 =	sld [smem:$0x3FB2]  }
0x2a: {  	p0 =	seq.s32 s5, $0x0;
	s5 =	sld [smem:$0x3FB3]  }
0x2b: {  	s6 =	sld [smem:$0x3FB4]  }
0x2c: {  	s7 =	sld [smem:$0x3FB5]  }
0x2d: {  	s3 =	simm.s32 $0x108;
	s8 =	sld [smem:$0x3FB6]  }
0x2e: {  	s3 =	simm.s32 @!p0 $0x1082;
	s9 =	sld [smem:$0x3FB7]  }
0x2f: {  	lr =	sadd.s32 s0, s3;
	s0 =	sld [smem:$0x3FAE]  }
0x30: {  	s3 =	sld [smem:$0x3FB1]  }
0x31: {  	[smem:$0x3FBA] =	sst s10  }
0x32: {  	s10 =	sld [smem:$0x3FB8];
	_ =	sdelay $0x3  }
0x33: {  	p0 =	seq.s32 s10, $0x1;
	s10 =	sld [smem:$0x3FBA];
	_ =	sdelay $0x3  }
0x34: {  	[smem:$0x3FBA] =	sst s10  }
0x35: {  	s10 =	sld [smem:$0x3FB9];
	_ =	sdelay $0x3  }
0x36: {  	p1 =	seq.s32 s10, $0x1;
	s10 =	sld [smem:$0x3FBA];
	_ =	sdelay $0x3  }
0x37: {  	[smem:$0x3FBA] =	sst s10  }
0x38: {  	s10 =	sld [smem:$0x3FBB]  }
0x39: {  	_ = 	snop;
	(pc) =	sbr.ind lr, $3  }
0x3a: {  	_ = 	snop  }
0x3b: {  	_ = 	snop  }
0x3c: {  	p2 =	seq.s32 s10, $0x1;
	s10 =	sld [smem:$0x3FBA]  }
0x3d: {  	_ =	shalt  }
0x3e: {  	_ =	shalt  }
0x3f: {  	_ =	shalt  }
0x40: {  	_ =	shalt  }
0x41: {  	_ =	shalt  }
0x42: {  	_ =	shalt  }
0x43: {  	_ =	shalt  }
0x44: {  	_ =	shalt  }
0x45: {  	_ =	shalt  }
0x46: {  	_ =	shalt  }
0x47: {  	_ =	shalt  }
0x48: {  	_ =	shalt  }
0x49: {  	_ =	shalt  }
0x4a: {  	_ =	shalt  }
0x4b: {  	_ =	shalt  }
0x4c: {  	_ =	shalt  }
0x4d: {  	_ =	shalt  }
0x4e: {  	_ =	shalt  }
0x4f: {  	_ =	shalt  }
0x50: {  	_ =	shalt  }
0x51: {  	_ =	shalt  }
0x52: {  	_ =	shalt  }
0x53: {  	_ =	shalt  }
0x54: {  	_ =	shalt  }
0x55: {  	_ =	shalt  }
0x56: {  	_ =	shalt  }
0x57: {  	_ =	shalt  }
0x58: {  	_ =	shalt  }
0x59: {  	_ =	shalt  }
0x5a: {  	_ =	shalt  }
0x5b: {  	_ =	shalt  }
0x5c: {  	_ =	shalt  }
0x5d: {  	_ =	shalt  }
0x5e: {  	_ =	shalt  }
0x5f: {  	_ =	shalt  }
0x60: {  	_ =	shalt  }
0x61: {  	_ =	shalt  }
0x62: {  	_ =	shalt  }
0x63: {  	_ =	shalt  }
0x64: {  	_ =	shalt  }
0x65: {  	_ =	shalt  }
0x66: {  	_ =	shalt  }
0x67: {  	_ =	shalt  }
0x68: {  	_ =	shalt  }
0x69: {  	_ =	shalt  }
0x6a: {  	_ =	shalt  }
0x6b: {  	_ =	shalt  }
0x6c: {  	_ =	shalt  }
0x6d: {  	_ =	shalt  }
0x6e: {  	_ =	shalt  }
0x6f: {  	_ =	shalt  }
0x70: {  	_ =	shalt  }
0x71: {  	_ =	shalt  }
0x72: {  	_ =	shalt  }
0x73: {  	_ =	shalt  }
0x74: {  	_ =	shalt  }
0x75: {  	_ =	shalt  }
0x76: {  	_ =	shalt  }
0x77: {  	_ =	shalt  }
0x78: {  	_ =	shalt  }
0x79: {  	_ =	shalt  }
0x7a: {  	_ =	shalt  }
0x7b: {  	_ =	shalt  }
0x7c: {  	_ =	shalt  }
0x7d: {  	_ =	shalt  }
0x7e: {  	_ =	shalt  }
0x7f: {  	_ =	shalt  }
0x80: {  	_ =	shalt  }
0x81: {  	_ =	shalt  }
0x82: {  	_ =	shalt  }
0x83: {  	_ =	shalt  }
0x84: {  	_ =	shalt  }
0x85: {  	_ =	shalt  }
0x86: {  	_ =	shalt  }
0x87: {  	_ =	shalt  }
.Lfunc_end0:
.L_simem_size_0:
called_computation.1_lowered:
.L_overlay_start_0:
0x88: {  	s2 =	sld [smem:$0x3FD9]  }
0x89: {  	s3 =	sld [smem:$0x3FFE];
	_ =	sdelay $0x1  }
0x8a: {  	s1 =	srdreg.scid  }
0x8b: {  	s0 =	sand.u32 $0x1, s1  }
0x8c: {  	s17 =	sshll.u32 s0, $0xA;
	s2 =	sadd.s32 s3, s2  }
0x8d: {  	s2 =	sadd.s32 s2, s17  }
0x8e: {  	[smem:$0x3FC6] =	sst s2  }
0x8f: {  	_ = 	snop  }
0x90: {  	s2 =	sld [smem:$0x3FD0];
	(tm) =	ssettm $0x1  }
0x91: {  	s18 =	sld [smem:$0x3FFB];
	_ =	sdelay $0x3  }
0x92: {  	_ =	strace s18  }
0x93: {  	s3 =	sld [smem:$0x3FFC];
	_ =	sdelay $0x3  }
0x94: {  	_ =	strace s3  }
0x95: {  	s3 =	sld [smem:$0x3FFD];
	_ =	sdelay $0x3  }
0x96: {  	_ =	strace s3  }
0x97: {  	_ =	strace $0x8FFFFFFF  }
0x98: {  	s19 =	sld [smem:$0x3FDB];
	_ =	sdelay $0x1  }
0x99: {  	s4 =	simm.s32 $_scs_section_size  }
0x9a: {  	s5 =	simm.s32 $_size__tile_overlayer_lowered;
	s6 =	simm.s32 $_tile_overlayer_lowered  }
0x9b: {  	s22 =	simm.s32 $0x1BFF;
	s21 =	sshll.u32 s6, $0x1;
	s3 =	sadd.s32 s4, s19  }
0x9c: {  	s7 =	simm.s32 $0x0;
	s20 =	sshll.u32 s5, $0x1;
	s5 =	sadd.s32 s21, s3  }
0x9d: {  	[timem:s7], [sflag:s22] =	dma.local [hbm:s5], s20  }
0x9e: {  	_ =	swait.ge [sflag:s22], s20  }
0x9f: {  	s4 =	ssub.s32 $0x0, s20;
	[sflag:s22] =	ssyncset.done $0x0  }
0xa0: {  	[sflag:s22] =	ssyncadd.s32 s4;
	_ =	sdelay $0x1  }
0xa1: {  	s23 =	simm.s32 $0x1B8B  }
0xa2: {  	_ =	swait.ge [sflag:s23], $0x1  }
0xa3: {  	[sflag:s23] =	ssyncset.done $0x0  }
0xa4: {  	s25 =	simm.s32 $0x1B8E;
	s24 =	sld [smem:$0x3FFE];
	[sflag:s23] =	ssyncadd.s32 $0xFFFFFFFF  }
0xa5: {  	s26 =	simm.s32 $execute0_lowered;
	[smem:$0x3FD2] =	sst s25  }
0xa6: {  	s5 =	sshll.u32 s26, $0x1;
	_ =	strace $0x80000046;
	[dreg:$0x1] =	wrdreg $0xFFFFFFFF  }
0xa7: {  	s28 =	simm.s32 $_size_execute0_lowered;
	s3 =	sadd.s32 s3, s5;
	[dreg:$0x0] =	wrdreg $0x0  }
0xa8: {  	s5 =	sshll.u32 s28, $0x1;
	[dreg:$0x2] =	wrdreg s3  }
0xa9: {  	[dreg:$0x3] =	wrdreg s5  }
0xaa: {  	[dreg:$0x4] =	wrdreg $0xC0  }
0xab: {  	_ =	task [dreg:s7], $0x5FFFF  }
0xac: {  	[dreg:$0x1] =	wrdreg $0xFFFFFFFF  }
0xad: {  	[dreg:$0x0] =	wrdreg $0x60  }
0xae: {  	[dreg:$0x2] =	wrdreg s24  }
0xaf: {  	[dreg:$0x3] =	wrdreg s2  }
0xb0: {  	[dreg:$0x4] =	wrdreg $0x9  }
0xb1: {  	_ =	task.clear_ibuf [dreg:s7], $0x5FFFF;
	_ =	strace $0x90000046  }
0xb2: {  	s29 =	simm.s32 $0x9;
	_ =	strace $0x80000048  }
0xb3: {  	_ =	swait.ge [sflag:s29], $0x1  }
0xb4: {  	[sflag:s29] =	ssyncadd.s32 $0xFFFFFFFF  }
0xb5: {  	_ =	strace $0x90000048  }
0xb6: {  	_ =	sfence  }
0xb7: {  	s30 =	sld [smem:$0x0];
	_ =	sdelay $0x2  }
0xb8: {  	s31 =	sshll.u32 s1, $0xD;
	s1 =	sshrl.u32 s1, $0x2  }
0xb9: {  	s3 =	sand.u32 $0x4000, s31;
	s1 =	sadd.s32 s1, s30  }
0xba: {  	s0 =	sor.u32 s3, s0;
	s1 =	sshll.u32 s1, $0x11  }
0xbb: {  	s0 =	sor.u32 s1, s0  }
0xbc: {  	s0 =	sadd.s32 $0x8F2B, s0  }
0xbd: {  	[sflag:s0] =	ssyncadd.remote.s32 $0x1  }
0xbe: {  	_ =	sfence.sel $0xFFFF  }
0xbf: {  	[dreg:$0x0] =	wrdreg $0xFFFFFFFF;
	(pc) =	sbr.abs _section_cstart, $3  }
0xc0: {  	[dreg:$0x1] =	wrdreg $0xFFFFFFFF  }
0xc1: {  	_ =	task.clear_ibuf [dreg:s7], $0x2FFFF;
	_ =	strace $0x9FFFFFFF  }
0xc2: {  	(tm) =	ssettm $0x7FFFFFFF  }
0xc3: {  	_ =	shalt  }
tec
execute0_lowered:
.L_overlay_start_1:
0x0: {  	(tag) =	ssettag $0x1  }
0x1: {  	s0 =	srdreg.scid;
	s3 =	rddreg [dreg:$0x0]  }
0x2: {  	s4 =	stileid.u32;
	s6 =	rddreg [dreg:$0x1];
	s2 =	simm.s32 $0x0  }
0x3: {  	s8 =	simm.s32 $0x80;
	s29 =	simm.s32 $0x19400;
	s30 =	simm.s32 $0xB80  }
0x4: {  	s0 =	sand.u32 $0x1, s0;
	s1 =	sshll.u32 s4, $0x1;
	s4 =	smul.u32 $0xD0000, s4  }
0x5: {  	s31 =	simm.s32 $0x1A400;
	s1 =	sor.u32 s0, s1;
	s5 =	smul.u32 $0x68000, s0  }
0x6: {  	[smem:$0x7FF] =	sst s2;
	s0 =	ssub.s32 $0x2, s0;
	s1 =	smul.u32 $0x680, s1  }
0x7: {  	_ =	strace $0x80000047;
	s7 =	sshrl.u32 s0, $0x1;
	s5 =	sadd.s32 s5, s4  }
0x8: {  	s0 =	ssub.s32 s0, s7;
	s7 =	simm.s32 $0x4;
	s1 =	sadd.s32 s1, s3  }
0x9: {  	s3 =	sadd.s32 $0xD800, s3;
	s28 =	sshrl.u32 s5, $0x3;
	s5 =	smax.u32 s0, $0x1  }
0xa: {  	s4 =	sadd.s32 $0x800, s1;
	s6 =	sadd.s32 s28, s6;
	s1 =	simm.s32 $0x0  }
.LBB2_1:
0xb: {  	[tilespmem:s2], [sflag:$0x4] =	stream.linear.gather [hbm4b:s4+s2], $0x3400, $0x38;
	[tilespmem:$0x1B400] =	vst v63  }
0xc: {  	_ =	swait.ge [sflag:s7], $0x3400  }
0xd: {  	[sflag:s7] =	ssyncset.done $0x0  }
0xe: {  	s0 =	simm.s32 $0x0;
	[sflag:s7] =	ssyncadd.s32 $0xFFFFCC00  }
0xf: {  	v0 =	vld [tilespmem:s0+$0x0]  }
0x10: {  	v1 =	vld [tilespmem:s0+$0x10]  }
0x11: {  	v5 =	vld [tilespmem:s0+$0x30];
	_ =	sdelay $0x2  }
0x12: {  	v2 =	vshll.u32 v0, $0x2  }
0x13: {  	v3 =	vld [tilespmem:s0+$0x20];
	v4 =	vand.u32 $0xFFFFFE00, v0;
	v0 =	vshrl.u32 v0, $0x7;
	v6 =	vand.u32 $0xFFFFFE00, v1  }
0x14: {  	v7 =	vshll.u32 v5, $0x2;
	v9 =	vand.u32 $0xFFFFFE00, v5;
	v5 =	vshrl.u32 v5, $0x7  }
0x15: {  	v2 =	vand.u32 $0x1FC, v2;
	v0 =	vand.u32 $0x3, v0;
	v7 =	vand.u32 $0x1FC, v7  }
0x16: {  	v8 =	vld [tilespmem:s0+$0x40];
	v2 =	vor.u32 v4, v2;
	v4 =	vshll.u32 v1, $0x2;
	v1 =	vshrl.u32 v1, $0x7  }
0x17: {  	v7 =	vor.u32 v9, v7;
	v9 =	vand.u32 $0x3, v5;
	v4 =	vand.u32 $0x1FC, v4  }
0x18: {  	v5 =	vld [tilespmem:s0+$0x50];
	v0 =	vor.u32 v0, v2;
	v2 =	vor.u32 v6, v4;
	v6 =	vshll.u32 v3, $0x2  }
0x19: {  	v4 =	vand.u32 $0xFFFFFE00, v3;
	v3 =	vshrl.u32 v3, $0x7;
	v6 =	vand.u32 $0x1FC, v6  }
0x1a: {  	v1 =	vand.u32 $0x3, v1;
	v3 =	vand.u32 $0x3, v3;
	v6 =	vor.u32 v4, v6  }
0x1b: {  	v4 =	vor.u32 v1, v2;
	v1 =	vor.u32 v9, v7;
	v2 =	vld [tilespmem:s0+$0x60];
	v7 =	vshll.u32 v8, $0x2  }
0x1c: {  	s9 =	simm.s32 $0x200;
	v3 =	vor.u32 v3, v6;
	v6 =	vand.u32 $0xFFFFFE00, v8;
	v8 =	vshrl.u32 v8, $0x7  }
.LBB2_2:
0x1d: {  	p0 =	sne.s32 s9, $0xCE00;
	v7 =	vand.u32 $0x1FC, v7;
	v8 =	vand.u32 $0x3, v8;
	v9 =	vshll.u32 v5, $0x2;
	v10 =	vld [tilespmem:s0+$0x70]  }
0x1e: {  	v11 =	vand.u32 $0xFFFFFE00, v5;
	v5 =	vshrl.u32 v5, $0x7;
	v9 =	vand.u32 $0x1FC, v9  }
0x1f: {  	s10 =	sshra.s32 s9, $0x2;
	v5 =	vand.u32 $0x3, v5;
	[tilespmem:s0+$0x0] =	vst v0;
	v0 =	vor.u32 v6, v7;
	v6 =	vor.u32 v11, v9  }
0x20: {  	v7 =	vld [tilespmem:s10+$0x0];
	[tilespmem:s0+$0x10] =	vst v4;
	v0 =	vor.u32 v8, v0;
	v4 =	vor.u32 v5, v6;
	v5 =	vshll.u32 v2, $0x2  }
0x21: {  	[tilespmem:s0+$0x20] =	vst v3;
	v3 =	vand.u32 $0xFFFFFE00, v2;
	v5 =	vand.u32 $0x1FC, v5;
	v2 =	vshrl.u32 v2, $0x7  }
0x22: {  	v6 =	vld [tilespmem:s10+$0x10];
	[tilespmem:s0+$0x30] =	vst v1;
	v1 =	vor.u32 v3, v5;
	v2 =	vand.u32 $0x3, v2;
	v3 =	vshll.u32 v10, $0x2  }
0x23: {  	v5 =	vshrl.u32 v10, $0x7;
	[tilespmem:s0+$0x40] =	vst v0;
	v0 =	vand.u32 $0xFFFFFE00, v10;
	v3 =	vand.u32 $0x1FC, v3  }
0x24: {  	v1 =	vor.u32 v2, v1;
	v2 =	vand.u32 $0x3, v5;
	[tilespmem:s0+$0x50] =	vst v4;
	v0 =	vor.u32 v0, v3  }
0x25: {  	v3 =	vshll.u32 v7, $0x2;
	v4 =	vld [tilespmem:s10+$0x20];
	[tilespmem:s0+$0x60] =	vst v1;
	v0 =	vor.u32 v2, v0  }
0x26: {  	v1 =	vand.u32 $0xFFFFFE00, v7;
	v2 =	vand.u32 $0x1FC, v3;
	v3 =	vshrl.u32 v7, $0x7;
	v7 =	vld [tilespmem:s10+$0x30];
	[tilespmem:s0+$0x70] =	vst v0;
	s0 =	smov.u32 s10  }
0x27: {  	v0 =	vor.u32 v1, v2;
	v1 =	vand.u32 $0x3, v3;
	v2 =	vshll.u32 v6, $0x2  }
0x28: {  	v3 =	vand.u32 $0xFFFFFE00, v6;
	v5 =	vshrl.u32 v6, $0x7;
	v2 =	vand.u32 $0x1FC, v2  }
0x29: {  	v0 =	vor.u32 v1, v0;
	v1 =	vor.u32 v3, v2;
	v2 =	vand.u32 $0x3, v5  }
0x2a: {  	v3 =	vand.u32 $0xFFFFFE00, v4;
	v5 =	vshll.u32 v4, $0x2;
	v4 =	vshrl.u32 v4, $0x7;
	v8 =	vld [tilespmem:s0+$0x40]  }
.Ltmp0:
0x2b: {  	v6 =	vand.u32 $0x1FC, v5;
	v9 =	vand.u32 $0x3, v4;
	v4 =	vshll.u32 v7, $0x2;
	v5 =	vld [tilespmem:s0+$0x50];
	(pc) =	sbr.rel @p0 .LBB2_2-.Ltmp0, $4  }
0x2c: {  	v10 =	vand.u32 $0xFFFFFE00, v7;
	v7 =	vshrl.u32 v7, $0x7;
	v4 =	vand.u32 $0x1FC, v4  }
0x2d: {  	v3 =	vor.u32 v3, v6;
	v7 =	vand.u32 $0x3, v7;
	v6 =	vor.u32 v10, v4  }
0x2e: {  	v4 =	vor.u32 v2, v1;
	v3 =	vor.u32 v9, v3;
	v1 =	vor.u32 v7, v6;
	v2 =	vld [tilespmem:s0+$0x60]  }
0x2f: {  	s9 =	sadd.s32 $0x200, s9;
	v6 =	vand.u32 $0xFFFFFE00, v8;
	v7 =	vshll.u32 v8, $0x2;
	v8 =	vshrl.u32 v8, $0x7  }
0x30: {  	v7 =	vand.u32 $0x1FC, v7;
	v8 =	vand.u32 $0x3, v8;
	v9 =	vshll.u32 v5, $0x2;
	v10 =	vld [tilespmem:s0+$0x70]  }
0x31: {  	v11 =	vand.u32 $0xFFFFFE00, v5;
	v52 =	vshrl.u32 v5, $0x7;
	v9 =	vand.u32 $0x1FC, v9  }
0x32: {  	[tilespmem:s0+$0x0] =	vst v0;
	v53 =	vor.u32 v6, v7;
	v5 =	vand.u32 $0x3, v52;
	v54 =	vor.u32 v11, v9  }
0x33: {  	[tilespmem:s0+$0x10] =	vst v4;
	v0 =	vor.u32 v8, v53;
	v55 =	vor.u32 v5, v54;
	v56 =	vshll.u32 v2, $0x2  }
0x34: {  	[tilespmem:s0+$0x20] =	vst v3;
	v57 =	vand.u32 $0xFFFFFE00, v2;
	v58 =	vshrl.u32 v2, $0x7;
	v5 =	vand.u32 $0x1FC, v56  }
0x35: {  	[tilespmem:s0+$0x30] =	vst v1;
	v2 =	vand.u32 $0x3, v58;
	v59 =	vor.u32 v57, v5;
	v60 =	vshll.u32 v10, $0x2  }
0x36: {  	[tilespmem:s0+$0x40] =	vst v0;
	v61 =	vand.u32 $0xFFFFFE00, v10;
	v62 =	vshrl.u32 v10, $0x7;
	v3 =	vand.u32 $0x1FC, v60  }
0x37: {  	[tilespmem:s0+$0x50] =	vst v55;
	v1 =	vor.u32 v2, v59;
	v63 =	vand.u32 $0x3, v62;
	v0 =	vor.u32 v61, v3  }
0x38: {  	[tilespmem:s0+$0x60] =	vst v1;
	v0 =	vor.u32 v63, v0  }
0x39: {  	s9 =	simm.s32 $0x3400;
	[tilespmem:s0+$0x70] =	vst v0;
	s0 =	simm.s32 $0x0  }
0x3a: {  	[tilespmem:s9], [sflag:$0x1] =	stream.indirect.gather [hbm4b:s3+s8], $0x20, s0, s8, $0xb8;
	[tilespmem:$0x1B400] =	vst v63  }
0x3b: {  	s20 =	simm.s32 $0x4400  }
0x3c: {  	[tilespmem:s20], [sflag:$0x1] =	stream.indirect.gather [hbm4b:s3+s8], $0x20, s8, s8, $0xb8;
	[tilespmem:$0x1B400] =	vst v63  }
0x3d: {  	s21 =	simm.s32 $0x100;
	s10 =	simm.s32 $0x5400  }
0x3e: {  	[tilespmem:s10], [sflag:$0x1] =	stream.indirect.gather [hbm4b:s3+s8], $0x20, s21, s8, $0xb8;
	[tilespmem:$0x1B400] =	vst v63  }
0x3f: {  	s22 =	simm.s32 $0x180;
	s23 =	simm.s32 $0x6400  }
0x40: {  	[tilespmem:s23], [sflag:$0x1] =	stream.indirect.gather [hbm4b:s3+s8], $0x20, s22, s8, $0xb8;
	[tilespmem:$0x1B400] =	vst v63  }
0x41: {  	s24 =	simm.s32 $0x200;
	s25 =	simm.s32 $0x7400  }
0x42: {  	[tilespmem:s25], [sflag:$0x1] =	stream.indirect.gather [hbm4b:s3+s8], $0x20, s24, s8, $0xb8;
	[tilespmem:$0x1B400] =	vst v63  }
0x43: {  	s26 =	simm.s32 $0x280;
	s28 =	simm.s32 $0x8400  }
0x44: {  	[tilespmem:s28], [sflag:$0x1] =	stream.indirect.gather [hbm4b:s3+s8], $0x20, s26, s8, $0xb8;
	[tilespmem:$0x1B400] =	vst v63  }
0x45: {  	s11 =	simm.s32 $0x9400;
	s10 =	simm.s32 $0x300  }
0x46: {  	[tilespmem:s11], [sflag:$0x1] =	stream.indirect.gather [hbm4b:s3+s8], $0x20, s10, s8, $0xb8;
	[tilespmem:$0x1B400] =	vst v63  }
0x47: {  	s12 =	simm.s32 $0x380;
	s13 =	simm.s32 $0xA400  }
0x48: {  	[tilespmem:s13], [sflag:$0x1] =	stream.indirect.gather [hbm4b:s3+s8], $0x20, s12, s8, $0xb8;
	[tilespmem:$0x1B400] =	vst v63  }
0x49: {  	s14 =	simm.s32 $0x400;
	s15 =	simm.s32 $0xB400  }
0x4a: {  	[tilespmem:s15], [sflag:$0x2] =	stream.indirect.gather [hbm4b:s3+s8], $0x20, s14, s8, $0xb8;
	[tilespmem:$0x1B400] =	vst v63  }
0x4b: {  	s16 =	simm.s32 $0x480;
	s17 =	simm.s32 $0xC400  }
0x4c: {  	[tilespmem:s17], [sflag:$0x2] =	stream.indirect.gather [hbm4b:s3+s8], $0x20, s16, s8, $0xb8;
	[tilespmem:$0x1B400] =	vst v63  }
0x4d: {  	s18 =	simm.s32 $0x500;
	s19 =	simm.s32 $0xD400  }
0x4e: {  	[tilespmem:s19], [sflag:$0x2] =	stream.indirect.gather [hbm4b:s3+s8], $0x20, s18, s8, $0xb8;
	[tilespmem:$0x1B400] =	vst v63  }
0x4f: {  	s20 =	simm.s32 $0x580;
	s21 =	simm.s32 $0xE400  }
0x50: {  	[tilespmem:s21], [sflag:$0x2] =	stream.indirect.gather [hbm4b:s3+s8], $0x20, s20, s8, $0xb8;
	[tilespmem:$0x1B400] =	vst v63  }
0x51: {  	s22 =	simm.s32 $0x600;
	s23 =	simm.s32 $0xF400  }
0x52: {  	[tilespmem:s23], [sflag:$0x2] =	stream.indirect.gather [hbm4b:s3+s8], $0x20, s22, s8, $0xb8;
	[tilespmem:$0x1B400] =	vst v63  }
0x53: {  	s24 =	simm.s32 $0x680;
	s25 =	simm.s32 $0x10400  }
0x54: {  	[tilespmem:s25], [sflag:$0x2] =	stream.indirect.gather [hbm4b:s3+s8], $0x20, s24, s8, $0xb8;
	[tilespmem:$0x1B400] =	vst v63  }
0x55: {  	s26 =	simm.s32 $0x700;
	s28 =	simm.s32 $0x11400  }
0x56: {  	[tilespmem:s28], [sflag:$0x2] =	stream.indirect.gather [hbm4b:s3+s8], $0x20, s26, s8, $0xb8;
	[tilespmem:$0x1B400] =	vst v63  }
0x57: {  	s11 =	simm.s32 $0x780;
	s12 =	simm.s32 $0x12400  }
0x58: {  	[tilespmem:s12], [sflag:$0x2] =	stream.indirect.gather [hbm4b:s3+s8], $0x20, s11, s8, $0xb8;
	[tilespmem:$0x1B400] =	vst v63  }
0x59: {  	s13 =	simm.s32 $0x800;
	s14 =	simm.s32 $0x13400  }
0x5a: {  	[tilespmem:s14], [sflag:$0x3] =	stream.indirect.gather [hbm4b:s3+s8], $0x20, s13, s8, $0xb8;
	[tilespmem:$0x1B400] =	vst v63  }
0x5b: {  	s0 =	smul.u32 $0xAB, s0;
	s15 =	simm.s32 $0x880;
	s16 =	simm.s32 $0x14400  }
0x5c: {  	[tilespmem:s16], [sflag:$0x3] =	stream.indirect.gather [hbm4b:s3+s8], $0x20, s15, s8, $0xb8;
	[tilespmem:$0x1B400] =	vst v63  }
0x5d: {  	s0 =	sshrl.u32 s0, $0x9;
	s17 =	simm.s32 $0x900;
	s18 =	simm.s32 $0x15400  }
0x5e: {  	[tilespmem:s18], [sflag:$0x3] =	stream.indirect.gather [hbm4b:s3+s8], $0x20, s17, s8, $0xb8;
	[tilespmem:$0x1B400] =	vst v63  }
0x5f: {  	s0 =	sand.u32 $0x7F, s0;
	s19 =	simm.s32 $0x980;
	s20 =	simm.s32 $0x16400  }
0x60: {  	[tilespmem:s20], [sflag:$0x3] =	stream.indirect.gather [hbm4b:s3+s8], $0x20, s19, s8, $0xb8;
	[tilespmem:$0x1B400] =	vst v63  }
0x61: {  	s0 =	smul.u32 $0x3, s0;
	s21 =	simm.s32 $0xA00;
	s22 =	simm.s32 $0x17400  }
0x62: {  	[tilespmem:s22], [sflag:$0x3] =	stream.indirect.gather [hbm4b:s3+s8], $0x20, s21, s8, $0xb8;
	[tilespmem:$0x1B400] =	vst v63  }
0x63: {  	s0 =	ssub.s32 $0x0, s0;
	s23 =	simm.s32 $0xA80;
	s24 =	simm.s32 $0x18400  }
0x64: {  	[tilespmem:s24], [sflag:$0x3] =	stream.indirect.gather [hbm4b:s3+s8], $0x20, s23, s8, $0xb8;
	[tilespmem:$0x1B400] =	vst v63  }
0x65: {  	s0 =	sand.u32 $0xFF, s0;
	s25 =	simm.s32 $0xB00  }
0x66: {  	[tilespmem:s29], [sflag:$0x3] =	stream.indirect.gather [hbm4b:s3+s8], $0x20, s25, s8, $0xb8;
	[tilespmem:$0x1B400] =	vst v63  }
0x67: {  	s13 =	sadd.s32 $0x1, s0  }
0x68: {  	[tilespmem:s31], [sflag:$0x3] =	stream.indirect.gather [hbm4b:s3+s8], $0x20, s30, s8, $0xb8;
	[tilespmem:$0x1B400] =	vst v63  }
0x69: {  	p0 =	por $0x0, $0x0;
	s9 =	sshll.u32 s0, $0xF;
	_ =	swait.ge [sflag:s13], $0x8000  }
0x6a: {  	s10 =	simm.s32 $0x1000;
	s26 =	sadd.s32 $0x0, s6;
	[sflag:s13] =	ssyncset.done $0x0  }
0x6b: {  	s11 =	sor.u32 $0x3400, s9;
	s12 =	simm.s32 @!p0 $0xC00;
	[sflag:s13] =	ssyncadd.s32 $0xFFFF8000  }
0x6c: {  	[hbm4b:s26+s2] =	stream.linear.scatter [tilespmem:s11], [sflag:$0x4], $0x8000, $0x38;
	[tilespmem:$0x1B400] =	vst v63  }
0x6d: {  	s0 =	simm.s32 $0x2000;
	s14 =	simm.s32 @!p0 $0x80;
	_ =	swait.ge [sflag:s7], $0x8000  }
0x6e: {  	s15 =	sadd.s32 @!p0 $0x4400, s9;
	s17 =	simm.s32 $0x1;
	[sflag:s7] =	ssyncset.done $0x0  }
0x6f: {  	s16 =	sadd.s32 @!p0 $0x6400, s9;
	s28 =	smul.u32 $0xAB, s17;
	[sflag:s7] =	ssyncadd.s32 $0xFFFF8000  }
0x70: {  	[tilespmem:s11], [sflag:s13] =	stream.indirect.gather @!p0 [hbm4b:s3+s14], $0x20, s12, s14, $0xb8;
	[tilespmem:$0x1B400] =	vst v63  }
0x71: {  	s18 =	sadd.s32 @!p0 $0x7400, s9;
	s12 =	simm.s32 @!p0 $0xC80;
	s11 =	sshrl.u32 s28, $0x9  }
0x72: {  	[tilespmem:s15], [sflag:s13] =	stream.indirect.gather @!p0 [hbm4b:s3+s14], $0x20, s12, s14, $0xb8;
	[tilespmem:$0x1B400] =	vst v63  }
0x73: {  	s11 =	sand.u32 $0x7F, s11;
	s12 =	simm.s32 @!p0 $0xD00;
	s15 =	sadd.s32 @!p0 $0x5400, s9  }
0x74: {  	[tilespmem:s15], [sflag:s13] =	stream.indirect.gather @!p0 [hbm4b:s3+s14], $0x20, s12, s14, $0xb8;
	[tilespmem:$0x1B400] =	vst v63  }
0x75: {  	s20 =	smul.u32 $0x3, s11;
	s11 =	sadd.s32 @!p0 $0x9400, s9;
	s12 =	simm.s32 @!p0 $0xD80  }
0x76: {  	[tilespmem:s16], [sflag:s13] =	stream.indirect.gather @!p0 [hbm4b:s3+s14], $0x20, s12, s14, $0xb8;
	[tilespmem:$0x1B400] =	vst v63  }
0x77: {  	s15 =	simm.s32 @!p0 $0xE00;
	s16 =	simm.s32 @!p0 $0xE80;
	s12 =	simm.s32 $0x2  }
0x78: {  	[tilespmem:s18], [sflag:s13] =	stream.indirect.gather @!p0 [hbm4b:s3+s14], $0x20, s15, s14, $0xb8;
	[tilespmem:$0x1B400] =	vst v63  }
0x79: {  	s19 =	smul.u32 $0xAB, s12;
	s15 =	sadd.s32 @!p0 $0x8400, s9;
	s18 =	simm.s32 @!p0 $0xF80  }
0x7a: {  	[tilespmem:s15], [sflag:s13] =	stream.indirect.gather @!p0 [hbm4b:s3+s14], $0x20, s16, s14, $0xb8;
	[tilespmem:$0x1B400] =	vst v63  }
0x7b: {  	s15 =	simm.s32 @!p0 $0xF00;
	s16 =	sadd.s32 @!p0 $0xA400, s9;
	s9 =	simm.s32 $0x2  }
0x7c: {  	[tilespmem:s11], [sflag:s13] =	stream.indirect.gather @!p0 [hbm4b:s3+s14], $0x20, s15, s14, $0xb8;
	[tilespmem:$0x1B400] =	vst v63  }
0x7d: {  	s15 =	simm.s32 $0x3000;
	s11 =	sshrl.u32 s19, $0x9;
	s19 =	ssub.s32 $0x1, s20  }
.LBB2_4:
0x7e: {  	s19 =	sand.u32 $0xFF, s19;
	s20 =	sadd.s32 s10, s6  }
0x7f: {  	s21 =	smov.u32 s15;
	s15 =	sadd.s32 $0x1000, s15;
	p1 =	por p0, p0  }
0x80: {  	p0 =	sgt.u32 s17, $0x9;
	s22 =	sadd.s32 $0x1, s19;
	s19 =	sshll.u32 s19, $0xF  }
0x81: {  	[tilespmem:s16], [sflag:s13] =	stream.indirect.gather @!p1 [hbm4b:s3+s14], $0x20, s18, s14, $0xb8;
	[tilespmem:$0x1B400] =	vst v63  }
0x82: {  	s10 =	sshra.s32 @!p0 s10, $0x2;
	s16 =	sadd.s32 @!p0 $0xA400, s19;
	_ =	swait.ge [sflag:s22], $0x8000  }
0x83: {  	s13 =	sadd.s32 @!p0 $0xC00, s10;
	s17 =	sadd.s32 @!p0 $0xC80, s10;
	[sflag:s22] =	ssyncset.done $0x0  }
0x84: {  	s23 =	sor.u32 $0x3400, s19;
	s24 =	sadd.s32 @!p0 $0xD00, s10;
	[sflag:s22] =	ssyncadd.s32 $0xFFFF8000  }
0x85: {  	[hbm4b:s20+s2] =	stream.linear.scatter [tilespmem:s23], [sflag:$0x4], $0x8000, $0x38;
	[tilespmem:$0x1B400] =	vst v63  }
0x86: {  	s25 =	sadd.s32 @!p0 $0xE00, s10;
	s20 =	sadd.s32 @!p0 $0xD80, s10;
	_ =	swait.ge [sflag:s7], $0x8000  }
0x87: {  	s26 =	sadd.s32 @!p0 $0xE80, s10;
	s28 =	sadd.s32 @!p0 $0xF00, s10;
	[sflag:s7] =	ssyncset.done $0x0  }
0x88: {  	s14 =	simm.s32 @!p0 $0x80;
	s18 =	sadd.s32 @!p0 $0xF80, s10;
	[sflag:s7] =	ssyncadd.s32 $0xFFFF8000  }
0x89: {  	[tilespmem:s23], [sflag:s22] =	stream.indirect.gather @!p0 [hbm4b:s3+s14], $0x20, s13, s14, $0xb8;
	[tilespmem:$0x1B400] =	vst v63  }
0x8a: {  	p1 =	sne.s32 s15, $0xD000;
	s10 =	smov.u32 s0;
	s13 =	sadd.s32 @!p0 $0x4400, s19  }
0x8b: {  	[tilespmem:s13], [sflag:s22] =	stream.indirect.gather @!p0 [hbm4b:s3+s14], $0x20, s17, s14, $0xb8;
	[tilespmem:$0x1B400] =	vst v63  }
0x8c: {  	s0 =	smov.u32 s21;
	s17 =	sadd.s32 @!p0 $0x5400, s19;
	s13 =	smov.u32 s22  }
0x8d: {  	[tilespmem:s17], [sflag:s13] =	stream.indirect.gather @!p0 [hbm4b:s3+s14], $0x20, s24, s14, $0xb8;
	[tilespmem:$0x1B400] =	vst v63  }
0x8e: {  	s12 =	sadd.s32 $0x1, s12;
	s17 =	sand.u32 $0x7F, s11;
	s11 =	sadd.s32 @!p0 $0x6400, s19  }
0x8f: {  	[tilespmem:s11], [sflag:s13] =	stream.indirect.gather @!p0 [hbm4b:s3+s14], $0x20, s20, s14, $0xb8;
	[tilespmem:$0x1B400] =	vst v63  }
0x90: {  	s21 =	sadd.s32 @!p0 $0x8400, s19;
	s11 =	smul.u32 $0xAB, s12;
	s20 =	sadd.s32 @!p0 $0x7400, s19  }
0x91: {  	[tilespmem:s20], [sflag:s13] =	stream.indirect.gather @!p0 [hbm4b:s3+s14], $0x20, s25, s14, $0xb8;
	[tilespmem:$0x1B400] =	vst v63  }
.Ltmp1:
0x92: {  	_ = 	snop;
	(pc) =	sbr.rel @p1 .LBB2_4-.Ltmp1, $4  }
0x93: {  	s17 =	smul.u32 $0x3, s17;
	s11 =	sshrl.u32 s11, $0x9;
	s20 =	sadd.s32 @!p0 $0x9400, s19  }
0x94: {  	[tilespmem:s21], [sflag:s13] =	stream.indirect.gather @!p0 [hbm4b:s3+s14], $0x20, s26, s14, $0xb8;
	[tilespmem:$0x1B400] =	vst v63  }
0x95: {  	s19 =	ssub.s32 s9, s17;
	s17 =	smov.u32 s9;
	s9 =	smov.u32 s12  }
0x96: {  	[tilespmem:s20], [sflag:s13] =	stream.indirect.gather @!p0 [hbm4b:s3+s14], $0x20, s28, s14, $0xb8;
	[tilespmem:$0x1B400] =	vst v63  }
0x97: {  	s12 =	sand.u32 $0xFF, s19  }
0x98: {  	p0 =	por p0, p0;
	s15 =	sadd.s32 $0x1, s12  }
0x99: {  	[tilespmem:s16], [sflag:s13] =	stream.indirect.gather @!p0 [hbm4b:s3+s14], $0x20, s18, s14, $0xb8;
	[tilespmem:$0x1B400] =	vst v63  }
0x9a: {  	_ =	swait.ge [sflag:s15], $0x8000  }
0x9b: {  	s12 =	sshll.u32 s12, $0xF;
	[sflag:s15] =	ssyncset.done $0x0  }
0x9c: {  	s26 =	sadd.s32 s10, s6;
	s14 =	sor.u32 $0x3400, s12;
	[sflag:s15] =	ssyncadd.s32 $0xFFFF8000  }
0x9d: {  	[hbm4b:s26+s2] =	stream.linear.scatter [tilespmem:s14], [sflag:$0x4], $0x8000, $0x38;
	[tilespmem:$0x1B400] =	vst v63  }
0x9e: {  	p0 =	sgt.u32 s17, $0x9;
	_ =	swait.ge [sflag:s7], $0x8000  }
0x9f: {  	s10 =	sshra.s32 @!p0 s10, $0x2;
	[sflag:s7] =	ssyncset.done $0x0  }
0xa0: {  	s16 =	simm.s32 @!p0 $0x80;
	s13 =	sadd.s32 @!p0 $0xC00, s10;
	[sflag:s7] =	ssyncadd.s32 $0xFFFF8000  }
0xa1: {  	[tilespmem:s14], [sflag:s15] =	stream.indirect.gather @!p0 [hbm4b:s3+s16], $0x20, s13, s16, $0xb8;
	[tilespmem:$0x1B400] =	vst v63  }
0xa2: {  	s13 =	sadd.s32 @!p0 $0xC80, s10;
	s14 =	sadd.s32 @!p0 $0x4400, s12  }
0xa3: {  	[tilespmem:s14], [sflag:s15] =	stream.indirect.gather @!p0 [hbm4b:s3+s16], $0x20, s13, s16, $0xb8;
	[tilespmem:$0x1B400] =	vst v63  }
0xa4: {  	s11 =	sand.u32 $0x7F, s11;
	s13 =	sadd.s32 @!p0 $0xD00, s10;
	s14 =	sadd.s32 @!p0 $0x5400, s12  }
0xa5: {  	[tilespmem:s14], [sflag:s15] =	stream.indirect.gather @!p0 [hbm4b:s3+s16], $0x20, s13, s16, $0xb8;
	[tilespmem:$0x1B400] =	vst v63  }
0xa6: {  	s11 =	smul.u32 $0x3, s11;
	s13 =	sadd.s32 @!p0 $0xD80, s10;
	s14 =	sadd.s32 @!p0 $0x6400, s12  }
0xa7: {  	[tilespmem:s14], [sflag:s15] =	stream.indirect.gather @!p0 [hbm4b:s3+s16], $0x20, s13, s16, $0xb8;
	[tilespmem:$0x1B400] =	vst v63  }
0xa8: {  	s11 =	ssub.s32 s9, s11;
	s13 =	sadd.s32 @!p0 $0xE00, s10;
	s14 =	sadd.s32 @!p0 $0x7400, s12  }
0xa9: {  	[tilespmem:s14], [sflag:s15] =	stream.indirect.gather @!p0 [hbm4b:s3+s16], $0x20, s13, s16, $0xb8;
	[tilespmem:$0x1B400] =	vst v63  }
0xaa: {  	s11 =	sand.u32 $0xFF, s11;
	s13 =	sadd.s32 @!p0 $0xE80, s10;
	s14 =	sadd.s32 @!p0 $0x8400, s12  }
0xab: {  	[tilespmem:s14], [sflag:s15] =	stream.indirect.gather @!p0 [hbm4b:s3+s16], $0x20, s13, s16, $0xb8;
	[tilespmem:$0x1B400] =	vst v63  }
0xac: {  	s13 =	sadd.s32 @!p0 $0xF00, s10;
	s14 =	sadd.s32 @!p0 $0x9400, s12;
	s12 =	sadd.s32 @!p0 $0xA400, s12  }
0xad: {  	[tilespmem:s14], [sflag:s15] =	stream.indirect.gather @!p0 [hbm4b:s3+s16], $0x20, s13, s16, $0xb8;
	[tilespmem:$0x1B400] =	vst v63  }
0xae: {  	s10 =	sadd.s32 @!p0 $0xF80, s10;
	p0 =	por p0, p0;
	s13 =	sadd.s32 $0x1, s11  }
0xaf: {  	[tilespmem:s12], [sflag:s15] =	stream.indirect.gather @!p0 [hbm4b:s3+s16], $0x20, s10, s16, $0xb8;
	[tilespmem:$0x1B400] =	vst v63  }
0xb0: {  	_ =	swait.ge [sflag:s13], $0x8000  }
0xb1: {  	s10 =	sshll.u32 s11, $0xF;
	[sflag:s13] =	ssyncset.done $0x0  }
0xb2: {  	s28 =	sadd.s32 s0, s6;
	s12 =	sor.u32 $0x3400, s10;
	[sflag:s13] =	ssyncadd.s32 $0xFFFF8000  }
0xb3: {  	[hbm4b:s28+s2] =	stream.linear.scatter [tilespmem:s12], [sflag:$0x4], $0x8000, $0x38;
	[tilespmem:$0x1B400] =	vst v63  }
0xb4: {  	p0 =	sgt.u32 s9, $0x9;
	_ =	swait.ge [sflag:s7], $0x8000  }
0xb5: {  	s0 =	sshra.s32 @!p0 s0, $0x2;
	[sflag:s7] =	ssyncset.done $0x0  }
0xb6: {  	s11 =	simm.s32 @!p0 $0x80;
	s9 =	sadd.s32 @!p0 $0xC00, s0;
	[sflag:s7] =	ssyncadd.s32 $0xFFFF8000  }
0xb7: {  	[tilespmem:s12], [sflag:s13] =	stream.indirect.gather @!p0 [hbm4b:s3+s11], $0x20, s9, s11, $0xb8;
	[tilespmem:$0x1B400] =	vst v63  }
0xb8: {  	s9 =	sadd.s32 @!p0 $0xC80, s0;
	s12 =	sadd.s32 @!p0 $0x4400, s10  }
0xb9: {  	[tilespmem:s12], [sflag:s13] =	stream.indirect.gather @!p0 [hbm4b:s3+s11], $0x20, s9, s11, $0xb8;
	[tilespmem:$0x1B400] =	vst v63  }
0xba: {  	s9 =	sadd.s32 @!p0 $0xD00, s0;
	s12 =	sadd.s32 @!p0 $0x5400, s10  }
0xbb: {  	[tilespmem:s12], [sflag:s13] =	stream.indirect.gather @!p0 [hbm4b:s3+s11], $0x20, s9, s11, $0xb8;
	[tilespmem:$0x1B400] =	vst v63  }
0xbc: {  	s9 =	sadd.s32 @!p0 $0xD80, s0;
	s12 =	sadd.s32 @!p0 $0x6400, s10  }
0xbd: {  	[tilespmem:s12], [sflag:s13] =	stream.indirect.gather @!p0 [hbm4b:s3+s11], $0x20, s9, s11, $0xb8;
	[tilespmem:$0x1B400] =	vst v63  }
0xbe: {  	s9 =	sadd.s32 @!p0 $0xE00, s0;
	s12 =	sadd.s32 @!p0 $0x7400, s10  }
0xbf: {  	[tilespmem:s12], [sflag:s13] =	stream.indirect.gather @!p0 [hbm4b:s3+s11], $0x20, s9, s11, $0xb8;
	[tilespmem:$0x1B400] =	vst v63  }
0xc0: {  	s9 =	sadd.s32 @!p0 $0xE80, s0;
	s12 =	sadd.s32 @!p0 $0x8400, s10  }
0xc1: {  	[tilespmem:s12], [sflag:s13] =	stream.indirect.gather @!p0 [hbm4b:s3+s11], $0x20, s9, s11, $0xb8;
	[tilespmem:$0x1B400] =	vst v63  }
0xc2: {  	s1 =	sadd.s32 $0x1, s1;
	s9 =	sadd.s32 @!p0 $0xF00, s0;
	s12 =	sadd.s32 @!p0 $0x9400, s10  }
0xc3: {  	[tilespmem:s12], [sflag:s13] =	stream.indirect.gather @!p0 [hbm4b:s3+s11], $0x20, s9, s11, $0xb8;
	[tilespmem:$0x1B400] =	vst v63  }
0xc4: {  	s0 =	sadd.s32 @!p0 $0xF80, s0;
	s9 =	sadd.s32 @!p0 $0xA400, s10;
	p0 =	por p0, p0  }
0xc5: {  	[tilespmem:s9], [sflag:s13] =	stream.indirect.gather @!p0 [hbm4b:s3+s11], $0x20, s0, s11, $0xb8;
	[tilespmem:$0x1B400] =	vst v63  }
0xc6: {  	p0 =	sne.s32 s1, s5  }
.Ltmp2:
0xc7: {  	_ = 	snop;
	(pc) =	sbr.rel @p0 .LBB2_1-.Ltmp2, $1  }
0xc8: {  	_ =	sdelay $0x3  }
0xc9: {  	_ =	sfence.sel $0x180000  }
0xca: {  	[bflag:$0x0] =	sbarrier.arrive $0xFFFF  }
0xcb: {  	_ =	strace $0x90000047  }
0xcc: {  	s0 =	stileid.u32;
	[bflag:$0x2] =	sbarrier.arrive $0xFFFF  }
0xcd: {  	p0 =	sne.s32 s0, $0x0;
	s0 =	rddreg [dreg:$0x2]  }
0xce: {  	s0 =	sadd.s32 @!p0 $0x100000, s0  }
0xcf: {  	[sflag:s0] =	ssyncadd.tile.s32 @!p0 $0x1;
	_ =	shalt  }
.Lfunc_end2:
_tile_overlayer_lowered:
.L_overlay_start_2:
0xd0: {  	(tag) =	ssettag $0x2  }
0xd1: {  	s0 =	rddreg [dreg:$0x0];
	s2 =	stileid.u32  }
0xd2: {  	s1 =	rddreg [dreg:$0x1];
	p0 =	sne.s32 s2, $0x0  }
0xd3: {  	s3 =	rddreg [dreg:$0x2];
	[bflag:$0x3] =	sbarrier.arrive $0xFFFF;
	s2 =	simm.s32 @!p0 $0x1C04  }
0xd4: {  	[timem:s3], [sflag:s2] =	dma.local @!p0 [hbm:s0], s1  }
0xd5: {  	s0 =	simm.s32 @!p0 $0x4  }
0xd6: {  	_ =	swait.ge @!p0 [sflag:s0], s1  }
0xd7: {  	s1 =	ssub.s32 @!p0 $0x0, s1;
	[sflag:s0] =	ssyncset.done @!p0 $0x0  }
0xd8: {  	[sflag:s0] =	ssyncadd.s32 @!p0 s1  }
0xd9: {  	[bflag:$0x3] =	sbarrier.arrive $0xFFFF  }
0xda: {  	_ =	shalt  }

// kernel: sparse-core-data-format-call.cloned.1.call-start
scs
called_computation_lowered:
.L_overlay_start_0:
0x0: {  	s2 =	sld [smem:$0x3FD9]  }
0x1: {  	s3 =	sld [smem:$0x3FFE];
	_ =	sdelay $0x1  }
0x2: {  	s1 =	srdreg.scid  }
0x3: {  	s0 =	sand.u32 $0x1, s1  }
0x4: {  	s18 =	sshll.u32 s0, $0xA;
	s2 =	sadd.s32 s3, s2  }
0x5: {  	s2 =	sadd.s32 s2, s18  }
0x6: {  	[smem:$0x3FC6] =	sst s2  }
0x7: {  	_ = 	snop  }
0x8: {  	s2 =	sld [smem:$0x3FD0];
	(tm) =	ssettm $0x1  }
0x9: {  	s19 =	sld [smem:$0x3FFB];
	_ =	sdelay $0x3  }
0xa: {  	_ =	strace s19  }
0xb: {  	s3 =	sld [smem:$0x3FFC];
	_ =	sdelay $0x3  }
0xc: {  	_ =	strace s3  }
0xd: {  	s3 =	sld [smem:$0x3FFD];
	_ =	sdelay $0x3  }
0xe: {  	_ =	strace s3  }
0xf: {  	_ =	strace $0x8FFFFFFF  }
0x10: {  	s20 =	sld [smem:$0x3FDB];
	_ =	sdelay $0x1  }
0x11: {  	s4 =	simm.s32 $_scs_section_size  }
0x12: {  	s5 =	simm.s32 $_size__tile_overlayer_lowered;
	s6 =	simm.s32 $_tile_overlayer_lowered  }
0x13: {  	s23 =	simm.s32 $0x1BFF;
	s22 =	sshll.u32 s6, $0x1;
	s3 =	sadd.s32 s4, s20  }
0x14: {  	s7 =	simm.s32 $0x0;
	s21 =	sshll.u32 s5, $0x1;
	s5 =	sadd.s32 s22, s3  }
0x15: {  	[timem:s7], [sflag:s23] =	dma.local [hbm:s5], s21  }
0x16: {  	_ =	swait.ge [sflag:s23], s21  }
0x17: {  	s4 =	ssub.s32 $0x0, s21;
	[sflag:s23] =	ssyncset.done $0x0  }
0x18: {  	[sflag:s23] =	ssyncadd.s32 s4;
	_ =	sdelay $0x1  }
0x19: {  	s24 =	simm.s32 $0x1B8B  }
0x1a: {  	_ =	swait.ge [sflag:s24], $0x1  }
0x1b: {  	[sflag:s24] =	ssyncset.done $0x0  }
0x1c: {  	s26 =	simm.s32 $0x1B8E;
	s25 =	sld [smem:$0x3FFE];
	[sflag:s24] =	ssyncadd.s32 $0xFFFFFFFF  }
0x1d: {  	s27 =	simm.s32 $execute0_lowered;
	[smem:$0x3FD2] =	sst s26  }
0x1e: {  	s5 =	sshll.u32 s27, $0x1;
	_ =	strace $0x80000049;
	[dreg:$0x1] =	wrdreg $0xFFFFFFFF  }
0x1f: {  	s28 =	simm.s32 $_size_execute0_lowered;
	s3 =	sadd.s32 s3, s5;
	[dreg:$0x0] =	wrdreg $0x0  }
0x20: {  	s5 =	sshll.u32 s28, $0x1;
	[dreg:$0x2] =	wrdreg s3  }
0x21: {  	[dreg:$0x3] =	wrdreg s5  }
0x22: {  	[dreg:$0x4] =	wrdreg $0xC0  }
0x23: {  	_ =	task [dreg:s7], $0x5FFFF  }
0x24: {  	[dreg:$0x1] =	wrdreg $0xFFFFFFFF  }
0x25: {  	[dreg:$0x0] =	wrdreg $0x60  }
0x26: {  	[dreg:$0x2] =	wrdreg s25  }
0x27: {  	[dreg:$0x3] =	wrdreg s2  }
0x28: {  	[dreg:$0x4] =	wrdreg $0x9  }
0x29: {  	_ =	task.clear_ibuf [dreg:s7], $0x5FFFF;
	_ =	strace $0x90000049  }
0x2a: {  	s29 =	simm.s32 $0x9;
	_ =	strace $0x8000004B  }
0x2b: {  	_ =	swait.ge [sflag:s29], $0x1  }
0x2c: {  	[sflag:s29] =	ssyncadd.s32 $0xFFFFFFFF  }
0x2d: {  	_ =	strace $0x9000004B  }
0x2e: {  	_ =	sfence  }
0x2f: {  	s30 =	sld [smem:$0x0];
	_ =	sdelay $0x2  }
0x30: {  	s31 =	sshll.u32 s1, $0xD;
	s1 =	sshrl.u32 s1, $0x2  }
0x31: {  	s3 =	sand.u32 $0x4000, s31;
	s1 =	sadd.s32 s1, s30  }
0x32: {  	s0 =	sor.u32 s3, s0;
	s1 =	sshll.u32 s1, $0x11  }
0x33: {  	s0 =	sor.u32 s1, s0  }
0x34: {  	s0 =	sadd.s32 $0x8F2B, s0  }
0x35: {  	[sflag:s0] =	ssyncadd.remote.s32 $0x1  }
0x36: {  	_ =	sfence.sel $0xFFFF  }
0x37: {  	[dreg:$0x0] =	wrdreg $0xFFFFFFFF;
	(pc) =	sbr.abs _section_cstart, $3  }
0x38: {  	[dreg:$0x1] =	wrdreg $0xFFFFFFFF  }
0x39: {  	_ =	task.clear_ibuf [dreg:s7], $0x2FFFF;
	_ =	strace $0x9FFFFFFF  }
0x3a: {  	(tm) =	ssettm $0x7FFFFFFF  }
0x3b: {  	_ =	shalt  }
tec
execute0_lowered:
.L_overlay_start_1:
0x0: {  	(tag) =	ssettag $0x1  }
0x1: {  	s0 =	srdreg.scid  }
0x2: {  	s1 =	sshll.u32 s0, $0x4  }
0x3: {  	s0 =	stileid.u32;
	s1 =	sand.u32 $0x10, s1  }
0x4: {  	s1 =	sor.u32 s0, s1  }
0x5: {  	s6 =	rddreg [dreg:$0x0];
	s4 =	simm.s32 $0x1;
	s2 =	sshll.u32 s1, $0x7  }
0x6: {  	s7 =	simm.s32 $0x2;
	s12 =	simm.s32 $0x0;
	s1 =	ssub.s32 $0x4000, s2  }
0x7: {  	s8 =	simm.s32 $0x20000;
	s13 =	simm.s32 $0x0;
	s3 =	sand.u32 $0xF80, s1  }
0x8: {  	s9 =	simm.s32 $0x0;
	s5 =	sshrl.u32 s1, $0xC;
	p0 =	sne.s32 s3, $0x0  }
.Ltmp0:
0x9: {  	s1 =	rddreg [dreg:$0x2];
	s4 =	simm.s32 @!p0 $0x0;
	(pc) =	sbr.rel .LBB1_1-.Ltmp0, $4  }
0xa: {  	s11 =	simm.s32 $0x0;
	s3 =	rddreg [dreg:$0x1];
	s5 =	sadd.s32 s4, s5  }
0xb: {  	_ =	strace $0x8000004A;
	s4 =	simm.s32 $0x1;
	s5 =	smul.u32 $0x1A, s5  }
0xc: {  	s6 =	sadd.s32 $0x800, s6;
	s10 =	smov.u32 s2;
	[sflag:s4] =	ssyncpa.u1 $0x0  }
0xd: {  	p0 =	por $0x0, $0x0;
	[sflag:s7] =	ssyncpa.u1 $0x0;
	s7 =	sor.u32 $0x1, s5  }
.LBB1_4:
0xe: {  	s16 =	sshll.u32 s13, $0x3;
	s17 =	sand.u32 $0x78, s13  }
0xf: {  	s30 =	sand.u32 $0xF800, s13;
	s12 =	sshll.u32 s12, $0x10;
	s16 =	sand.u32 $0x3C00, s16  }
0x10: {  	s31 =	sand.u32 $0x7, s13;
	s16 =	sor.u32 s17, s16;
	s17 =	sadd.s32 s3, s30  }
0x11: {  	s13 =	sshll.u32 s31, $0x12;
	s16 =	sshrl.u32 s16, $0x3;
	s12 =	sadd.s32 s12, s17  }
0x12: {  	[tilespmem:s15+$0x0 ss:$0x81] =	vst.msk $0xffff, v0;
	s13 =	sor.u32 $0x400, s13;
	s12 =	sadd.s32 s16, s12  }
0x13: {  	[hbm4b:s12+s13] =	stream.strided.scatter [tilespmem:s14], [sflag:$0x2], $0x1000, s8, s13, $0x20;
	[tilespmem:$0x4040] =	vst v63  }
.LBB1_5:
0x14: {  	s14 =	sadd.s32 $0x1, s9  }
0x15: {  	s12 =	sadd.s32 $0x1000, s10;
	s16 =	smov.u32 s10;
	p2 =	sgt.s32 s14, $0x19  }
0x16: {  	s16 =	smov.u32 @p2 s12  }
0x17: {  	s14 =	simm.s32 @p2 $0x0;
	p2 =	sgt.s32 s16, $0x3FFF  }
0x18: {  	s16 =	smov.u32 @p2 s2;
	p2 =	sne.s32 s11, s7  }
.Ltmp1:
0x19: {  	p1 =	slt.u32 s11, $0x2;
	(pc) =	sbr.rel @!p2 .LBB1_6-.Ltmp1, $4  }
0x1a: {  	s15 =	simm.s32 @!p1 $0x2  }
0x1b: {  	s13 =	smov.u32 s10;
	p0 =	por !p0, !p0;
	_ =	swait.ge @!p1 [sflag:s15], $0x1000  }
0x1c: {  	s12 =	smov.u32 s9;
	[sflag:s15] =	ssyncset.done @!p1 $0x0;
	s9 =	smov.u32 s14  }
0x1d: {  	s11 =	sadd.s32 $0x1, s11;
	[sflag:s15] =	ssyncadd.s32 @!p1 $0xFFFFF000;
	s10 =	smov.u32 s16  }
.LBB1_1:
0x1e: {  	p1 =	sge.u32 s11, s5  }
0x1f: {  	s31 =	sadd.s32 $0xFFFFFFFF, s11;
	s14 =	sxor.u32 @!p1 $0xFFFFFFFF, s11  }
0x20: {  	s15 =	sshll.u32 @!p1 s10, $0x9;
	s16 =	sshll.u32 @!p1 s9, $0x4;
	s17 =	simm.s32 @!p1 $0x1000  }
0x21: {  	s14 =	sshll.u32 @!p1 s14, $0xC;
	s16 =	sand.u32 @!p1 $0x1F0, s16;
	s15 =	sadd.s32 @!p1 s6, s15  }
0x22: {  	s14 =	sand.u32 @!p1 $0x1000, s14;
	s15 =	sadd.s32 @!p1 s16, s15;
	s16 =	simm.s32 @!p1 $0x20  }
0x23: {  	[tilespmem:s14], [sflag:$0x1] =	stream.strided.gather @!p1 [hbm4b:s15+s16], $0x1000, s17, s16, $0x38;
	[tilespmem:$0x4040] =	vst v63  }
0x24: {  	p1 =	sge.u32 s31, s5  }
.Ltmp2:
0x25: {  	_ = 	snop;
	(pc) =	sbr.rel @p1 .LBB1_5-.Ltmp2, $1  }
0x26: {  	_ =	sdelay $0x3  }
0x27: {  	s14 =	simm.s32 $0x1  }
0x28: {  	_ =	swait.ge [sflag:s4], $0x1000;
	s14 =	simm.s32 @!p0 $0x0  }
0x29: {  	[sflag:s4] =	ssyncset.done $0x0;
	s15 =	sshll.u32 s14, $0xC  }
0x2a: {  	[sflag:s4] =	ssyncadd.s32 $0xFFFFF000;
	s18 =	sor.u32 $0x10, s15  }
0x2b: {  	s14 =	smul.u32 $0x4080, s14;
	v1 =	vld [tilespmem:s18+$0x0]  }
0x2c: {  	s30 =	sand.u32 $0x1, s11;
	v0 =	vld [tilespmem:s18+$0xFFFFFFF0]  }
0x2d: {  	s15 =	smul.u32 $0x4080, s30;
	s14 =	sshrl.u32 s14, $0x2  }
0x2e: {  	s16 =	sor.u32 $0x2000, s14  }
0x2f: {  	s31 =	sshrl.u32 s15, $0x2;
	s15 =	sadd.s32 $0x0, s16  }
0x30: {  	s17 =	simm.s32 $0x4;
	s18 =	sadd.s32 $0x20, s18;
	s14 =	sor.u32 $0x2000, s31;
	[tilespmem:s15+$0x810 ss:$0x81] =	vst.msk $0xffff, v1  }
.LBB1_3:
0x31: {  	v1 =	vld [tilespmem:s18+$0x0];
	p1 =	sne.s32 s17, $0x1FC;
	[tilespmem:s15+$0x0 ss:$0x81] =	vst.msk $0xffff, v0;
	s15 =	smov.u32 s17;
	s17 =	sadd.s32 $0x4, s17  }
.Ltmp3:
0x32: {  	v0 =	vld [tilespmem:s18+$0xFFFFFFF0];
	(pc) =	sbr.rel @p1 .LBB1_3-.Ltmp3, $4  }
0x33: {  	_ = 	snop  }
0x34: {  	s15 =	sshra.s32 s15, $0x2  }
0x35: {  	s15 =	sadd.s32 s15, s16  }
0x36: {  	s18 =	sadd.s32 $0x20, s18;
	[tilespmem:s15+$0x810 ss:$0x81] =	vst.msk $0xffff, v1  }
.Ltmp4:
0x37: {  	_ = 	snop;
	(pc) =	sbr.rel .LBB1_4-.Ltmp4, $1  }
0x38: {  	_ =	sdelay $0x3  }
.LBB1_6:
0x39: {  	_ =	sfence.sel $0x180000  }
0x3a: {  	s2 =	simm.s32 $0x1;
	[bflag:$0x0] =	sbarrier.arrive $0xFFFF  }
0x3b: {  	s31 =	simm.s32 $0x2;
	[sflag:s2] =	ssyncpa.u1 $0x1  }
0x3c: {  	[sflag:s31] =	ssyncpa.u1 $0x1  }
0x3d: {  	p0 =	sne.s32 s0, $0x0;
	_ =	strace $0x9000004A  }
0x3e: {  	s0 =	sadd.s32 @!p0 $0x100000, s1;
	[bflag:$0x2] =	sbarrier.arrive $0xFFFF  }
0x3f: {  	[sflag:s0] =	ssyncadd.tile.s32 @!p0 $0x1;
	_ =	shalt  }
.Lfunc_end1:
_tile_overlayer_lowered:
.L_overlay_start_2:
0x40: {  	(tag) =	ssettag $0x2  }
0x41: {  	s0 =	rddreg [dreg:$0x0];
	s2 =	stileid.u32  }
0x42: {  	s1 =	rddreg [dreg:$0x1];
	p0 =	sne.s32 s2, $0x0  }
0x43: {  	s3 =	rddreg [dreg:$0x2];
	[bflag:$0x3] =	sbarrier.arrive $0xFFFF;
	s2 =	simm.s32 @!p0 $0x1C01  }
0x44: {  	[timem:s3], [sflag:s2] =	dma.local @!p0 [hbm:s0], s1  }
0x45: {  	s0 =	simm.s32 @!p0 $0x1  }
0x46: {  	_ =	swait.ge @!p0 [sflag:s0], s1  }
0x47: {  	s1 =	ssub.s32 @!p0 $0x0, s1;
	[sflag:s0] =	ssyncset.done @!p0 $0x0  }
0x48: {  	[sflag:s0] =	ssyncadd.s32 @!p0 s1  }
0x49: {  	[bflag:$0x3] =	sbarrier.arrive $0xFFFF  }
0x4a: {  	_ =	shalt  }

</sc_bundles>
